<compile_context>
chip_gen: v7x
topology: tpu7x:2x2x1
jax: 0.10.2.dev20260603
libtpu: 0.0.44.dev20260713+nightly
codegen_flags: <defaults>
</compile_context>

<pallas_src>
import jax
import jax.numpy as jnp
from jax import lax
from jax.experimental import pallas as pl
from jax.experimental.pallas import tpu as pltpu
from jax.experimental.pallas import tpu_sc as plsc

N_NODES = 10000
N_PAD = 10240
D = 128
N_EDGES = 320000
NC, NS = 2, 16
CHUNKS, CHUNK = 125, 80
GROUPS = 5
GCHUNKS = CHUNKS // GROUPS
ROWS_PER_TILE = N_PAD // NS
BLK = 1000


def _mesh():
    return plsc.VectorSubcoreMesh(
        core_axis_name="c", subcore_axis_name="s", num_cores=NC, num_subcores=NS
    )


def _zero_vmem_2d(ref, rows):
    @pl.loop(0, rows)
    def _(r):
        @pl.loop(0, D // 16)
        def _(c):
            ref[r, pl.ds(c * 16, 16)] = jnp.zeros((16,), jnp.float32)


def _deg_body(ei_hbm, deg_out, dsti_v, ones_v, zrow_v, dsem, deg_sh):
    cid = lax.axis_index("c")
    sid = lax.axis_index("s")
    base = pl.multiple_of(sid * ROWS_PER_TILE, ROWS_PER_TILE)

    @pl.loop(0, ROWS_PER_TILE // 16)
    def _(i):
        zrow_v[pl.ds(i * 16, 16)] = jnp.zeros((16,), jnp.float32)

    pltpu.sync_copy(zrow_v, deg_sh.at[pl.ds(base, ROWS_PER_TILE)])
    for g in range(GROUPS):
        pltpu.sync_copy(
            ei_hbm.at[1, cid, sid, g], dsti_v.at[pl.ds(g * GCHUNKS, GCHUNKS)]
        )

    @pl.loop(0, CHUNK // 16)
    def _(i):
        ones_v[pl.ds(i * 16, 16)] = jnp.full((16,), 1.0, jnp.float32)

    plsc.subcore_barrier()

    W_DEG = 8

    def dscat(j):
        pltpu.async_copy(ones_v, deg_sh.at[dsti_v.at[j]], dsem, add=True)

    def dwait(j):
        pltpu.make_async_copy(ones_v, deg_sh.at[dsti_v.at[j]], dsem).wait()

    for j in range(W_DEG):
        dscat(j)

    @pl.loop(W_DEG, CHUNKS)
    def _(j):
        dscat(j)
        dwait(j - W_DEG)

    @pl.loop(CHUNKS - W_DEG, CHUNKS)
    def _(j):
        dwait(j)

    plsc.subcore_barrier()
    pltpu.sync_copy(
        deg_sh.at[pl.ds(base, ROWS_PER_TILE)],
        deg_out.at[cid, pl.ds(base, ROWS_PER_TILE)],
    )


def _sc_deg(ei6):
    fn = pl.kernel(
        _deg_body,
        out_type=jax.ShapeDtypeStruct((NC, N_PAD), jnp.float32),
        mesh=_mesh(),
        scratch_types=[
            pltpu.VMEM((CHUNKS, CHUNK), jnp.int32),
            pltpu.VMEM((CHUNK,), jnp.float32),
            pltpu.VMEM((ROWS_PER_TILE,), jnp.float32),
            pltpu.SemaphoreType.DMA,
            pltpu.VMEM_SHARED((N_PAD,), jnp.float32),
        ],
    )
    return fn(ei6)


def _prop_body(h2_hbm, ei_hbm, acc_out, srci_v, dsti_v, rows, gsems, acc_sh):
    cid = lax.axis_index("c")
    sid = lax.axis_index("s")
    base = pl.multiple_of(sid * ROWS_PER_TILE, ROWS_PER_TILE)

    _zero_vmem_2d(rows.at[0], CHUNK)

    @pl.loop(0, ROWS_PER_TILE // CHUNK)
    def _(i):
        pltpu.sync_copy(rows.at[0], acc_sh.at[pl.ds(base + i * CHUNK, CHUNK), :])

    plsc.subcore_barrier()

    def gather(j, k):
        pltpu.async_copy(h2_hbm.at[srci_v.at[j]], rows.at[k], gsems.at[k])

    def gather_wait(j, k):
        pltpu.make_async_copy(h2_hbm.at[srci_v.at[j]], rows.at[k], gsems.at[k]).wait()

    def scatter(j, k):
        pltpu.sync_copy(rows.at[k], acc_sh.at[dsti_v.at[j]], add=True)

    @pl.loop(0, GROUPS)
    def _(g):
        pltpu.sync_copy(ei_hbm.at[0, cid, sid, g], srci_v)
        pltpu.sync_copy(ei_hbm.at[1, cid, sid, g], dsti_v)
        gather(0, 0)
        gather(1, 1)
        gather(2, 2)

        @pl.loop(0, GCHUNKS // 5)
        def _(tt):
            jb = 4 * tt

            def step(o):
                j = jb + o
                gather(j + 3, (o + 3) % 4)
                gather_wait(j, o)
                scatter(j, o)

            step(0)
            step(1)
            step(2)
            step(3)

        jb = GCHUNKS - 5
        gather(jb + 3, (jb + 3) % 4)
        gather_wait(jb, jb % 4)
        scatter(jb, jb % 4)
        gather(jb + 4, (jb + 4) % 4)
        gather_wait(jb + 1, (jb + 1) % 4)
        scatter(jb + 1, (jb + 1) % 4)
        gather_wait(jb + 2, (jb + 2) % 4)
        scatter(jb + 2, (jb + 2) % 4)
        gather_wait(jb + 3, (jb + 3) % 4)
        scatter(jb + 3, (jb + 3) % 4)
        gather_wait(jb + 4, (jb + 4) % 4)
        scatter(jb + 4, (jb + 4) % 4)

    plsc.subcore_barrier()
    pltpu.sync_copy(
        acc_sh.at[pl.ds(base, ROWS_PER_TILE), :],
        acc_out.at[cid, pl.ds(base, ROWS_PER_TILE), :],
    )


def _sc_prop(h2, ei6):
    fn = pl.kernel(
        _prop_body,
        out_type=jax.ShapeDtypeStruct((NC, N_PAD, D), jnp.float32),
        mesh=_mesh(),
        scratch_types=[
            pltpu.VMEM((GCHUNKS, CHUNK), jnp.int32),
            pltpu.VMEM((GCHUNKS, CHUNK), jnp.int32),
            pltpu.VMEM((4, CHUNK, D), jnp.float32),
            pltpu.SemaphoreType.DMA((4,)),
            pltpu.VMEM_SHARED((N_PAD, D), jnp.float32),
        ],
    )
    return fn(h2, ei6)


def _xform_body(x_ref, w_ref, dp_ref, h2_ref, dis_ref):
    deg = dp_ref[0] + dp_ref[1] + 1.0
    dis = lax.rsqrt(deg)
    dis_ref[...] = dis
    h = jnp.dot(x_ref[...], w_ref[...], preferred_element_type=jnp.float32)
    h2_ref[...] = h * dis


def _tc_xform(x, W, dp):
    return pl.pallas_call(
        _xform_body,
        grid=(N_NODES // BLK,),
        in_specs=[
            pl.BlockSpec((BLK, D), lambda i: (i, 0)),
            pl.BlockSpec((D, D), lambda i: (0, 0)),
            pl.BlockSpec((NC, BLK, 1), lambda i: (0, i, 0)),
        ],
        out_specs=[
            pl.BlockSpec((BLK, D), lambda i: (i, 0)),
            pl.BlockSpec((BLK, 1), lambda i: (i, 0)),
        ],
        out_shape=[
            jax.ShapeDtypeStruct((N_NODES, D), jnp.float32),
            jax.ShapeDtypeStruct((N_NODES, 1), jnp.float32),
        ],
    )(x, W, dp)


def _final_body(acc_ref, h2_ref, dis_ref, b_ref, out_ref):
    s = acc_ref[0] + acc_ref[1] + h2_ref[...]
    out_ref[...] = jnp.maximum(s * dis_ref[...] + b_ref[...], 0.0)


def _tc_final(acc, h2, dis, b2):
    return pl.pallas_call(
        _final_body,
        grid=(N_NODES // BLK,),
        in_specs=[
            pl.BlockSpec((NC, BLK, D), lambda i: (0, i, 0)),
            pl.BlockSpec((BLK, D), lambda i: (i, 0)),
            pl.BlockSpec((BLK, 1), lambda i: (i, 0)),
            pl.BlockSpec((1, D), lambda i: (0, 0)),
        ],
        out_specs=pl.BlockSpec((BLK, D), lambda i: (i, 0)),
        out_shape=jax.ShapeDtypeStruct((N_NODES, D), jnp.float32),
    )(acc, h2, dis, b2)


@jax.jit
def _impl(x, edge_index, W, b):
    ei6 = edge_index.astype(jnp.int32).reshape(2, NC, NS, GROUPS, GCHUNKS, CHUNK)

    deg_parts = _sc_deg(ei6)
    h2, dis = _tc_xform(x, W, deg_parts[:, :, None])
    acc = _sc_prop(h2, ei6)
    return _tc_final(acc, h2, dis, b.reshape(1, D))


def kernel(x, edge_index, W, b):
    return _impl(x, edge_index, W, b)

# --- scband reference (transcript-rebuilt; emitter-appended) ---
"""Pipeline reference for scband-crd-2310692405648 (READ-ONLY COPY).

The authoritative reference and input builder live on the scoring server;
editing this copy changes nothing except your own understanding.
"""

import jax, jax.numpy as jnp
import numpy as np

N_NODES = 10000
D_IN = 128
D_OUT = 128
N_EDGES = 320000


def setup_inputs(seed: int = 0) -> dict:
    key = jax.random.key(seed)
    k1, k2, k3, k4 = jax.random.split(key, 4)
    x = jax.random.normal(k1, (N_NODES, D_IN), dtype=jnp.float32)
    edge_index = jax.random.randint(k2, (2, N_EDGES), 0, N_NODES, dtype=jnp.int64)
    # GCNConv learned params (glorot weight, zero bias like PyG defaults)
    limit = np.sqrt(6.0 / (D_IN + D_OUT))
    W = jax.random.uniform(k3, (D_IN, D_OUT), dtype=jnp.float32, minval=-limit, maxval=limit)
    b = jnp.zeros((D_OUT,), dtype=jnp.float32)
    return {"x": x, "edge_index": edge_index, "W": W, "b": b}


def reference(x, edge_index, W, b):
    # CRD.forward: x = relu(GCNConv(x, edge_index)); dropout(p=0.5, training=False) -> identity in eval
    N = x.shape[0]
    src = edge_index[0]
    dst = edge_index[1]
    # add self-loops (GCNConv default add_self_loops=True)
    loop = jnp.arange(N, dtype=src.dtype)
    src = jnp.concatenate([src, loop], axis=0)
    dst = jnp.concatenate([dst, loop], axis=0)
    # symmetric normalization: deg computed over destination (col) with unit edge weights
    deg = jnp.zeros((N,), dtype=x.dtype).at[dst].add(1.0)
    deg_inv_sqrt = jnp.where(deg > 0, jax.lax.rsqrt(jnp.maximum(deg, 1e-12)), 0.0)
    norm = deg_inv_sqrt[src] * deg_inv_sqrt[dst]
    # linear transform then propagate (gather -> scale -> scatter-add)
    h = x @ W
    msg = h[src] * norm[:, None]
    out = jnp.zeros((N, h.shape[1]), dtype=h.dtype).at[dst].add(msg)
    out = out + b
    return jax.nn.relu(out)

if __name__ == "__main__":
    import jax
    _d = setup_inputs()
    print(jax.jit(kernel)(*tuple(_d.values())))

</pallas_src>

<mosaic_0001>
#map = affine_map<(d0, d1) -> (0, 0)>
#map1 = affine_map<(d0, d1) -> (0, 0, 0, 0, 0, 0)>
#map2 = affine_map<(d0, d1) -> (0, 0, 0)>
module attributes {stable_mosaic.version = 14 : i64} {
  func.func @_prop_body(%arg0: i32, %arg1: i32, %arg2: memref<10000x128xf32, #tpu.memory_space<hbm>>, %arg3: memref<2x2x16x5x25x80xi32, #tpu.memory_space<hbm>>, %arg4: memref<2x10240x128xf32, #tpu.memory_space<hbm>>, %arg5: memref<25x80xi32, #tpu.memory_space<vmem>>, %arg6: memref<25x80xi32, #tpu.memory_space<vmem>>, %arg7: memref<4x80x128xf32, #tpu.memory_space<vmem>>, %arg8: memref<4x!tpu.dma_semaphore, #tpu.memory_space<semaphore_mem>>, %arg9: memref<10240x128xf32, #tpu.memory_space<vmem_shared>>) attributes {dimension_semantics = [#tpu.dimension_semantics<core_parallel>, #tpu.dimension_semantics<subcore_parallel>], iteration_bounds = array<i64: 2, 16>, scalar_prefetch = 0 : i64, scratch_operands = 5 : i64, tpu.core_type = #tpu.core_type<sc_vector_subcore>, window_params = [{transform_indices = #map}, {transform_indices = #map1}, {transform_indices = #map2}]} {
    %mul3A = arith.constant 640 : i32
    %mul3A_0 = arith.muli %arg1, %mul3A : i32
    %multiple_of3A = tpu.assume_multiple %mul3A_0, 640 : i32
    %scan3A = arith.constant 0 : i32
    %scan3A_1 = arith.constant 0 : i32
    %scan3A_2 = arith.constant 80 : i32
    %scan3A_3 = arith.addi %scan3A_1, %scan3A_2 : i32
    %scan3A_4 = arith.constant 1 : i32
    scf.for %scan3A_17 = %scan3A_1 to %scan3A_3 step %scan3A_4  : i32 {
      %mul3A_18 = arith.constant 1 : i32
      %mul3A_19 = arith.muli %scan3A_17, %mul3A_18 : i32
      %add3A = arith.constant 0 : i32
      %add3A_20 = arith.addi %add3A, %mul3A_19 : i32
      %scan3A_21 = arith.constant 0 : i32
      %scan3A_22 = arith.constant 8 : i32
      %scan3A_23 = arith.addi %scan3A_21, %scan3A_22 : i32
      %scan3A_24 = arith.constant 1 : i32
      scf.for %scan3A_26 = %scan3A_21 to %scan3A_23 step %scan3A_24  : i32 {
        %mul3A_27 = arith.constant 1 : i32
        %mul3A_28 = arith.muli %scan3A_26, %mul3A_27 : i32
        %add3A_29 = arith.constant 0 : i32
        %add3A_30 = arith.addi %add3A_29, %mul3A_28 : i32
        %broadcast_in_dim3A = arith.constant 0.000000e+00 : f32
        %broadcast_in_dim3A_31 = vector.broadcast %broadcast_in_dim3A : f32 to vector<16xf32>
        %mul3A_32 = arith.constant 16 : i32
        %mul3A_33 = arith.muli %add3A_30, %mul3A_32 : i32
        %swap3A = arith.constant 0 : i32
        %swap3A_34 = arith.constant 0 : i32
        %swap3A_35 = tpu.memref_slice %arg7[%scan3A, %swap3A, %swap3A_34] : memref<4x80x128xf32, #tpu.memory_space<vmem>> -> memref<1x80x128xf32, #tpu.memory_space<vmem>>
        %swap3A_36 = tpu.memref_squeeze %swap3A_35 : memref<1x80x128xf32, #tpu.memory_space<vmem>> -> memref<80x128xf32, #tpu.memory_space<vmem>>
        %swap3A_37 = arith.index_cast %add3A_20 : i32 to index
        %swap3A_38 = arith.index_cast %mul3A_33 : i32 to index
        %swap3A_39 = tpu.vector_load %swap3A_36[%swap3A_37, %swap3A_38] {strides = array<i32>} : memref<80x128xf32, #tpu.memory_space<vmem>>, vector<1x16xf32>,
        %swap3A_40 = vector.shape_cast %swap3A_39 : vector<1x16xf32> to vector<16xf32>
        %swap3A_41 = vector.shape_cast %broadcast_in_dim3A_31 : vector<16xf32> to vector<1x16xf32>
        tpu.vector_store %swap3A_36[%swap3A_37, %swap3A_38], %swap3A_41 {strides = array<i32>} : memref<80x128xf32, #tpu.memory_space<vmem>>, vector<1x16xf32>,
      }
      %scan3A_25 = arith.constant 8 : i32
    }
    %scan3A_5 = arith.constant 80 : i32
    %scan3A_6 = arith.constant 0 : i32
    %scan3A_7 = arith.constant 8 : i32
    %scan3A_8 = arith.addi %scan3A_6, %scan3A_7 : i32
    %scan3A_9 = arith.constant 1 : i32
    scf.for %scan3A_17 = %scan3A_6 to %scan3A_8 step %scan3A_9  : i32 {
      %mul3A_18 = arith.constant 1 : i32
      %mul3A_19 = arith.muli %scan3A_17, %mul3A_18 : i32
      %add3A = arith.constant 0 : i32
      %add3A_20 = arith.addi %add3A, %mul3A_19 : i32
      %mul3A_21 = arith.constant 80 : i32
      %mul3A_22 = arith.muli %add3A_20, %mul3A_21 : i32
      %add3A_23 = arith.addi %multiple_of3A, %mul3A_22 : i32
      %run_scoped3A = arith.constant 0 : i32
      "tpu.region"() ({
        %run_scoped3A_24 = tpu.sem_alloc : memref<!tpu.dma_semaphore, #tpu.memory_space<semaphore_mem>>
        %dma_start3A = arith.constant 0 : i32
        %dma_start3A_25 = arith.constant 0 : i32
        %dma_start3A_26 = tpu.memref_slice %arg7[%run_scoped3A, %dma_start3A, %dma_start3A_25] : memref<4x80x128xf32, #tpu.memory_space<vmem>> -> memref<1x80x128xf32, #tpu.memory_space<vmem>>
        %dma_start3A_27 = tpu.memref_squeeze %dma_start3A_26 : memref<1x80x128xf32, #tpu.memory_space<vmem>> -> memref<80x128xf32, #tpu.memory_space<vmem>>
        %dma_start3A_28 = arith.constant 0 : i32
        %dma_start3A_29 = tpu.memref_slice %arg9[%add3A_23, %dma_start3A_28] : memref<10240x128xf32, #tpu.memory_space<vmem_shared>> -> memref<80x128xf32, #tpu.memory_space<vmem_shared>>
        %dma_start3A_30 = arith.constant 0 : i32
        %dma_start3A_31 = tpu.memref_slice %arg9[%add3A_23, %dma_start3A_30] : memref<10240x128xf32, #tpu.memory_space<vmem_shared>> -> memref<80x128xf32, #tpu.memory_space<vmem_shared>>
        %dma_start3A_32 = arith.constant 0 : i32
        %dma_start3A_33 = arith.constant 0 : i32
        %dma_start3A_34 = tpu.memref_slice %arg7[%run_scoped3A, %dma_start3A_32, %dma_start3A_33] : memref<4x80x128xf32, #tpu.memory_space<vmem>> -> memref<1x80x128xf32, #tpu.memory_space<vmem>>
        %dma_start3A_35 = tpu.memref_squeeze %dma_start3A_34 : memref<1x80x128xf32, #tpu.memory_space<vmem>> -> memref<80x128xf32, #tpu.memory_space<vmem>>
        tpu.enqueue_dma source(%dma_start3A_35 : memref<80x128xf32, #tpu.memory_space<vmem>>) target(%dma_start3A_31 : memref<80x128xf32, #tpu.memory_space<vmem_shared>>) target_semaphore(%run_scoped3A_24 : memref<!tpu.dma_semaphore, #tpu.memory_space<semaphore_mem>>)
        %dma_wait3A = arith.constant 0 : i32
        %dma_wait3A_36 = arith.constant 0 : i32
        %dma_wait3A_37 = tpu.memref_slice %arg7[%run_scoped3A, %dma_wait3A, %dma_wait3A_36] : memref<4x80x128xf32, #tpu.memory_space<vmem>> -> memref<1x80x128xf32, #tpu.memory_space<vmem>>
        %dma_wait3A_38 = tpu.memref_squeeze %dma_wait3A_37 : memref<1x80x128xf32, #tpu.memory_space<vmem>> -> memref<80x128xf32, #tpu.memory_space<vmem>>
        %dma_wait3A_39 = arith.constant 0 : i32
        %dma_wait3A_40 = tpu.memref_slice %arg9[%add3A_23, %dma_wait3A_39] : memref<10240x128xf32, #tpu.memory_space<vmem_shared>> -> memref<80x128xf32, #tpu.memory_space<vmem_shared>>
        %dma_wait3A_41 = arith.constant 0 : i32
        %dma_wait3A_42 = tpu.memref_slice %arg9[%add3A_23, %dma_wait3A_41] : memref<10240x128xf32, #tpu.memory_space<vmem_shared>> -> memref<80x128xf32, #tpu.memory_space<vmem_shared>>
        %dma_wait3A_43 = arith.constant 0 : i32
        %dma_wait3A_44 = arith.constant 0 : i32
        %dma_wait3A_45 = tpu.memref_slice %arg7[%run_scoped3A, %dma_wait3A_43, %dma_wait3A_44] : memref<4x80x128xf32, #tpu.memory_space<vmem>> -> memref<1x80x128xf32, #tpu.memory_space<vmem>>
        %dma_wait3A_46 = tpu.memref_squeeze %dma_wait3A_45 : memref<1x80x128xf32, #tpu.memory_space<vmem>> -> memref<80x128xf32, #tpu.memory_space<vmem>>
        tpu.wait_dma2 semaphore(%run_scoped3A_24 : memref<!tpu.dma_semaphore, #tpu.memory_space<semaphore_mem>>) src(%dma_wait3A_46 : memref<80x128xf32, #tpu.memory_space<vmem>>) dst(%dma_wait3A_42 : memref<80x128xf32, #tpu.memory_space<vmem_shared>>)
        tpu.yield
      }) : () -> ()
    }
    %scan3A_10 = arith.constant 8 : i32
    %barrier3A = arith.constant 0 : index
    tpu.barrier barrier_id(%barrier3A)
    %scan3A_11 = arith.constant 0 : i32
    %scan3A_12 = arith.constant 5 : i32
    %scan3A_13 = arith.addi %scan3A_11, %scan3A_12 : i32
    %scan3A_14 = arith.constant 1 : i32
    scf.for %scan3A_17 = %scan3A_11 to %scan3A_13 step %scan3A_14  : i32 {
      %mul3A_18 = arith.constant 1 : i32
      %mul3A_19 = arith.muli %scan3A_17, %mul3A_18 : i32
      %add3A = arith.constant 0 : i32
      %add3A_20 = arith.addi %add3A, %mul3A_19 : i32
      %run_scoped3A = arith.constant 0 : i32
      "tpu.region"() ({
        %run_scoped3A_185 = tpu.sem_alloc : memref<!tpu.dma_semaphore, #tpu.memory_space<semaphore_mem>>
        %dma_start3A_186 = arith.constant 0 : i32
        %dma_start3A_187 = arith.constant 0 : i32
        %dma_start3A_188 = tpu.memref_slice %arg3[%run_scoped3A, %arg0, %arg1, %add3A_20, %dma_start3A_186, %dma_start3A_187] : memref<2x2x16x5x25x80xi32, #tpu.memory_space<hbm>> -> memref<1x1x1x1x25x80xi32, #tpu.memory_space<hbm>>
        %dma_start3A_189 = tpu.memref_squeeze %dma_start3A_188 : memref<1x1x1x1x25x80xi32, #tpu.memory_space<hbm>> -> memref<25x80xi32, #tpu.memory_space<hbm>>
        %dma_start3A_190 = arith.constant 0 : i32
        %dma_start3A_191 = arith.constant 0 : i32
        %dma_start3A_192 = tpu.memref_slice %arg3[%run_scoped3A, %arg0, %arg1, %add3A_20, %dma_start3A_190, %dma_start3A_191] : memref<2x2x16x5x25x80xi32, #tpu.memory_space<hbm>> -> memref<1x1x1x1x25x80xi32, #tpu.memory_space<hbm>>
        %dma_start3A_193 = tpu.memref_squeeze %dma_start3A_192 : memref<1x1x1x1x25x80xi32, #tpu.memory_space<hbm>> -> memref<25x80xi32, #tpu.memory_space<hbm>>
        tpu.enqueue_dma source(%dma_start3A_193 : memref<25x80xi32, #tpu.memory_space<hbm>>) target(%arg5 : memref<25x80xi32, #tpu.memory_space<vmem>>) target_semaphore(%run_scoped3A_185 : memref<!tpu.dma_semaphore, #tpu.memory_space<semaphore_mem>>)
        %dma_wait3A_194 = arith.constant 0 : i32
        %dma_wait3A_195 = arith.constant 0 : i32
        %dma_wait3A_196 = tpu.memref_slice %arg3[%run_scoped3A, %arg0, %arg1, %add3A_20, %dma_wait3A_194, %dma_wait3A_195] : memref<2x2x16x5x25x80xi32, #tpu.memory_space<hbm>> -> memref<1x1x1x1x25x80xi32, #tpu.memory_space<hbm>>
        %dma_wait3A_197 = tpu.memref_squeeze %dma_wait3A_196 : memref<1x1x1x1x25x80xi32, #tpu.memory_space<hbm>> -> memref<25x80xi32, #tpu.memory_space<hbm>>
        %dma_wait3A_198 = arith.constant 0 : i32
        %dma_wait3A_199 = arith.constant 0 : i32
        %dma_wait3A_200 = tpu.memref_slice %arg3[%run_scoped3A, %arg0, %arg1, %add3A_20, %dma_wait3A_198, %dma_wait3A_199] : memref<2x2x16x5x25x80xi32, #tpu.memory_space<hbm>> -> memref<1x1x1x1x25x80xi32, #tpu.memory_space<hbm>>
        %dma_wait3A_201 = tpu.memref_squeeze %dma_wait3A_200 : memref<1x1x1x1x25x80xi32, #tpu.memory_space<hbm>> -> memref<25x80xi32, #tpu.memory_space<hbm>>
        tpu.wait_dma2 semaphore(%run_scoped3A_185 : memref<!tpu.dma_semaphore, #tpu.memory_space<semaphore_mem>>) src(%dma_wait3A_201 : memref<25x80xi32, #tpu.memory_space<hbm>>) dst(%arg5 : memref<25x80xi32, #tpu.memory_space<vmem>>)
        tpu.yield
      }) : () -> ()
      %run_scoped3A_21 = arith.constant 1 : i32
      "tpu.region"() ({
        %run_scoped3A_185 = tpu.sem_alloc : memref<!tpu.dma_semaphore, #tpu.memory_space<semaphore_mem>>
        %dma_start3A_186 = arith.constant 0 : i32
        %dma_start3A_187 = arith.constant 0 : i32
        %dma_start3A_188 = tpu.memref_slice %arg3[%run_scoped3A_21, %arg0, %arg1, %add3A_20, %dma_start3A_186, %dma_start3A_187] : memref<2x2x16x5x25x80xi32, #tpu.memory_space<hbm>> -> memref<1x1x1x1x25x80xi32, #tpu.memory_space<hbm>>
        %dma_start3A_189 = tpu.memref_squeeze %dma_start3A_188 : memref<1x1x1x1x25x80xi32, #tpu.memory_space<hbm>> -> memref<25x80xi32, #tpu.memory_space<hbm>>
        %dma_start3A_190 = arith.constant 0 : i32
        %dma_start3A_191 = arith.constant 0 : i32
        %dma_start3A_192 = tpu.memref_slice %arg3[%run_scoped3A_21, %arg0, %arg1, %add3A_20, %dma_start3A_190, %dma_start3A_191] : memref<2x2x16x5x25x80xi32, #tpu.memory_space<hbm>> -> memref<1x1x1x1x25x80xi32, #tpu.memory_space<hbm>>
        %dma_start3A_193 = tpu.memref_squeeze %dma_start3A_192 : memref<1x1x1x1x25x80xi32, #tpu.memory_space<hbm>> -> memref<25x80xi32, #tpu.memory_space<hbm>>
        tpu.enqueue_dma source(%dma_start3A_193 : memref<25x80xi32, #tpu.memory_space<hbm>>) target(%arg6 : memref<25x80xi32, #tpu.memory_space<vmem>>) target_semaphore(%run_scoped3A_185 : memref<!tpu.dma_semaphore, #tpu.memory_space<semaphore_mem>>)
        %dma_wait3A_194 = arith.constant 0 : i32
        %dma_wait3A_195 = arith.constant 0 : i32
        %dma_wait3A_196 = tpu.memref_slice %arg3[%run_scoped3A_21, %arg0, %arg1, %add3A_20, %dma_wait3A_194, %dma_wait3A_195] : memref<2x2x16x5x25x80xi32, #tpu.memory_space<hbm>> -> memref<1x1x1x1x25x80xi32, #tpu.memory_space<hbm>>
        %dma_wait3A_197 = tpu.memref_squeeze %dma_wait3A_196 : memref<1x1x1x1x25x80xi32, #tpu.memory_space<hbm>> -> memref<25x80xi32, #tpu.memory_space<hbm>>
        %dma_wait3A_198 = arith.constant 0 : i32
        %dma_wait3A_199 = arith.constant 0 : i32
        %dma_wait3A_200 = tpu.memref_slice %arg3[%run_scoped3A_21, %arg0, %arg1, %add3A_20, %dma_wait3A_198, %dma_wait3A_199] : memref<2x2x16x5x25x80xi32, #tpu.memory_space<hbm>> -> memref<1x1x1x1x25x80xi32, #tpu.memory_space<hbm>>
        %dma_wait3A_201 = tpu.memref_squeeze %dma_wait3A_200 : memref<1x1x1x1x25x80xi32, #tpu.memory_space<hbm>> -> memref<25x80xi32, #tpu.memory_space<hbm>>
        tpu.wait_dma2 semaphore(%run_scoped3A_185 : memref<!tpu.dma_semaphore, #tpu.memory_space<semaphore_mem>>) src(%dma_wait3A_201 : memref<25x80xi32, #tpu.memory_space<hbm>>) dst(%arg6 : memref<25x80xi32, #tpu.memory_space<vmem>>)
        tpu.yield
      }) : () -> ()
      %dma_start3A = arith.constant 0 : i32
      %dma_start3A_22 = arith.constant 0 : i32
      %dma_start3A_23 = arith.constant 0 : i32
      %dma_start3A_24 = arith.constant 0 : i32
      %dma_start3A_25 = arith.constant 0 : i32
      %dma_start3A_26 = tpu.memref_slice %arg7[%dma_start3A_22, %dma_start3A_24, %dma_start3A_25] : memref<4x80x128xf32, #tpu.memory_space<vmem>> -> memref<1x80x128xf32, #tpu.memory_space<vmem>>
      %dma_start3A_27 = tpu.memref_squeeze %dma_start3A_26 : memref<1x80x128xf32, #tpu.memory_space<vmem>> -> memref<80x128xf32, #tpu.memory_space<vmem>>
      %dma_start3A_28 = arith.constant 0 : i32
      %dma_start3A_29 = tpu.memref_slice %arg5[%dma_start3A, %dma_start3A_28] : memref<25x80xi32, #tpu.memory_space<vmem>> -> memref<1x80xi32, #tpu.memory_space<vmem>>
      %dma_start3A_30 = tpu.memref_squeeze %dma_start3A_29 : memref<1x80xi32, #tpu.memory_space<vmem>> -> memref<80xi32, #tpu.memory_space<vmem>>
      %dma_start3A_31 = arith.constant 0 : i32
      %dma_start3A_32 = arith.constant 0 : i32
      %dma_start3A_33 = tpu.memref_slice %arg2[%dma_start3A_31, %dma_start3A_32] : memref<10000x128xf32, #tpu.memory_space<hbm>> -> memref<10000x128xf32, #tpu.memory_space<hbm>>
      %dma_start3A_34 = tpu.memref_slice %arg8[%dma_start3A_23] : memref<4x!tpu.dma_semaphore, #tpu.memory_space<semaphore_mem>> -> memref<1x!tpu.dma_semaphore, #tpu.memory_space<semaphore_mem>>
      %dma_start3A_35 = tpu.memref_squeeze %dma_start3A_34 : memref<1x!tpu.dma_semaphore, #tpu.memory_space<semaphore_mem>> -> memref<!tpu.dma_semaphore, #tpu.memory_space<semaphore_mem>>
      tpu.enqueue_indirect_dma source(%dma_start3A_33 : memref<10000x128xf32, #tpu.memory_space<hbm>>) target(%dma_start3A_27 : memref<80x128xf32, #tpu.memory_space<vmem>>) offsets(%dma_start3A_30 : memref<80xi32, #tpu.memory_space<vmem>>) semaphore(%dma_start3A_35 : memref<!tpu.dma_semaphore, #tpu.memory_space<semaphore_mem>>)
      %dma_start3A_36 = arith.constant 1 : i32
      %dma_start3A_37 = arith.constant 1 : i32
      %dma_start3A_38 = arith.constant 1 : i32
      %dma_start3A_39 = arith.constant 0 : i32
      %dma_start3A_40 = arith.constant 0 : i32
      %dma_start3A_41 = tpu.memref_slice %arg7[%dma_start3A_37, %dma_start3A_39, %dma_start3A_40] : memref<4x80x128xf32, #tpu.memory_space<vmem>> -> memref<1x80x128xf32, #tpu.memory_space<vmem>>
      %dma_start3A_42 = tpu.memref_squeeze %dma_start3A_41 : memref<1x80x128xf32, #tpu.memory_space<vmem>> -> memref<80x128xf32, #tpu.memory_space<vmem>>
      %dma_start3A_43 = arith.constant 0 : i32
      %dma_start3A_44 = tpu.memref_slice %arg5[%dma_start3A_36, %dma_start3A_43] : memref<25x80xi32, #tpu.memory_space<vmem>> -> memref<1x80xi32, #tpu.memory_space<vmem>>
      %dma_start3A_45 = tpu.memref_squeeze %dma_start3A_44 : memref<1x80xi32, #tpu.memory_space<vmem>> -> memref<80xi32, #tpu.memory_space<vmem>>
      %dma_start3A_46 = arith.constant 0 : i32
      %dma_start3A_47 = arith.constant 0 : i32
      %dma_start3A_48 = tpu.memref_slice %arg2[%dma_start3A_46, %dma_start3A_47] : memref<10000x128xf32, #tpu.memory_space<hbm>> -> memref<10000x128xf32, #tpu.memory_space<hbm>>
      %dma_start3A_49 = tpu.memref_slice %arg8[%dma_start3A_38] : memref<4x!tpu.dma_semaphore, #tpu.memory_space<semaphore_mem>> -> memref<1x!tpu.dma_semaphore, #tpu.memory_space<semaphore_mem>>
      %dma_start3A_50 = tpu.memref_squeeze %dma_start3A_49 : memref<1x!tpu.dma_semaphore, #tpu.memory_space<semaphore_mem>> -> memref<!tpu.dma_semaphore, #tpu.memory_space<semaphore_mem>>
      tpu.enqueue_indirect_dma source(%dma_start3A_48 : memref<10000x128xf32, #tpu.memory_space<hbm>>) target(%dma_start3A_42 : memref<80x128xf32, #tpu.memory_space<vmem>>) offsets(%dma_start3A_45 : memref<80xi32, #tpu.memory_space<vmem>>) semaphore(%dma_start3A_50 : memref<!tpu.dma_semaphore, #tpu.memory_space<semaphore_mem>>)
      %dma_start3A_51 = arith.constant 2 : i32
      %dma_start3A_52 = arith.constant 2 : i32
      %dma_start3A_53 = arith.constant 2 : i32
      %dma_start3A_54 = arith.constant 0 : i32
      %dma_start3A_55 = arith.constant 0 : i32
      %dma_start3A_56 = tpu.memref_slice %arg7[%dma_start3A_52, %dma_start3A_54, %dma_start3A_55] : memref<4x80x128xf32, #tpu.memory_space<vmem>> -> memref<1x80x128xf32, #tpu.memory_space<vmem>>
      %dma_start3A_57 = tpu.memref_squeeze %dma_start3A_56 : memref<1x80x128xf32, #tpu.memory_space<vmem>> -> memref<80x128xf32, #tpu.memory_space<vmem>>
      %dma_start3A_58 = arith.constant 0 : i32
      %dma_start3A_59 = tpu.memref_slice %arg5[%dma_start3A_51, %dma_start3A_58] : memref<25x80xi32, #tpu.memory_space<vmem>> -> memref<1x80xi32, #tpu.memory_space<vmem>>
      %dma_start3A_60 = tpu.memref_squeeze %dma_start3A_59 : memref<1x80xi32, #tpu.memory_space<vmem>> -> memref<80xi32, #tpu.memory_space<vmem>>
      %dma_start3A_61 = arith.constant 0 : i32
      %dma_start3A_62 = arith.constant 0 : i32
      %dma_start3A_63 = tpu.memref_slice %arg2[%dma_start3A_61, %dma_start3A_62] : memref<10000x128xf32, #tpu.memory_space<hbm>> -> memref<10000x128xf32, #tpu.memory_space<hbm>>
      %dma_start3A_64 = tpu.memref_slice %arg8[%dma_start3A_53] : memref<4x!tpu.dma_semaphore, #tpu.memory_space<semaphore_mem>> -> memref<1x!tpu.dma_semaphore, #tpu.memory_space<semaphore_mem>>
      %dma_start3A_65 = tpu.memref_squeeze %dma_start3A_64 : memref<1x!tpu.dma_semaphore, #tpu.memory_space<semaphore_mem>> -> memref<!tpu.dma_semaphore, #tpu.memory_space<semaphore_mem>>
      tpu.enqueue_indirect_dma source(%dma_start3A_63 : memref<10000x128xf32, #tpu.memory_space<hbm>>) target(%dma_start3A_57 : memref<80x128xf32, #tpu.memory_space<vmem>>) offsets(%dma_start3A_60 : memref<80xi32, #tpu.memory_space<vmem>>) semaphore(%dma_start3A_65 : memref<!tpu.dma_semaphore, #tpu.memory_space<semaphore_mem>>)
      %scan3A_66 = arith.constant 0 : i32
      %scan3A_67 = arith.constant 5 : i32
      %scan3A_68 = arith.addi %scan3A_66, %scan3A_67 : i32
      %scan3A_69 = arith.constant 1 : i32
      scf.for %scan3A_185 = %scan3A_66 to %scan3A_68 step %scan3A_69  : i32 {
        %mul3A_186 = arith.constant 1 : i32
        %mul3A_187 = arith.muli %scan3A_185, %mul3A_186 : i32
        %add3A_188 = arith.constant 0 : i32
        %add3A_189 = arith.addi %add3A_188, %mul3A_187 : i32
        %mul3A_190 = arith.constant 4 : i32
        %mul3A_191 = arith.muli %mul3A_190, %add3A_189 : i32
        %add3A_192 = arith.constant 0 : i32
        %add3A_193 = arith.addi %mul3A_191, %add3A_192 : i32
        %add3A_194 = arith.constant 3 : i32
        %add3A_195 = arith.addi %add3A_193, %add3A_194 : i32
        %dma_start3A_196 = arith.constant 3 : i32
        %dma_start3A_197 = arith.constant 3 : i32
        %dma_start3A_198 = arith.constant 0 : i32
        %dma_start3A_199 = arith.constant 0 : i32
        %dma_start3A_200 = tpu.memref_slice %arg7[%dma_start3A_196, %dma_start3A_198, %dma_start3A_199] : memref<4x80x128xf32, #tpu.memory_space<vmem>> -> memref<1x80x128xf32, #tpu.memory_space<vmem>>
        %dma_start3A_201 = tpu.memref_squeeze %dma_start3A_200 : memref<1x80x128xf32, #tpu.memory_space<vmem>> -> memref<80x128xf32, #tpu.memory_space<vmem>>
        %dma_start3A_202 = arith.constant 0 : i32
        %dma_start3A_203 = tpu.memref_slice %arg5[%add3A_195, %dma_start3A_202] : memref<25x80xi32, #tpu.memory_space<vmem>> -> memref<1x80xi32, #tpu.memory_space<vmem>>
        %dma_start3A_204 = tpu.memref_squeeze %dma_start3A_203 : memref<1x80xi32, #tpu.memory_space<vmem>> -> memref<80xi32, #tpu.memory_space<vmem>>
        %dma_start3A_205 = arith.constant 0 : i32
        %dma_start3A_206 = arith.constant 0 : i32
        %dma_start3A_207 = tpu.memref_slice %arg2[%dma_start3A_205, %dma_start3A_206] : memref<10000x128xf32, #tpu.memory_space<hbm>> -> memref<10000x128xf32, #tpu.memory_space<hbm>>
        %dma_start3A_208 = tpu.memref_slice %arg8[%dma_start3A_197] : memref<4x!tpu.dma_semaphore, #tpu.memory_space<semaphore_mem>> -> memref<1x!tpu.dma_semaphore, #tpu.memory_space<semaphore_mem>>
        %dma_start3A_209 = tpu.memref_squeeze %dma_start3A_208 : memref<1x!tpu.dma_semaphore, #tpu.memory_space<semaphore_mem>> -> memref<!tpu.dma_semaphore, #tpu.memory_space<semaphore_mem>>
        tpu.enqueue_indirect_dma source(%dma_start3A_207 : memref<10000x128xf32, #tpu.memory_space<hbm>>) target(%dma_start3A_201 : memref<80x128xf32, #tpu.memory_space<vmem>>) offsets(%dma_start3A_204 : memref<80xi32, #tpu.memory_space<vmem>>) semaphore(%dma_start3A_209 : memref<!tpu.dma_semaphore, #tpu.memory_space<semaphore_mem>>)
        %dma_wait3A_210 = arith.constant 0 : i32
        %dma_wait3A_211 = arith.constant 0 : i32
        %dma_wait3A_212 = arith.constant 0 : i32
        %dma_wait3A_213 = arith.constant 0 : i32
        %dma_wait3A_214 = tpu.memref_slice %arg7[%dma_wait3A_210, %dma_wait3A_212, %dma_wait3A_213] : memref<4x80x128xf32, #tpu.memory_space<vmem>> -> memref<1x80x128xf32, #tpu.memory_space<vmem>>
        %dma_wait3A_215 = tpu.memref_squeeze %dma_wait3A_214 : memref<1x80x128xf32, #tpu.memory_space<vmem>> -> memref<80x128xf32, #tpu.memory_space<vmem>>
        %dma_wait3A_216 = arith.constant 0 : i32
        %dma_wait3A_217 = tpu.memref_slice %arg5[%add3A_193, %dma_wait3A_216] : memref<25x80xi32, #tpu.memory_space<vmem>> -> memref<1x80xi32, #tpu.memory_space<vmem>>
        %dma_wait3A_218 = tpu.memref_squeeze %dma_wait3A_217 : memref<1x80xi32, #tpu.memory_space<vmem>> -> memref<80xi32, #tpu.memory_space<vmem>>
        %dma_wait3A_219 = arith.constant 0 : i32
        %dma_wait3A_220 = arith.constant 0 : i32
        %dma_wait3A_221 = tpu.memref_slice %arg2[%dma_wait3A_219, %dma_wait3A_220] : memref<10000x128xf32, #tpu.memory_space<hbm>> -> memref<10000x128xf32, #tpu.memory_space<hbm>>
        %dma_wait3A_222 = tpu.memref_slice %arg8[%dma_wait3A_211] : memref<4x!tpu.dma_semaphore, #tpu.memory_space<semaphore_mem>> -> memref<1x!tpu.dma_semaphore, #tpu.memory_space<semaphore_mem>>
        %dma_wait3A_223 = tpu.memref_squeeze %dma_wait3A_222 : memref<1x!tpu.dma_semaphore, #tpu.memory_space<semaphore_mem>> -> memref<!tpu.dma_semaphore, #tpu.memory_space<semaphore_mem>>
        tpu.wait_indirect_dma semaphore(%dma_wait3A_223 : memref<!tpu.dma_semaphore, #tpu.memory_space<semaphore_mem>>) src(%dma_wait3A_221 : memref<10000x128xf32, #tpu.memory_space<hbm>>) dst(%dma_wait3A_215 : memref<80x128xf32, #tpu.memory_space<vmem>>)
        %run_scoped3A_224 = arith.constant 0 : i32
        "tpu.region"() ({
          %run_scoped3A_324 = tpu.sem_alloc : memref<!tpu.dma_semaphore, #tpu.memory_space<semaphore_mem>>
          %dma_start3A_325 = arith.constant 0 : i32
          %dma_start3A_326 = arith.constant 0 : i32
          %dma_start3A_327 = tpu.memref_slice %arg7[%run_scoped3A_224, %dma_start3A_325, %dma_start3A_326] : memref<4x80x128xf32, #tpu.memory_space<vmem>> -> memref<1x80x128xf32, #tpu.memory_space<vmem>>
          %dma_start3A_328 = tpu.memref_squeeze %dma_start3A_327 : memref<1x80x128xf32, #tpu.memory_space<vmem>> -> memref<80x128xf32, #tpu.memory_space<vmem>>
          %dma_start3A_329 = arith.constant 0 : i32
          %dma_start3A_330 = tpu.memref_slice %arg6[%add3A_193, %dma_start3A_329] : memref<25x80xi32, #tpu.memory_space<vmem>> -> memref<1x80xi32, #tpu.memory_space<vmem>>
          %dma_start3A_331 = tpu.memref_squeeze %dma_start3A_330 : memref<1x80xi32, #tpu.memory_space<vmem>> -> memref<80xi32, #tpu.memory_space<vmem>>
          %dma_start3A_332 = arith.constant 0 : i32
          %dma_start3A_333 = arith.constant 0 : i32
          %dma_start3A_334 = tpu.memref_slice %arg9[%dma_start3A_332, %dma_start3A_333] : memref<10240x128xf32, #tpu.memory_space<vmem_shared>> -> memref<10240x128xf32, #tpu.memory_space<vmem_shared>>
          tpu.enqueue_indirect_dma source(%dma_start3A_328 : memref<80x128xf32, #tpu.memory_space<vmem>>) target(%dma_start3A_334 : memref<10240x128xf32, #tpu.memory_space<vmem_shared>>) offsets(%dma_start3A_331 : memref<80xi32, #tpu.memory_space<vmem>>) semaphore(%run_scoped3A_324 : memref<!tpu.dma_semaphore, #tpu.memory_space<semaphore_mem>>) {add = true}
          %dma_wait3A_335 = arith.constant 0 : i32
          %dma_wait3A_336 = arith.constant 0 : i32
          %dma_wait3A_337 = tpu.memref_slice %arg7[%run_scoped3A_224, %dma_wait3A_335, %dma_wait3A_336] : memref<4x80x128xf32, #tpu.memory_space<vmem>> -> memref<1x80x128xf32, #tpu.memory_space<vmem>>
          %dma_wait3A_338 = tpu.memref_squeeze %dma_wait3A_337 : memref<1x80x128xf32, #tpu.memory_space<vmem>> -> memref<80x128xf32, #tpu.memory_space<vmem>>
          %dma_wait3A_339 = arith.constant 0 : i32
          %dma_wait3A_340 = tpu.memref_slice %arg6[%add3A_193, %dma_wait3A_339] : memref<25x80xi32, #tpu.memory_space<vmem>> -> memref<1x80xi32, #tpu.memory_space<vmem>>
          %dma_wait3A_341 = tpu.memref_squeeze %dma_wait3A_340 : memref<1x80xi32, #tpu.memory_space<vmem>> -> memref<80xi32, #tpu.memory_space<vmem>>
          %dma_wait3A_342 = arith.constant 0 : i32
          %dma_wait3A_343 = arith.constant 0 : i32
          %dma_wait3A_344 = tpu.memref_slice %arg9[%dma_wait3A_342, %dma_wait3A_343] : memref<10240x128xf32, #tpu.memory_space<vmem_shared>> -> memref<10240x128xf32, #tpu.memory_space<vmem_shared>>
          tpu.wait_indirect_dma semaphore(%run_scoped3A_324 : memref<!tpu.dma_semaphore, #tpu.memory_space<semaphore_mem>>) src(%dma_wait3A_338 : memref<80x128xf32, #tpu.memory_space<vmem>>) dst(%dma_wait3A_344 : memref<10240x128xf32, #tpu.memory_space<vmem_shared>>)
          tpu.yield
        }) : () -> ()
        %add3A_225 = arith.constant 1 : i32
        %add3A_226 = arith.addi %mul3A_191, %add3A_225 : i32
        %add3A_227 = arith.constant 3 : i32
        %add3A_228 = arith.addi %add3A_226, %add3A_227 : i32
        %dma_start3A_229 = arith.constant 0 : i32
        %dma_start3A_230 = arith.constant 0 : i32
        %dma_start3A_231 = arith.constant 0 : i32
        %dma_start3A_232 = arith.constant 0 : i32
        %dma_start3A_233 = tpu.memref_slice %arg7[%dma_start3A_229, %dma_start3A_231, %dma_start3A_232] : memref<4x80x128xf32, #tpu.memory_space<vmem>> -> memref<1x80x128xf32, #tpu.memory_space<vmem>>
        %dma_start3A_234 = tpu.memref_squeeze %dma_start3A_233 : memref<1x80x128xf32, #tpu.memory_space<vmem>> -> memref<80x128xf32, #tpu.memory_space<vmem>>
        %dma_start3A_235 = arith.constant 0 : i32
        %dma_start3A_236 = tpu.memref_slice %arg5[%add3A_228, %dma_start3A_235] : memref<25x80xi32, #tpu.memory_space<vmem>> -> memref<1x80xi32, #tpu.memory_space<vmem>>
        %dma_start3A_237 = tpu.memref_squeeze %dma_start3A_236 : memref<1x80xi32, #tpu.memory_space<vmem>> -> memref<80xi32, #tpu.memory_space<vmem>>
        %dma_start3A_238 = arith.constant 0 : i32
        %dma_start3A_239 = arith.constant 0 : i32
        %dma_start3A_240 = tpu.memref_slice %arg2[%dma_start3A_238, %dma_start3A_239] : memref<10000x128xf32, #tpu.memory_space<hbm>> -> memref<10000x128xf32, #tpu.memory_space<hbm>>
        %dma_start3A_241 = tpu.memref_slice %arg8[%dma_start3A_230] : memref<4x!tpu.dma_semaphore, #tpu.memory_space<semaphore_mem>> -> memref<1x!tpu.dma_semaphore, #tpu.memory_space<semaphore_mem>>
        %dma_start3A_242 = tpu.memref_squeeze %dma_start3A_241 : memref<1x!tpu.dma_semaphore, #tpu.memory_space<semaphore_mem>> -> memref<!tpu.dma_semaphore, #tpu.memory_space<semaphore_mem>>
        tpu.enqueue_indirect_dma source(%dma_start3A_240 : memref<10000x128xf32, #tpu.memory_space<hbm>>) target(%dma_start3A_234 : memref<80x128xf32, #tpu.memory_space<vmem>>) offsets(%dma_start3A_237 : memref<80xi32, #tpu.memory_space<vmem>>) semaphore(%dma_start3A_242 : memref<!tpu.dma_semaphore, #tpu.memory_space<semaphore_mem>>)
        %dma_wait3A_243 = arith.constant 1 : i32
        %dma_wait3A_244 = arith.constant 1 : i32
        %dma_wait3A_245 = arith.constant 0 : i32
        %dma_wait3A_246 = arith.constant 0 : i32
        %dma_wait3A_247 = tpu.memref_slice %arg7[%dma_wait3A_243, %dma_wait3A_245, %dma_wait3A_246] : memref<4x80x128xf32, #tpu.memory_space<vmem>> -> memref<1x80x128xf32, #tpu.memory_space<vmem>>
        %dma_wait3A_248 = tpu.memref_squeeze %dma_wait3A_247 : memref<1x80x128xf32, #tpu.memory_space<vmem>> -> memref<80x128xf32, #tpu.memory_space<vmem>>
        %dma_wait3A_249 = arith.constant 0 : i32
        %dma_wait3A_250 = tpu.memref_slice %arg5[%add3A_226, %dma_wait3A_249] : memref<25x80xi32, #tpu.memory_space<vmem>> -> memref<1x80xi32, #tpu.memory_space<vmem>>
        %dma_wait3A_251 = tpu.memref_squeeze %dma_wait3A_250 : memref<1x80xi32, #tpu.memory_space<vmem>> -> memref<80xi32, #tpu.memory_space<vmem>>
        %dma_wait3A_252 = arith.constant 0 : i32
        %dma_wait3A_253 = arith.constant 0 : i32
        %dma_wait3A_254 = tpu.memref_slice %arg2[%dma_wait3A_252, %dma_wait3A_253] : memref<10000x128xf32, #tpu.memory_space<hbm>> -> memref<10000x128xf32, #tpu.memory_space<hbm>>
        %dma_wait3A_255 = tpu.memref_slice %arg8[%dma_wait3A_244] : memref<4x!tpu.dma_semaphore, #tpu.memory_space<semaphore_mem>> -> memref<1x!tpu.dma_semaphore, #tpu.memory_space<semaphore_mem>>
        %dma_wait3A_256 = tpu.memref_squeeze %dma_wait3A_255 : memref<1x!tpu.dma_semaphore, #tpu.memory_space<semaphore_mem>> -> memref<!tpu.dma_semaphore, #tpu.memory_space<semaphore_mem>>
        tpu.wait_indirect_dma semaphore(%dma_wait3A_256 : memref<!tpu.dma_semaphore, #tpu.memory_space<semaphore_mem>>) src(%dma_wait3A_254 : memref<10000x128xf32, #tpu.memory_space<hbm>>) dst(%dma_wait3A_248 : memref<80x128xf32, #tpu.memory_space<vmem>>)
        %run_scoped3A_257 = arith.constant 1 : i32
        "tpu.region"() ({
          %run_scoped3A_324 = tpu.sem_alloc : memref<!tpu.dma_semaphore, #tpu.memory_space<semaphore_mem>>
          %dma_start3A_325 = arith.constant 0 : i32
          %dma_start3A_326 = arith.constant 0 : i32
          %dma_start3A_327 = tpu.memref_slice %arg7[%run_scoped3A_257, %dma_start3A_325, %dma_start3A_326] : memref<4x80x128xf32, #tpu.memory_space<vmem>> -> memref<1x80x128xf32, #tpu.memory_space<vmem>>
          %dma_start3A_328 = tpu.memref_squeeze %dma_start3A_327 : memref<1x80x128xf32, #tpu.memory_space<vmem>> -> memref<80x128xf32, #tpu.memory_space<vmem>>
          %dma_start3A_329 = arith.constant 0 : i32
          %dma_start3A_330 = tpu.memref_slice %arg6[%add3A_226, %dma_start3A_329] : memref<25x80xi32, #tpu.memory_space<vmem>> -> memref<1x80xi32, #tpu.memory_space<vmem>>
          %dma_start3A_331 = tpu.memref_squeeze %dma_start3A_330 : memref<1x80xi32, #tpu.memory_space<vmem>> -> memref<80xi32, #tpu.memory_space<vmem>>
          %dma_start3A_332 = arith.constant 0 : i32
          %dma_start3A_333 = arith.constant 0 : i32
          %dma_start3A_334 = tpu.memref_slice %arg9[%dma_start3A_332, %dma_start3A_333] : memref<10240x128xf32, #tpu.memory_space<vmem_shared>> -> memref<10240x128xf32, #tpu.memory_space<vmem_shared>>
          tpu.enqueue_indirect_dma source(%dma_start3A_328 : memref<80x128xf32, #tpu.memory_space<vmem>>) target(%dma_start3A_334 : memref<10240x128xf32, #tpu.memory_space<vmem_shared>>) offsets(%dma_start3A_331 : memref<80xi32, #tpu.memory_space<vmem>>) semaphore(%run_scoped3A_324 : memref<!tpu.dma_semaphore, #tpu.memory_space<semaphore_mem>>) {add = true}
          %dma_wait3A_335 = arith.constant 0 : i32
          %dma_wait3A_336 = arith.constant 0 : i32
          %dma_wait3A_337 = tpu.memref_slice %arg7[%run_scoped3A_257, %dma_wait3A_335, %dma_wait3A_336] : memref<4x80x128xf32, #tpu.memory_space<vmem>> -> memref<1x80x128xf32, #tpu.memory_space<vmem>>
          %dma_wait3A_338 = tpu.memref_squeeze %dma_wait3A_337 : memref<1x80x128xf32, #tpu.memory_space<vmem>> -> memref<80x128xf32, #tpu.memory_space<vmem>>
          %dma_wait3A_339 = arith.constant 0 : i32
          %dma_wait3A_340 = tpu.memref_slice %arg6[%add3A_226, %dma_wait3A_339] : memref<25x80xi32, #tpu.memory_space<vmem>> -> memref<1x80xi32, #tpu.memory_space<vmem>>
          %dma_wait3A_341 = tpu.memref_squeeze %dma_wait3A_340 : memref<1x80xi32, #tpu.memory_space<vmem>> -> memref<80xi32, #tpu.memory_space<vmem>>
          %dma_wait3A_342 = arith.constant 0 : i32
          %dma_wait3A_343 = arith.constant 0 : i32
          %dma_wait3A_344 = tpu.memref_slice %arg9[%dma_wait3A_342, %dma_wait3A_343] : memref<10240x128xf32, #tpu.memory_space<vmem_shared>> -> memref<10240x128xf32, #tpu.memory_space<vmem_shared>>
          tpu.wait_indirect_dma semaphore(%run_scoped3A_324 : memref<!tpu.dma_semaphore, #tpu.memory_space<semaphore_mem>>) src(%dma_wait3A_338 : memref<80x128xf32, #tpu.memory_space<vmem>>) dst(%dma_wait3A_344 : memref<10240x128xf32, #tpu.memory_space<vmem_shared>>)
          tpu.yield
        }) : () -> ()
        %add3A_258 = arith.constant 2 : i32
        %add3A_259 = arith.addi %mul3A_191, %add3A_258 : i32
        %add3A_260 = arith.constant 3 : i32
        %add3A_261 = arith.addi %add3A_259, %add3A_260 : i32
        %dma_start3A_262 = arith.constant 1 : i32
        %dma_start3A_263 = arith.constant 1 : i32
        %dma_start3A_264 = arith.constant 0 : i32
        %dma_start3A_265 = arith.constant 0 : i32
        %dma_start3A_266 = tpu.memref_slice %arg7[%dma_start3A_262, %dma_start3A_264, %dma_start3A_265] : memref<4x80x128xf32, #tpu.memory_space<vmem>> -> memref<1x80x128xf32, #tpu.memory_space<vmem>>
        %dma_start3A_267 = tpu.memref_squeeze %dma_start3A_266 : memref<1x80x128xf32, #tpu.memory_space<vmem>> -> memref<80x128xf32, #tpu.memory_space<vmem>>
        %dma_start3A_268 = arith.constant 0 : i32
        %dma_start3A_269 = tpu.memref_slice %arg5[%add3A_261, %dma_start3A_268] : memref<25x80xi32, #tpu.memory_space<vmem>> -> memref<1x80xi32, #tpu.memory_space<vmem>>
        %dma_start3A_270 = tpu.memref_squeeze %dma_start3A_269 : memref<1x80xi32, #tpu.memory_space<vmem>> -> memref<80xi32, #tpu.memory_space<vmem>>
        %dma_start3A_271 = arith.constant 0 : i32
        %dma_start3A_272 = arith.constant 0 : i32
        %dma_start3A_273 = tpu.memref_slice %arg2[%dma_start3A_271, %dma_start3A_272] : memref<10000x128xf32, #tpu.memory_space<hbm>> -> memref<10000x128xf32, #tpu.memory_space<hbm>>
        %dma_start3A_274 = tpu.memref_slice %arg8[%dma_start3A_263] : memref<4x!tpu.dma_semaphore, #tpu.memory_space<semaphore_mem>> -> memref<1x!tpu.dma_semaphore, #tpu.memory_space<semaphore_mem>>
        %dma_start3A_275 = tpu.memref_squeeze %dma_start3A_274 : memref<1x!tpu.dma_semaphore, #tpu.memory_space<semaphore_mem>> -> memref<!tpu.dma_semaphore, #tpu.memory_space<semaphore_mem>>
        tpu.enqueue_indirect_dma source(%dma_start3A_273 : memref<10000x128xf32, #tpu.memory_space<hbm>>) target(%dma_start3A_267 : memref<80x128xf32, #tpu.memory_space<vmem>>) offsets(%dma_start3A_270 : memref<80xi32, #tpu.memory_space<vmem>>) semaphore(%dma_start3A_275 : memref<!tpu.dma_semaphore, #tpu.memory_space<semaphore_mem>>)
        %dma_wait3A_276 = arith.constant 2 : i32
        %dma_wait3A_277 = arith.constant 2 : i32
        %dma_wait3A_278 = arith.constant 0 : i32
        %dma_wait3A_279 = arith.constant 0 : i32
        %dma_wait3A_280 = tpu.memref_slice %arg7[%dma_wait3A_276, %dma_wait3A_278, %dma_wait3A_279] : memref<4x80x128xf32, #tpu.memory_space<vmem>> -> memref<1x80x128xf32, #tpu.memory_space<vmem>>
        %dma_wait3A_281 = tpu.memref_squeeze %dma_wait3A_280 : memref<1x80x128xf32, #tpu.memory_space<vmem>> -> memref<80x128xf32, #tpu.memory_space<vmem>>
        %dma_wait3A_282 = arith.constant 0 : i32
        %dma_wait3A_283 = tpu.memref_slice %arg5[%add3A_259, %dma_wait3A_282] : memref<25x80xi32, #tpu.memory_space<vmem>> -> memref<1x80xi32, #tpu.memory_space<vmem>>
        %dma_wait3A_284 = tpu.memref_squeeze %dma_wait3A_283 : memref<1x80xi32, #tpu.memory_space<vmem>> -> memref<80xi32, #tpu.memory_space<vmem>>
        %dma_wait3A_285 = arith.constant 0 : i32
        %dma_wait3A_286 = arith.constant 0 : i32
        %dma_wait3A_287 = tpu.memref_slice %arg2[%dma_wait3A_285, %dma_wait3A_286] : memref<10000x128xf32, #tpu.memory_space<hbm>> -> memref<10000x128xf32, #tpu.memory_space<hbm>>
        %dma_wait3A_288 = tpu.memref_slice %arg8[%dma_wait3A_277] : memref<4x!tpu.dma_semaphore, #tpu.memory_space<semaphore_mem>> -> memref<1x!tpu.dma_semaphore, #tpu.memory_space<semaphore_mem>>
        %dma_wait3A_289 = tpu.memref_squeeze %dma_wait3A_288 : memref<1x!tpu.dma_semaphore, #tpu.memory_space<semaphore_mem>> -> memref<!tpu.dma_semaphore, #tpu.memory_space<semaphore_mem>>
        tpu.wait_indirect_dma semaphore(%dma_wait3A_289 : memref<!tpu.dma_semaphore, #tpu.memory_space<semaphore_mem>>) src(%dma_wait3A_287 : memref<10000x128xf32, #tpu.memory_space<hbm>>) dst(%dma_wait3A_281 : memref<80x128xf32, #tpu.memory_space<vmem>>)
        %run_scoped3A_290 = arith.constant 2 : i32
        "tpu.region"() ({
          %run_scoped3A_324 = tpu.sem_alloc : memref<!tpu.dma_semaphore, #tpu.memory_space<semaphore_mem>>
          %dma_start3A_325 = arith.constant 0 : i32
          %dma_start3A_326 = arith.constant 0 : i32
          %dma_start3A_327 = tpu.memref_slice %arg7[%run_scoped3A_290, %dma_start3A_325, %dma_start3A_326] : memref<4x80x128xf32, #tpu.memory_space<vmem>> -> memref<1x80x128xf32, #tpu.memory_space<vmem>>
          %dma_start3A_328 = tpu.memref_squeeze %dma_start3A_327 : memref<1x80x128xf32, #tpu.memory_space<vmem>> -> memref<80x128xf32, #tpu.memory_space<vmem>>
          %dma_start3A_329 = arith.constant 0 : i32
          %dma_start3A_330 = tpu.memref_slice %arg6[%add3A_259, %dma_start3A_329] : memref<25x80xi32, #tpu.memory_space<vmem>> -> memref<1x80xi32, #tpu.memory_space<vmem>>
          %dma_start3A_331 = tpu.memref_squeeze %dma_start3A_330 : memref<1x80xi32, #tpu.memory_space<vmem>> -> memref<80xi32, #tpu.memory_space<vmem>>
          %dma_start3A_332 = arith.constant 0 : i32
          %dma_start3A_333 = arith.constant 0 : i32
          %dma_start3A_334 = tpu.memref_slice %arg9[%dma_start3A_332, %dma_start3A_333] : memref<10240x128xf32, #tpu.memory_space<vmem_shared>> -> memref<10240x128xf32, #tpu.memory_space<vmem_shared>>
          tpu.enqueue_indirect_dma source(%dma_start3A_328 : memref<80x128xf32, #tpu.memory_space<vmem>>) target(%dma_start3A_334 : memref<10240x128xf32, #tpu.memory_space<vmem_shared>>) offsets(%dma_start3A_331 : memref<80xi32, #tpu.memory_space<vmem>>) semaphore(%run_scoped3A_324 : memref<!tpu.dma_semaphore, #tpu.memory_space<semaphore_mem>>) {add = true}
          %dma_wait3A_335 = arith.constant 0 : i32
          %dma_wait3A_336 = arith.constant 0 : i32
          %dma_wait3A_337 = tpu.memref_slice %arg7[%run_scoped3A_290, %dma_wait3A_335, %dma_wait3A_336] : memref<4x80x128xf32, #tpu.memory_space<vmem>> -> memref<1x80x128xf32, #tpu.memory_space<vmem>>
          %dma_wait3A_338 = tpu.memref_squeeze %dma_wait3A_337 : memref<1x80x128xf32, #tpu.memory_space<vmem>> -> memref<80x128xf32, #tpu.memory_space<vmem>>
          %dma_wait3A_339 = arith.constant 0 : i32
          %dma_wait3A_340 = tpu.memref_slice %arg6[%add3A_259, %dma_wait3A_339] : memref<25x80xi32, #tpu.memory_space<vmem>> -> memref<1x80xi32, #tpu.memory_space<vmem>>
          %dma_wait3A_341 = tpu.memref_squeeze %dma_wait3A_340 : memref<1x80xi32, #tpu.memory_space<vmem>> -> memref<80xi32, #tpu.memory_space<vmem>>
          %dma_wait3A_342 = arith.constant 0 : i32
          %dma_wait3A_343 = arith.constant 0 : i32
          %dma_wait3A_344 = tpu.memref_slice %arg9[%dma_wait3A_342, %dma_wait3A_343] : memref<10240x128xf32, #tpu.memory_space<vmem_shared>> -> memref<10240x128xf32, #tpu.memory_space<vmem_shared>>
          tpu.wait_indirect_dma semaphore(%run_scoped3A_324 : memref<!tpu.dma_semaphore, #tpu.memory_space<semaphore_mem>>) src(%dma_wait3A_338 : memref<80x128xf32, #tpu.memory_space<vmem>>) dst(%dma_wait3A_344 : memref<10240x128xf32, #tpu.memory_space<vmem_shared>>)
          tpu.yield
        }) : () -> ()
        %add3A_291 = arith.constant 3 : i32
        %add3A_292 = arith.addi %mul3A_191, %add3A_291 : i32
        %add3A_293 = arith.constant 3 : i32
        %add3A_294 = arith.addi %add3A_292, %add3A_293 : i32
        %dma_start3A_295 = arith.constant 2 : i32
        %dma_start3A_296 = arith.constant 2 : i32
        %dma_start3A_297 = arith.constant 0 : i32
        %dma_start3A_298 = arith.constant 0 : i32
        %dma_start3A_299 = tpu.memref_slice %arg7[%dma_start3A_295, %dma_start3A_297, %dma_start3A_298] : memref<4x80x128xf32, #tpu.memory_space<vmem>> -> memref<1x80x128xf32, #tpu.memory_space<vmem>>
        %dma_start3A_300 = tpu.memref_squeeze %dma_start3A_299 : memref<1x80x128xf32, #tpu.memory_space<vmem>> -> memref<80x128xf32, #tpu.memory_space<vmem>>
        %dma_start3A_301 = arith.constant 0 : i32
        %dma_start3A_302 = tpu.memref_slice %arg5[%add3A_294, %dma_start3A_301] : memref<25x80xi32, #tpu.memory_space<vmem>> -> memref<1x80xi32, #tpu.memory_space<vmem>>
        %dma_start3A_303 = tpu.memref_squeeze %dma_start3A_302 : memref<1x80xi32, #tpu.memory_space<vmem>> -> memref<80xi32, #tpu.memory_space<vmem>>
        %dma_start3A_304 = arith.constant 0 : i32
        %dma_start3A_305 = arith.constant 0 : i32
        %dma_start3A_306 = tpu.memref_slice %arg2[%dma_start3A_304, %dma_start3A_305] : memref<10000x128xf32, #tpu.memory_space<hbm>> -> memref<10000x128xf32, #tpu.memory_space<hbm>>
        %dma_start3A_307 = tpu.memref_slice %arg8[%dma_start3A_296] : memref<4x!tpu.dma_semaphore, #tpu.memory_space<semaphore_mem>> -> memref<1x!tpu.dma_semaphore, #tpu.memory_space<semaphore_mem>>
        %dma_start3A_308 = tpu.memref_squeeze %dma_start3A_307 : memref<1x!tpu.dma_semaphore, #tpu.memory_space<semaphore_mem>> -> memref<!tpu.dma_semaphore, #tpu.memory_space<semaphore_mem>>
        tpu.enqueue_indirect_dma source(%dma_start3A_306 : memref<10000x128xf32, #tpu.memory_space<hbm>>) target(%dma_start3A_300 : memref<80x128xf32, #tpu.memory_space<vmem>>) offsets(%dma_start3A_303 : memref<80xi32, #tpu.memory_space<vmem>>) semaphore(%dma_start3A_308 : memref<!tpu.dma_semaphore, #tpu.memory_space<semaphore_mem>>)
        %dma_wait3A_309 = arith.constant 3 : i32
        %dma_wait3A_310 = arith.constant 3 : i32
        %dma_wait3A_311 = arith.constant 0 : i32
        %dma_wait3A_312 = arith.constant 0 : i32
        %dma_wait3A_313 = tpu.memref_slice %arg7[%dma_wait3A_309, %dma_wait3A_311, %dma_wait3A_312] : memref<4x80x128xf32, #tpu.memory_space<vmem>> -> memref<1x80x128xf32, #tpu.memory_space<vmem>>
        %dma_wait3A_314 = tpu.memref_squeeze %dma_wait3A_313 : memref<1x80x128xf32, #tpu.memory_space<vmem>> -> memref<80x128xf32, #tpu.memory_space<vmem>>
        %dma_wait3A_315 = arith.constant 0 : i32
        %dma_wait3A_316 = tpu.memref_slice %arg5[%add3A_292, %dma_wait3A_315] : memref<25x80xi32, #tpu.memory_space<vmem>> -> memref<1x80xi32, #tpu.memory_space<vmem>>
        %dma_wait3A_317 = tpu.memref_squeeze %dma_wait3A_316 : memref<1x80xi32, #tpu.memory_space<vmem>> -> memref<80xi32, #tpu.memory_space<vmem>>
        %dma_wait3A_318 = arith.constant 0 : i32
        %dma_wait3A_319 = arith.constant 0 : i32
        %dma_wait3A_320 = tpu.memref_slice %arg2[%dma_wait3A_318, %dma_wait3A_319] : memref<10000x128xf32, #tpu.memory_space<hbm>> -> memref<10000x128xf32, #tpu.memory_space<hbm>>
        %dma_wait3A_321 = tpu.memref_slice %arg8[%dma_wait3A_310] : memref<4x!tpu.dma_semaphore, #tpu.memory_space<semaphore_mem>> -> memref<1x!tpu.dma_semaphore, #tpu.memory_space<semaphore_mem>>
        %dma_wait3A_322 = tpu.memref_squeeze %dma_wait3A_321 : memref<1x!tpu.dma_semaphore, #tpu.memory_space<semaphore_mem>> -> memref<!tpu.dma_semaphore, #tpu.memory_space<semaphore_mem>>
        tpu.wait_indirect_dma semaphore(%dma_wait3A_322 : memref<!tpu.dma_semaphore, #tpu.memory_space<semaphore_mem>>) src(%dma_wait3A_320 : memref<10000x128xf32, #tpu.memory_space<hbm>>) dst(%dma_wait3A_314 : memref<80x128xf32, #tpu.memory_space<vmem>>)
        %run_scoped3A_323 = arith.constant 3 : i32
        "tpu.region"() ({
          %run_scoped3A_324 = tpu.sem_alloc : memref<!tpu.dma_semaphore, #tpu.memory_space<semaphore_mem>>
          %dma_start3A_325 = arith.constant 0 : i32
          %dma_start3A_326 = arith.constant 0 : i32
          %dma_start3A_327 = tpu.memref_slice %arg7[%run_scoped3A_323, %dma_start3A_325, %dma_start3A_326] : memref<4x80x128xf32, #tpu.memory_space<vmem>> -> memref<1x80x128xf32, #tpu.memory_space<vmem>>
          %dma_start3A_328 = tpu.memref_squeeze %dma_start3A_327 : memref<1x80x128xf32, #tpu.memory_space<vmem>> -> memref<80x128xf32, #tpu.memory_space<vmem>>
          %dma_start3A_329 = arith.constant 0 : i32
          %dma_start3A_330 = tpu.memref_slice %arg6[%add3A_292, %dma_start3A_329] : memref<25x80xi32, #tpu.memory_space<vmem>> -> memref<1x80xi32, #tpu.memory_space<vmem>>
          %dma_start3A_331 = tpu.memref_squeeze %dma_start3A_330 : memref<1x80xi32, #tpu.memory_space<vmem>> -> memref<80xi32, #tpu.memory_space<vmem>>
          %dma_start3A_332 = arith.constant 0 : i32
          %dma_start3A_333 = arith.constant 0 : i32
          %dma_start3A_334 = tpu.memref_slice %arg9[%dma_start3A_332, %dma_start3A_333] : memref<10240x128xf32, #tpu.memory_space<vmem_shared>> -> memref<10240x128xf32, #tpu.memory_space<vmem_shared>>
          tpu.enqueue_indirect_dma source(%dma_start3A_328 : memref<80x128xf32, #tpu.memory_space<vmem>>) target(%dma_start3A_334 : memref<10240x128xf32, #tpu.memory_space<vmem_shared>>) offsets(%dma_start3A_331 : memref<80xi32, #tpu.memory_space<vmem>>) semaphore(%run_scoped3A_324 : memref<!tpu.dma_semaphore, #tpu.memory_space<semaphore_mem>>) {add = true}
          %dma_wait3A_335 = arith.constant 0 : i32
          %dma_wait3A_336 = arith.constant 0 : i32
          %dma_wait3A_337 = tpu.memref_slice %arg7[%run_scoped3A_323, %dma_wait3A_335, %dma_wait3A_336] : memref<4x80x128xf32, #tpu.memory_space<vmem>> -> memref<1x80x128xf32, #tpu.memory_space<vmem>>
          %dma_wait3A_338 = tpu.memref_squeeze %dma_wait3A_337 : memref<1x80x128xf32, #tpu.memory_space<vmem>> -> memref<80x128xf32, #tpu.memory_space<vmem>>
          %dma_wait3A_339 = arith.constant 0 : i32
          %dma_wait3A_340 = tpu.memref_slice %arg6[%add3A_292, %dma_wait3A_339] : memref<25x80xi32, #tpu.memory_space<vmem>> -> memref<1x80xi32, #tpu.memory_space<vmem>>
          %dma_wait3A_341 = tpu.memref_squeeze %dma_wait3A_340 : memref<1x80xi32, #tpu.memory_space<vmem>> -> memref<80xi32, #tpu.memory_space<vmem>>
          %dma_wait3A_342 = arith.constant 0 : i32
          %dma_wait3A_343 = arith.constant 0 : i32
          %dma_wait3A_344 = tpu.memref_slice %arg9[%dma_wait3A_342, %dma_wait3A_343] : memref<10240x128xf32, #tpu.memory_space<vmem_shared>> -> memref<10240x128xf32, #tpu.memory_space<vmem_shared>>
          tpu.wait_indirect_dma semaphore(%run_scoped3A_324 : memref<!tpu.dma_semaphore, #tpu.memory_space<semaphore_mem>>) src(%dma_wait3A_338 : memref<80x128xf32, #tpu.memory_space<vmem>>) dst(%dma_wait3A_344 : memref<10240x128xf32, #tpu.memory_space<vmem_shared>>)
          tpu.yield
        }) : () -> ()
      }
      %scan3A_70 = arith.constant 5 : i32
      %dma_start3A_71 = arith.constant 23 : i32
      %dma_start3A_72 = arith.constant 3 : i32
      %dma_start3A_73 = arith.constant 3 : i32
      %dma_start3A_74 = arith.constant 0 : i32
      %dma_start3A_75 = arith.constant 0 : i32
      %dma_start3A_76 = tpu.memref_slice %arg7[%dma_start3A_72, %dma_start3A_74, %dma_start3A_75] : memref<4x80x128xf32, #tpu.memory_space<vmem>> -> memref<1x80x128xf32, #tpu.memory_space<vmem>>
      %dma_start3A_77 = tpu.memref_squeeze %dma_start3A_76 : memref<1x80x128xf32, #tpu.memory_space<vmem>> -> memref<80x128xf32, #tpu.memory_space<vmem>>
      %dma_start3A_78 = arith.constant 0 : i32
      %dma_start3A_79 = tpu.memref_slice %arg5[%dma_start3A_71, %dma_start3A_78] : memref<25x80xi32, #tpu.memory_space<vmem>> -> memref<1x80xi32, #tpu.memory_space<vmem>>
      %dma_start3A_80 = tpu.memref_squeeze %dma_start3A_79 : memref<1x80xi32, #tpu.memory_space<vmem>> -> memref<80xi32, #tpu.memory_space<vmem>>
      %dma_start3A_81 = arith.constant 0 : i32
      %dma_start3A_82 = arith.constant 0 : i32
      %dma_start3A_83 = tpu.memref_slice %arg2[%dma_start3A_81, %dma_start3A_82] : memref<10000x128xf32, #tpu.memory_space<hbm>> -> memref<10000x128xf32, #tpu.memory_space<hbm>>
      %dma_start3A_84 = tpu.memref_slice %arg8[%dma_start3A_73] : memref<4x!tpu.dma_semaphore, #tpu.memory_space<semaphore_mem>> -> memref<1x!tpu.dma_semaphore, #tpu.memory_space<semaphore_mem>>
      %dma_start3A_85 = tpu.memref_squeeze %dma_start3A_84 : memref<1x!tpu.dma_semaphore, #tpu.memory_space<semaphore_mem>> -> memref<!tpu.dma_semaphore, #tpu.memory_space<semaphore_mem>>
      tpu.enqueue_indirect_dma source(%dma_start3A_83 : memref<10000x128xf32, #tpu.memory_space<hbm>>) target(%dma_start3A_77 : memref<80x128xf32, #tpu.memory_space<vmem>>) offsets(%dma_start3A_80 : memref<80xi32, #tpu.memory_space<vmem>>) semaphore(%dma_start3A_85 : memref<!tpu.dma_semaphore, #tpu.memory_space<semaphore_mem>>)
      %dma_wait3A = arith.constant 20 : i32
      %dma_wait3A_86 = arith.constant 0 : i32
      %dma_wait3A_87 = arith.constant 0 : i32
      %dma_wait3A_88 = arith.constant 0 : i32
      %dma_wait3A_89 = arith.constant 0 : i32
      %dma_wait3A_90 = tpu.memref_slice %arg7[%dma_wait3A_86, %dma_wait3A_88, %dma_wait3A_89] : memref<4x80x128xf32, #tpu.memory_space<vmem>> -> memref<1x80x128xf32, #tpu.memory_space<vmem>>
      %dma_wait3A_91 = tpu.memref_squeeze %dma_wait3A_90 : memref<1x80x128xf32, #tpu.memory_space<vmem>> -> memref<80x128xf32, #tpu.memory_space<vmem>>
      %dma_wait3A_92 = arith.constant 0 : i32
      %dma_wait3A_93 = tpu.memref_slice %arg5[%dma_wait3A, %dma_wait3A_92] : memref<25x80xi32, #tpu.memory_space<vmem>> -> memref<1x80xi32, #tpu.memory_space<vmem>>
      %dma_wait3A_94 = tpu.memref_squeeze %dma_wait3A_93 : memref<1x80xi32, #tpu.memory_space<vmem>> -> memref<80xi32, #tpu.memory_space<vmem>>
      %dma_wait3A_95 = arith.constant 0 : i32
      %dma_wait3A_96 = arith.constant 0 : i32
      %dma_wait3A_97 = tpu.memref_slice %arg2[%dma_wait3A_95, %dma_wait3A_96] : memref<10000x128xf32, #tpu.memory_space<hbm>> -> memref<10000x128xf32, #tpu.memory_space<hbm>>
      %dma_wait3A_98 = tpu.memref_slice %arg8[%dma_wait3A_87] : memref<4x!tpu.dma_semaphore, #tpu.memory_space<semaphore_mem>> -> memref<1x!tpu.dma_semaphore, #tpu.memory_space<semaphore_mem>>
      %dma_wait3A_99 = tpu.memref_squeeze %dma_wait3A_98 : memref<1x!tpu.dma_semaphore, #tpu.memory_space<semaphore_mem>> -> memref<!tpu.dma_semaphore, #tpu.memory_space<semaphore_mem>>
      tpu.wait_indirect_dma semaphore(%dma_wait3A_99 : memref<!tpu.dma_semaphore, #tpu.memory_space<semaphore_mem>>) src(%dma_wait3A_97 : memref<10000x128xf32, #tpu.memory_space<hbm>>) dst(%dma_wait3A_91 : memref<80x128xf32, #tpu.memory_space<vmem>>)
      %run_scoped3A_100 = arith.constant 0 : i32
      %run_scoped3A_101 = arith.constant 20 : i32
      "tpu.region"() ({
        %run_scoped3A_185 = tpu.sem_alloc : memref<!tpu.dma_semaphore, #tpu.memory_space<semaphore_mem>>
        %dma_start3A_186 = arith.constant 0 : i32
        %dma_start3A_187 = arith.constant 0 : i32
        %dma_start3A_188 = tpu.memref_slice %arg7[%run_scoped3A_100, %dma_start3A_186, %dma_start3A_187] : memref<4x80x128xf32, #tpu.memory_space<vmem>> -> memref<1x80x128xf32, #tpu.memory_space<vmem>>
        %dma_start3A_189 = tpu.memref_squeeze %dma_start3A_188 : memref<1x80x128xf32, #tpu.memory_space<vmem>> -> memref<80x128xf32, #tpu.memory_space<vmem>>
        %dma_start3A_190 = arith.constant 0 : i32
        %dma_start3A_191 = tpu.memref_slice %arg6[%run_scoped3A_101, %dma_start3A_190] : memref<25x80xi32, #tpu.memory_space<vmem>> -> memref<1x80xi32, #tpu.memory_space<vmem>>
        %dma_start3A_192 = tpu.memref_squeeze %dma_start3A_191 : memref<1x80xi32, #tpu.memory_space<vmem>> -> memref<80xi32, #tpu.memory_space<vmem>>
        %dma_start3A_193 = arith.constant 0 : i32
        %dma_start3A_194 = arith.constant 0 : i32
        %dma_start3A_195 = tpu.memref_slice %arg9[%dma_start3A_193, %dma_start3A_194] : memref<10240x128xf32, #tpu.memory_space<vmem_shared>> -> memref<10240x128xf32, #tpu.memory_space<vmem_shared>>
        tpu.enqueue_indirect_dma source(%dma_start3A_189 : memref<80x128xf32, #tpu.memory_space<vmem>>) target(%dma_start3A_195 : memref<10240x128xf32, #tpu.memory_space<vmem_shared>>) offsets(%dma_start3A_192 : memref<80xi32, #tpu.memory_space<vmem>>) semaphore(%run_scoped3A_185 : memref<!tpu.dma_semaphore, #tpu.memory_space<semaphore_mem>>) {add = true}
        %dma_wait3A_196 = arith.constant 0 : i32
        %dma_wait3A_197 = arith.constant 0 : i32
        %dma_wait3A_198 = tpu.memref_slice %arg7[%run_scoped3A_100, %dma_wait3A_196, %dma_wait3A_197] : memref<4x80x128xf32, #tpu.memory_space<vmem>> -> memref<1x80x128xf32, #tpu.memory_space<vmem>>
        %dma_wait3A_199 = tpu.memref_squeeze %dma_wait3A_198 : memref<1x80x128xf32, #tpu.memory_space<vmem>> -> memref<80x128xf32, #tpu.memory_space<vmem>>
        %dma_wait3A_200 = arith.constant 0 : i32
        %dma_wait3A_201 = tpu.memref_slice %arg6[%run_scoped3A_101, %dma_wait3A_200] : memref<25x80xi32, #tpu.memory_space<vmem>> -> memref<1x80xi32, #tpu.memory_space<vmem>>
        %dma_wait3A_202 = tpu.memref_squeeze %dma_wait3A_201 : memref<1x80xi32, #tpu.memory_space<vmem>> -> memref<80xi32, #tpu.memory_space<vmem>>
        %dma_wait3A_203 = arith.constant 0 : i32
        %dma_wait3A_204 = arith.constant 0 : i32
        %dma_wait3A_205 = tpu.memref_slice %arg9[%dma_wait3A_203, %dma_wait3A_204] : memref<10240x128xf32, #tpu.memory_space<vmem_shared>> -> memref<10240x128xf32, #tpu.memory_space<vmem_shared>>
        tpu.wait_indirect_dma semaphore(%run_scoped3A_185 : memref<!tpu.dma_semaphore, #tpu.memory_space<semaphore_mem>>) src(%dma_wait3A_199 : memref<80x128xf32, #tpu.memory_space<vmem>>) dst(%dma_wait3A_205 : memref<10240x128xf32, #tpu.memory_space<vmem_shared>>)
        tpu.yield
      }) : () -> ()
      %dma_start3A_102 = arith.constant 24 : i32
      %dma_start3A_103 = arith.constant 0 : i32
      %dma_start3A_104 = arith.constant 0 : i32
      %dma_start3A_105 = arith.constant 0 : i32
      %dma_start3A_106 = arith.constant 0 : i32
      %dma_start3A_107 = tpu.memref_slice %arg7[%dma_start3A_103, %dma_start3A_105, %dma_start3A_106] : memref<4x80x128xf32, #tpu.memory_space<vmem>> -> memref<1x80x128xf32, #tpu.memory_space<vmem>>
      %dma_start3A_108 = tpu.memref_squeeze %dma_start3A_107 : memref<1x80x128xf32, #tpu.memory_space<vmem>> -> memref<80x128xf32, #tpu.memory_space<vmem>>
      %dma_start3A_109 = arith.constant 0 : i32
      %dma_start3A_110 = tpu.memref_slice %arg5[%dma_start3A_102, %dma_start3A_109] : memref<25x80xi32, #tpu.memory_space<vmem>> -> memref<1x80xi32, #tpu.memory_space<vmem>>
      %dma_start3A_111 = tpu.memref_squeeze %dma_start3A_110 : memref<1x80xi32, #tpu.memory_space<vmem>> -> memref<80xi32, #tpu.memory_space<vmem>>
      %dma_start3A_112 = arith.constant 0 : i32
      %dma_start3A_113 = arith.constant 0 : i32
      %dma_start3A_114 = tpu.memref_slice %arg2[%dma_start3A_112, %dma_start3A_113] : memref<10000x128xf32, #tpu.memory_space<hbm>> -> memref<10000x128xf32, #tpu.memory_space<hbm>>
      %dma_start3A_115 = tpu.memref_slice %arg8[%dma_start3A_104] : memref<4x!tpu.dma_semaphore, #tpu.memory_space<semaphore_mem>> -> memref<1x!tpu.dma_semaphore, #tpu.memory_space<semaphore_mem>>
      %dma_start3A_116 = tpu.memref_squeeze %dma_start3A_115 : memref<1x!tpu.dma_semaphore, #tpu.memory_space<semaphore_mem>> -> memref<!tpu.dma_semaphore, #tpu.memory_space<semaphore_mem>>
      tpu.enqueue_indirect_dma source(%dma_start3A_114 : memref<10000x128xf32, #tpu.memory_space<hbm>>) target(%dma_start3A_108 : memref<80x128xf32, #tpu.memory_space<vmem>>) offsets(%dma_start3A_111 : memref<80xi32, #tpu.memory_space<vmem>>) semaphore(%dma_start3A_116 : memref<!tpu.dma_semaphore, #tpu.memory_space<semaphore_mem>>)
      %dma_wait3A_117 = arith.constant 21 : i32
      %dma_wait3A_118 = arith.constant 1 : i32
      %dma_wait3A_119 = arith.constant 1 : i32
      %dma_wait3A_120 = arith.constant 0 : i32
      %dma_wait3A_121 = arith.constant 0 : i32
      %dma_wait3A_122 = tpu.memref_slice %arg7[%dma_wait3A_118, %dma_wait3A_120, %dma_wait3A_121] : memref<4x80x128xf32, #tpu.memory_space<vmem>> -> memref<1x80x128xf32, #tpu.memory_space<vmem>>
      %dma_wait3A_123 = tpu.memref_squeeze %dma_wait3A_122 : memref<1x80x128xf32, #tpu.memory_space<vmem>> -> memref<80x128xf32, #tpu.memory_space<vmem>>
      %dma_wait3A_124 = arith.constant 0 : i32
      %dma_wait3A_125 = tpu.memref_slice %arg5[%dma_wait3A_117, %dma_wait3A_124] : memref<25x80xi32, #tpu.memory_space<vmem>> -> memref<1x80xi32, #tpu.memory_space<vmem>>
      %dma_wait3A_126 = tpu.memref_squeeze %dma_wait3A_125 : memref<1x80xi32, #tpu.memory_space<vmem>> -> memref<80xi32, #tpu.memory_space<vmem>>
      %dma_wait3A_127 = arith.constant 0 : i32
      %dma_wait3A_128 = arith.constant 0 : i32
      %dma_wait3A_129 = tpu.memref_slice %arg2[%dma_wait3A_127, %dma_wait3A_128] : memref<10000x128xf32, #tpu.memory_space<hbm>> -> memref<10000x128xf32, #tpu.memory_space<hbm>>
      %dma_wait3A_130 = tpu.memref_slice %arg8[%dma_wait3A_119] : memref<4x!tpu.dma_semaphore, #tpu.memory_space<semaphore_mem>> -> memref<1x!tpu.dma_semaphore, #tpu.memory_space<semaphore_mem>>
      %dma_wait3A_131 = tpu.memref_squeeze %dma_wait3A_130 : memref<1x!tpu.dma_semaphore, #tpu.memory_space<semaphore_mem>> -> memref<!tpu.dma_semaphore, #tpu.memory_space<semaphore_mem>>
      tpu.wait_indirect_dma semaphore(%dma_wait3A_131 : memref<!tpu.dma_semaphore, #tpu.memory_space<semaphore_mem>>) src(%dma_wait3A_129 : memref<10000x128xf32, #tpu.memory_space<hbm>>) dst(%dma_wait3A_123 : memref<80x128xf32, #tpu.memory_space<vmem>>)
      %run_scoped3A_132 = arith.constant 1 : i32
      %run_scoped3A_133 = arith.constant 21 : i32
      "tpu.region"() ({
        %run_scoped3A_185 = tpu.sem_alloc : memref<!tpu.dma_semaphore, #tpu.memory_space<semaphore_mem>>
        %dma_start3A_186 = arith.constant 0 : i32
        %dma_start3A_187 = arith.constant 0 : i32
        %dma_start3A_188 = tpu.memref_slice %arg7[%run_scoped3A_132, %dma_start3A_186, %dma_start3A_187] : memref<4x80x128xf32, #tpu.memory_space<vmem>> -> memref<1x80x128xf32, #tpu.memory_space<vmem>>
        %dma_start3A_189 = tpu.memref_squeeze %dma_start3A_188 : memref<1x80x128xf32, #tpu.memory_space<vmem>> -> memref<80x128xf32, #tpu.memory_space<vmem>>
        %dma_start3A_190 = arith.constant 0 : i32
        %dma_start3A_191 = tpu.memref_slice %arg6[%run_scoped3A_133, %dma_start3A_190] : memref<25x80xi32, #tpu.memory_space<vmem>> -> memref<1x80xi32, #tpu.memory_space<vmem>>
        %dma_start3A_192 = tpu.memref_squeeze %dma_start3A_191 : memref<1x80xi32, #tpu.memory_space<vmem>> -> memref<80xi32, #tpu.memory_space<vmem>>
        %dma_start3A_193 = arith.constant 0 : i32
        %dma_start3A_194 = arith.constant 0 : i32
        %dma_start3A_195 = tpu.memref_slice %arg9[%dma_start3A_193, %dma_start3A_194] : memref<10240x128xf32, #tpu.memory_space<vmem_shared>> -> memref<10240x128xf32, #tpu.memory_space<vmem_shared>>
        tpu.enqueue_indirect_dma source(%dma_start3A_189 : memref<80x128xf32, #tpu.memory_space<vmem>>) target(%dma_start3A_195 : memref<10240x128xf32, #tpu.memory_space<vmem_shared>>) offsets(%dma_start3A_192 : memref<80xi32, #tpu.memory_space<vmem>>) semaphore(%run_scoped3A_185 : memref<!tpu.dma_semaphore, #tpu.memory_space<semaphore_mem>>) {add = true}
        %dma_wait3A_196 = arith.constant 0 : i32
        %dma_wait3A_197 = arith.constant 0 : i32
        %dma_wait3A_198 = tpu.memref_slice %arg7[%run_scoped3A_132, %dma_wait3A_196, %dma_wait3A_197] : memref<4x80x128xf32, #tpu.memory_space<vmem>> -> memref<1x80x128xf32, #tpu.memory_space<vmem>>
        %dma_wait3A_199 = tpu.memref_squeeze %dma_wait3A_198 : memref<1x80x128xf32, #tpu.memory_space<vmem>> -> memref<80x128xf32, #tpu.memory_space<vmem>>
        %dma_wait3A_200 = arith.constant 0 : i32
        %dma_wait3A_201 = tpu.memref_slice %arg6[%run_scoped3A_133, %dma_wait3A_200] : memref<25x80xi32, #tpu.memory_space<vmem>> -> memref<1x80xi32, #tpu.memory_space<vmem>>
        %dma_wait3A_202 = tpu.memref_squeeze %dma_wait3A_201 : memref<1x80xi32, #tpu.memory_space<vmem>> -> memref<80xi32, #tpu.memory_space<vmem>>
        %dma_wait3A_203 = arith.constant 0 : i32
        %dma_wait3A_204 = arith.constant 0 : i32
        %dma_wait3A_205 = tpu.memref_slice %arg9[%dma_wait3A_203, %dma_wait3A_204] : memref<10240x128xf32, #tpu.memory_space<vmem_shared>> -> memref<10240x128xf32, #tpu.memory_space<vmem_shared>>
        tpu.wait_indirect_dma semaphore(%run_scoped3A_185 : memref<!tpu.dma_semaphore, #tpu.memory_space<semaphore_mem>>) src(%dma_wait3A_199 : memref<80x128xf32, #tpu.memory_space<vmem>>) dst(%dma_wait3A_205 : memref<10240x128xf32, #tpu.memory_space<vmem_shared>>)
        tpu.yield
      }) : () -> ()
      %dma_wait3A_134 = arith.constant 22 : i32
      %dma_wait3A_135 = arith.constant 2 : i32
      %dma_wait3A_136 = arith.constant 2 : i32
      %dma_wait3A_137 = arith.constant 0 : i32
      %dma_wait3A_138 = arith.constant 0 : i32
      %dma_wait3A_139 = tpu.memref_slice %arg7[%dma_wait3A_135, %dma_wait3A_137, %dma_wait3A_138] : memref<4x80x128xf32, #tpu.memory_space<vmem>> -> memref<1x80x128xf32, #tpu.memory_space<vmem>>
      %dma_wait3A_140 = tpu.memref_squeeze %dma_wait3A_139 : memref<1x80x128xf32, #tpu.memory_space<vmem>> -> memref<80x128xf32, #tpu.memory_space<vmem>>
      %dma_wait3A_141 = arith.constant 0 : i32
      %dma_wait3A_142 = tpu.memref_slice %arg5[%dma_wait3A_134, %dma_wait3A_141] : memref<25x80xi32, #tpu.memory_space<vmem>> -> memref<1x80xi32, #tpu.memory_space<vmem>>
      %dma_wait3A_143 = tpu.memref_squeeze %dma_wait3A_142 : memref<1x80xi32, #tpu.memory_space<vmem>> -> memref<80xi32, #tpu.memory_space<vmem>>
      %dma_wait3A_144 = arith.constant 0 : i32
      %dma_wait3A_145 = arith.constant 0 : i32
      %dma_wait3A_146 = tpu.memref_slice %arg2[%dma_wait3A_144, %dma_wait3A_145] : memref<10000x128xf32, #tpu.memory_space<hbm>> -> memref<10000x128xf32, #tpu.memory_space<hbm>>
      %dma_wait3A_147 = tpu.memref_slice %arg8[%dma_wait3A_136] : memref<4x!tpu.dma_semaphore, #tpu.memory_space<semaphore_mem>> -> memref<1x!tpu.dma_semaphore, #tpu.memory_space<semaphore_mem>>
      %dma_wait3A_148 = tpu.memref_squeeze %dma_wait3A_147 : memref<1x!tpu.dma_semaphore, #tpu.memory_space<semaphore_mem>> -> memref<!tpu.dma_semaphore, #tpu.memory_space<semaphore_mem>>
      tpu.wait_indirect_dma semaphore(%dma_wait3A_148 : memref<!tpu.dma_semaphore, #tpu.memory_space<semaphore_mem>>) src(%dma_wait3A_146 : memref<10000x128xf32, #tpu.memory_space<hbm>>) dst(%dma_wait3A_140 : memref<80x128xf32, #tpu.memory_space<vmem>>)
      %run_scoped3A_149 = arith.constant 2 : i32
      %run_scoped3A_150 = arith.constant 22 : i32
      "tpu.region"() ({
        %run_scoped3A_185 = tpu.sem_alloc : memref<!tpu.dma_semaphore, #tpu.memory_space<semaphore_mem>>
        %dma_start3A_186 = arith.constant 0 : i32
        %dma_start3A_187 = arith.constant 0 : i32
        %dma_start3A_188 = tpu.memref_slice %arg7[%run_scoped3A_149, %dma_start3A_186, %dma_start3A_187] : memref<4x80x128xf32, #tpu.memory_space<vmem>> -> memref<1x80x128xf32, #tpu.memory_space<vmem>>
        %dma_start3A_189 = tpu.memref_squeeze %dma_start3A_188 : memref<1x80x128xf32, #tpu.memory_space<vmem>> -> memref<80x128xf32, #tpu.memory_space<vmem>>
        %dma_start3A_190 = arith.constant 0 : i32
        %dma_start3A_191 = tpu.memref_slice %arg6[%run_scoped3A_150, %dma_start3A_190] : memref<25x80xi32, #tpu.memory_space<vmem>> -> memref<1x80xi32, #tpu.memory_space<vmem>>
        %dma_start3A_192 = tpu.memref_squeeze %dma_start3A_191 : memref<1x80xi32, #tpu.memory_space<vmem>> -> memref<80xi32, #tpu.memory_space<vmem>>
        %dma_start3A_193 = arith.constant 0 : i32
        %dma_start3A_194 = arith.constant 0 : i32
        %dma_start3A_195 = tpu.memref_slice %arg9[%dma_start3A_193, %dma_start3A_194] : memref<10240x128xf32, #tpu.memory_space<vmem_shared>> -> memref<10240x128xf32, #tpu.memory_space<vmem_shared>>
        tpu.enqueue_indirect_dma source(%dma_start3A_189 : memref<80x128xf32, #tpu.memory_space<vmem>>) target(%dma_start3A_195 : memref<10240x128xf32, #tpu.memory_space<vmem_shared>>) offsets(%dma_start3A_192 : memref<80xi32, #tpu.memory_space<vmem>>) semaphore(%run_scoped3A_185 : memref<!tpu.dma_semaphore, #tpu.memory_space<semaphore_mem>>) {add = true}
        %dma_wait3A_196 = arith.constant 0 : i32
        %dma_wait3A_197 = arith.constant 0 : i32
        %dma_wait3A_198 = tpu.memref_slice %arg7[%run_scoped3A_149, %dma_wait3A_196, %dma_wait3A_197] : memref<4x80x128xf32, #tpu.memory_space<vmem>> -> memref<1x80x128xf32, #tpu.memory_space<vmem>>
        %dma_wait3A_199 = tpu.memref_squeeze %dma_wait3A_198 : memref<1x80x128xf32, #tpu.memory_space<vmem>> -> memref<80x128xf32, #tpu.memory_space<vmem>>
        %dma_wait3A_200 = arith.constant 0 : i32
        %dma_wait3A_201 = tpu.memref_slice %arg6[%run_scoped3A_150, %dma_wait3A_200] : memref<25x80xi32, #tpu.memory_space<vmem>> -> memref<1x80xi32, #tpu.memory_space<vmem>>
        %dma_wait3A_202 = tpu.memref_squeeze %dma_wait3A_201 : memref<1x80xi32, #tpu.memory_space<vmem>> -> memref<80xi32, #tpu.memory_space<vmem>>
        %dma_wait3A_203 = arith.constant 0 : i32
        %dma_wait3A_204 = arith.constant 0 : i32
        %dma_wait3A_205 = tpu.memref_slice %arg9[%dma_wait3A_203, %dma_wait3A_204] : memref<10240x128xf32, #tpu.memory_space<vmem_shared>> -> memref<10240x128xf32, #tpu.memory_space<vmem_shared>>
        tpu.wait_indirect_dma semaphore(%run_scoped3A_185 : memref<!tpu.dma_semaphore, #tpu.memory_space<semaphore_mem>>) src(%dma_wait3A_199 : memref<80x128xf32, #tpu.memory_space<vmem>>) dst(%dma_wait3A_205 : memref<10240x128xf32, #tpu.memory_space<vmem_shared>>)
        tpu.yield
      }) : () -> ()
      %dma_wait3A_151 = arith.constant 23 : i32
      %dma_wait3A_152 = arith.constant 3 : i32
      %dma_wait3A_153 = arith.constant 3 : i32
      %dma_wait3A_154 = arith.constant 0 : i32
      %dma_wait3A_155 = arith.constant 0 : i32
      %dma_wait3A_156 = tpu.memref_slice %arg7[%dma_wait3A_152, %dma_wait3A_154, %dma_wait3A_155] : memref<4x80x128xf32, #tpu.memory_space<vmem>> -> memref<1x80x128xf32, #tpu.memory_space<vmem>>
      %dma_wait3A_157 = tpu.memref_squeeze %dma_wait3A_156 : memref<1x80x128xf32, #tpu.memory_space<vmem>> -> memref<80x128xf32, #tpu.memory_space<vmem>>
      %dma_wait3A_158 = arith.constant 0 : i32
      %dma_wait3A_159 = tpu.memref_slice %arg5[%dma_wait3A_151, %dma_wait3A_158] : memref<25x80xi32, #tpu.memory_space<vmem>> -> memref<1x80xi32, #tpu.memory_space<vmem>>
      %dma_wait3A_160 = tpu.memref_squeeze %dma_wait3A_159 : memref<1x80xi32, #tpu.memory_space<vmem>> -> memref<80xi32, #tpu.memory_space<vmem>>
      %dma_wait3A_161 = arith.constant 0 : i32
      %dma_wait3A_162 = arith.constant 0 : i32
      %dma_wait3A_163 = tpu.memref_slice %arg2[%dma_wait3A_161, %dma_wait3A_162] : memref<10000x128xf32, #tpu.memory_space<hbm>> -> memref<10000x128xf32, #tpu.memory_space<hbm>>
      %dma_wait3A_164 = tpu.memref_slice %arg8[%dma_wait3A_153] : memref<4x!tpu.dma_semaphore, #tpu.memory_space<semaphore_mem>> -> memref<1x!tpu.dma_semaphore, #tpu.memory_space<semaphore_mem>>
      %dma_wait3A_165 = tpu.memref_squeeze %dma_wait3A_164 : memref<1x!tpu.dma_semaphore, #tpu.memory_space<semaphore_mem>> -> memref<!tpu.dma_semaphore, #tpu.memory_space<semaphore_mem>>
      tpu.wait_indirect_dma semaphore(%dma_wait3A_165 : memref<!tpu.dma_semaphore, #tpu.memory_space<semaphore_mem>>) src(%dma_wait3A_163 : memref<10000x128xf32, #tpu.memory_space<hbm>>) dst(%dma_wait3A_157 : memref<80x128xf32, #tpu.memory_space<vmem>>)
      %run_scoped3A_166 = arith.constant 3 : i32
      %run_scoped3A_167 = arith.constant 23 : i32
      "tpu.region"() ({
        %run_scoped3A_185 = tpu.sem_alloc : memref<!tpu.dma_semaphore, #tpu.memory_space<semaphore_mem>>
        %dma_start3A_186 = arith.constant 0 : i32
        %dma_start3A_187 = arith.constant 0 : i32
        %dma_start3A_188 = tpu.memref_slice %arg7[%run_scoped3A_166, %dma_start3A_186, %dma_start3A_187] : memref<4x80x128xf32, #tpu.memory_space<vmem>> -> memref<1x80x128xf32, #tpu.memory_space<vmem>>
        %dma_start3A_189 = tpu.memref_squeeze %dma_start3A_188 : memref<1x80x128xf32, #tpu.memory_space<vmem>> -> memref<80x128xf32, #tpu.memory_space<vmem>>
        %dma_start3A_190 = arith.constant 0 : i32
        %dma_start3A_191 = tpu.memref_slice %arg6[%run_scoped3A_167, %dma_start3A_190] : memref<25x80xi32, #tpu.memory_space<vmem>> -> memref<1x80xi32, #tpu.memory_space<vmem>>
        %dma_start3A_192 = tpu.memref_squeeze %dma_start3A_191 : memref<1x80xi32, #tpu.memory_space<vmem>> -> memref<80xi32, #tpu.memory_space<vmem>>
        %dma_start3A_193 = arith.constant 0 : i32
        %dma_start3A_194 = arith.constant 0 : i32
        %dma_start3A_195 = tpu.memref_slice %arg9[%dma_start3A_193, %dma_start3A_194] : memref<10240x128xf32, #tpu.memory_space<vmem_shared>> -> memref<10240x128xf32, #tpu.memory_space<vmem_shared>>
        tpu.enqueue_indirect_dma source(%dma_start3A_189 : memref<80x128xf32, #tpu.memory_space<vmem>>) target(%dma_start3A_195 : memref<10240x128xf32, #tpu.memory_space<vmem_shared>>) offsets(%dma_start3A_192 : memref<80xi32, #tpu.memory_space<vmem>>) semaphore(%run_scoped3A_185 : memref<!tpu.dma_semaphore, #tpu.memory_space<semaphore_mem>>) {add = true}
        %dma_wait3A_196 = arith.constant 0 : i32
        %dma_wait3A_197 = arith.constant 0 : i32
        %dma_wait3A_198 = tpu.memref_slice %arg7[%run_scoped3A_166, %dma_wait3A_196, %dma_wait3A_197] : memref<4x80x128xf32, #tpu.memory_space<vmem>> -> memref<1x80x128xf32, #tpu.memory_space<vmem>>
        %dma_wait3A_199 = tpu.memref_squeeze %dma_wait3A_198 : memref<1x80x128xf32, #tpu.memory_space<vmem>> -> memref<80x128xf32, #tpu.memory_space<vmem>>
        %dma_wait3A_200 = arith.constant 0 : i32
        %dma_wait3A_201 = tpu.memref_slice %arg6[%run_scoped3A_167, %dma_wait3A_200] : memref<25x80xi32, #tpu.memory_space<vmem>> -> memref<1x80xi32, #tpu.memory_space<vmem>>
        %dma_wait3A_202 = tpu.memref_squeeze %dma_wait3A_201 : memref<1x80xi32, #tpu.memory_space<vmem>> -> memref<80xi32, #tpu.memory_space<vmem>>
        %dma_wait3A_203 = arith.constant 0 : i32
        %dma_wait3A_204 = arith.constant 0 : i32
        %dma_wait3A_205 = tpu.memref_slice %arg9[%dma_wait3A_203, %dma_wait3A_204] : memref<10240x128xf32, #tpu.memory_space<vmem_shared>> -> memref<10240x128xf32, #tpu.memory_space<vmem_shared>>
        tpu.wait_indirect_dma semaphore(%run_scoped3A_185 : memref<!tpu.dma_semaphore, #tpu.memory_space<semaphore_mem>>) src(%dma_wait3A_199 : memref<80x128xf32, #tpu.memory_space<vmem>>) dst(%dma_wait3A_205 : memref<10240x128xf32, #tpu.memory_space<vmem_shared>>)
        tpu.yield
      }) : () -> ()
      %dma_wait3A_168 = arith.constant 24 : i32
      %dma_wait3A_169 = arith.constant 0 : i32
      %dma_wait3A_170 = arith.constant 0 : i32
      %dma_wait3A_171 = arith.constant 0 : i32
      %dma_wait3A_172 = arith.constant 0 : i32
      %dma_wait3A_173 = tpu.memref_slice %arg7[%dma_wait3A_169, %dma_wait3A_171, %dma_wait3A_172] : memref<4x80x128xf32, #tpu.memory_space<vmem>> -> memref<1x80x128xf32, #tpu.memory_space<vmem>>
      %dma_wait3A_174 = tpu.memref_squeeze %dma_wait3A_173 : memref<1x80x128xf32, #tpu.memory_space<vmem>> -> memref<80x128xf32, #tpu.memory_space<vmem>>
      %dma_wait3A_175 = arith.constant 0 : i32
      %dma_wait3A_176 = tpu.memref_slice %arg5[%dma_wait3A_168, %dma_wait3A_175] : memref<25x80xi32, #tpu.memory_space<vmem>> -> memref<1x80xi32, #tpu.memory_space<vmem>>
      %dma_wait3A_177 = tpu.memref_squeeze %dma_wait3A_176 : memref<1x80xi32, #tpu.memory_space<vmem>> -> memref<80xi32, #tpu.memory_space<vmem>>
      %dma_wait3A_178 = arith.constant 0 : i32
      %dma_wait3A_179 = arith.constant 0 : i32
      %dma_wait3A_180 = tpu.memref_slice %arg2[%dma_wait3A_178, %dma_wait3A_179] : memref<10000x128xf32, #tpu.memory_space<hbm>> -> memref<10000x128xf32, #tpu.memory_space<hbm>>
      %dma_wait3A_181 = tpu.memref_slice %arg8[%dma_wait3A_170] : memref<4x!tpu.dma_semaphore, #tpu.memory_space<semaphore_mem>> -> memref<1x!tpu.dma_semaphore, #tpu.memory_space<semaphore_mem>>
      %dma_wait3A_182 = tpu.memref_squeeze %dma_wait3A_181 : memref<1x!tpu.dma_semaphore, #tpu.memory_space<semaphore_mem>> -> memref<!tpu.dma_semaphore, #tpu.memory_space<semaphore_mem>>
      tpu.wait_indirect_dma semaphore(%dma_wait3A_182 : memref<!tpu.dma_semaphore, #tpu.memory_space<semaphore_mem>>) src(%dma_wait3A_180 : memref<10000x128xf32, #tpu.memory_space<hbm>>) dst(%dma_wait3A_174 : memref<80x128xf32, #tpu.memory_space<vmem>>)
      %run_scoped3A_183 = arith.constant 0 : i32
      %run_scoped3A_184 = arith.constant 24 : i32
      "tpu.region"() ({
        %run_scoped3A_185 = tpu.sem_alloc : memref<!tpu.dma_semaphore, #tpu.memory_space<semaphore_mem>>
        %dma_start3A_186 = arith.constant 0 : i32
        %dma_start3A_187 = arith.constant 0 : i32
        %dma_start3A_188 = tpu.memref_slice %arg7[%run_scoped3A_183, %dma_start3A_186, %dma_start3A_187] : memref<4x80x128xf32, #tpu.memory_space<vmem>> -> memref<1x80x128xf32, #tpu.memory_space<vmem>>
        %dma_start3A_189 = tpu.memref_squeeze %dma_start3A_188 : memref<1x80x128xf32, #tpu.memory_space<vmem>> -> memref<80x128xf32, #tpu.memory_space<vmem>>
        %dma_start3A_190 = arith.constant 0 : i32
        %dma_start3A_191 = tpu.memref_slice %arg6[%run_scoped3A_184, %dma_start3A_190] : memref<25x80xi32, #tpu.memory_space<vmem>> -> memref<1x80xi32, #tpu.memory_space<vmem>>
        %dma_start3A_192 = tpu.memref_squeeze %dma_start3A_191 : memref<1x80xi32, #tpu.memory_space<vmem>> -> memref<80xi32, #tpu.memory_space<vmem>>
        %dma_start3A_193 = arith.constant 0 : i32
        %dma_start3A_194 = arith.constant 0 : i32
        %dma_start3A_195 = tpu.memref_slice %arg9[%dma_start3A_193, %dma_start3A_194] : memref<10240x128xf32, #tpu.memory_space<vmem_shared>> -> memref<10240x128xf32, #tpu.memory_space<vmem_shared>>
        tpu.enqueue_indirect_dma source(%dma_start3A_189 : memref<80x128xf32, #tpu.memory_space<vmem>>) target(%dma_start3A_195 : memref<10240x128xf32, #tpu.memory_space<vmem_shared>>) offsets(%dma_start3A_192 : memref<80xi32, #tpu.memory_space<vmem>>) semaphore(%run_scoped3A_185 : memref<!tpu.dma_semaphore, #tpu.memory_space<semaphore_mem>>) {add = true}
        %dma_wait3A_196 = arith.constant 0 : i32
        %dma_wait3A_197 = arith.constant 0 : i32
        %dma_wait3A_198 = tpu.memref_slice %arg7[%run_scoped3A_183, %dma_wait3A_196, %dma_wait3A_197] : memref<4x80x128xf32, #tpu.memory_space<vmem>> -> memref<1x80x128xf32, #tpu.memory_space<vmem>>
        %dma_wait3A_199 = tpu.memref_squeeze %dma_wait3A_198 : memref<1x80x128xf32, #tpu.memory_space<vmem>> -> memref<80x128xf32, #tpu.memory_space<vmem>>
        %dma_wait3A_200 = arith.constant 0 : i32
        %dma_wait3A_201 = tpu.memref_slice %arg6[%run_scoped3A_184, %dma_wait3A_200] : memref<25x80xi32, #tpu.memory_space<vmem>> -> memref<1x80xi32, #tpu.memory_space<vmem>>
        %dma_wait3A_202 = tpu.memref_squeeze %dma_wait3A_201 : memref<1x80xi32, #tpu.memory_space<vmem>> -> memref<80xi32, #tpu.memory_space<vmem>>
        %dma_wait3A_203 = arith.constant 0 : i32
        %dma_wait3A_204 = arith.constant 0 : i32
        %dma_wait3A_205 = tpu.memref_slice %arg9[%dma_wait3A_203, %dma_wait3A_204] : memref<10240x128xf32, #tpu.memory_space<vmem_shared>> -> memref<10240x128xf32, #tpu.memory_space<vmem_shared>>
        tpu.wait_indirect_dma semaphore(%run_scoped3A_185 : memref<!tpu.dma_semaphore, #tpu.memory_space<semaphore_mem>>) src(%dma_wait3A_199 : memref<80x128xf32, #tpu.memory_space<vmem>>) dst(%dma_wait3A_205 : memref<10240x128xf32, #tpu.memory_space<vmem_shared>>)
        tpu.yield
      }) : () -> ()
    }
    %scan3A_15 = arith.constant 5 : i32
    %barrier3A_16 = arith.constant 0 : index
    tpu.barrier barrier_id(%barrier3A_16)
    "tpu.region"() ({
      %run_scoped3A = tpu.sem_alloc : memref<!tpu.dma_semaphore, #tpu.memory_space<semaphore_mem>>
      %dma_start3A = arith.constant 0 : i32
      %dma_start3A_17 = tpu.memref_slice %arg4[%arg0, %multiple_of3A, %dma_start3A] : memref<2x10240x128xf32, #tpu.memory_space<hbm>> -> memref<1x640x128xf32, #tpu.memory_space<hbm>>
      %dma_start3A_18 = tpu.memref_squeeze %dma_start3A_17 : memref<1x640x128xf32, #tpu.memory_space<hbm>> -> memref<640x128xf32, #tpu.memory_space<hbm>>
      %dma_start3A_19 = arith.constant 0 : i32
      %dma_start3A_20 = tpu.memref_slice %arg9[%multiple_of3A, %dma_start3A_19] : memref<10240x128xf32, #tpu.memory_space<vmem_shared>> -> memref<640x128xf32, #tpu.memory_space<vmem_shared>>
      tpu.enqueue_dma source(%dma_start3A_20 : memref<640x128xf32, #tpu.memory_space<vmem_shared>>) target(%dma_start3A_18 : memref<640x128xf32, #tpu.memory_space<hbm>>) target_semaphore(%run_scoped3A : memref<!tpu.dma_semaphore, #tpu.memory_space<semaphore_mem>>)
      %dma_wait3A = arith.constant 0 : i32
      %dma_wait3A_21 = tpu.memref_slice %arg4[%arg0, %multiple_of3A, %dma_wait3A] : memref<2x10240x128xf32, #tpu.memory_space<hbm>> -> memref<1x640x128xf32, #tpu.memory_space<hbm>>
      %dma_wait3A_22 = tpu.memref_squeeze %dma_wait3A_21 : memref<1x640x128xf32, #tpu.memory_space<hbm>> -> memref<640x128xf32, #tpu.memory_space<hbm>>
      %dma_wait3A_23 = arith.constant 0 : i32
      %dma_wait3A_24 = tpu.memref_slice %arg9[%multiple_of3A, %dma_wait3A_23] : memref<10240x128xf32, #tpu.memory_space<vmem_shared>> -> memref<640x128xf32, #tpu.memory_space<vmem_shared>>
      tpu.wait_dma2 semaphore(%run_scoped3A : memref<!tpu.dma_semaphore, #tpu.memory_space<semaphore_mem>>) src(%dma_wait3A_24 : memref<640x128xf32, #tpu.memory_space<vmem_shared>>) dst(%dma_wait3A_22 : memref<640x128xf32, #tpu.memory_space<hbm>>)
      tpu.yield
    }) : () -> ()
    return
  }
}

#map = affine_map<(d0, d1) -> (0, 0, 0, 0, 0, 0)>
#map1 = affine_map<(d0, d1) -> (0, 0)>
module attributes {stable_mosaic.version = 14 : i64} {
  func.func @_deg_body(%arg0: i32, %arg1: i32, %arg2: memref<2x2x16x5x25x80xi32, #tpu.memory_space<hbm>>, %arg3: memref<2x10240xf32, #tpu.memory_space<hbm>>, %arg4: memref<125x80xi32, #tpu.memory_space<vmem>>, %arg5: memref<80xf32, #tpu.memory_space<vmem>>, %arg6: memref<640xf32, #tpu.memory_space<vmem>>, %arg7: memref<!tpu.dma_semaphore, #tpu.memory_space<semaphore_mem>>, %arg8: memref<10240xf32, #tpu.memory_space<vmem_shared>>) attributes {dimension_semantics = [#tpu.dimension_semantics<core_parallel>, #tpu.dimension_semantics<subcore_parallel>], iteration_bounds = array<i64: 2, 16>, scalar_prefetch = 0 : i64, scratch_operands = 5 : i64, tpu.core_type = #tpu.core_type<sc_vector_subcore>, window_params = [{transform_indices = #map}, {transform_indices = #map1}]} {
    %mul3A = arith.constant 640 : i32
    %mul3A_0 = arith.muli %arg1, %mul3A : i32
    %multiple_of3A = tpu.assume_multiple %mul3A_0, 640 : i32
    %scan3A = arith.constant 0 : i32
    %scan3A_1 = arith.constant 40 : i32
    %scan3A_2 = arith.addi %scan3A, %scan3A_1 : i32
    %scan3A_3 = arith.constant 1 : i32
    scf.for %scan3A_77 = %scan3A to %scan3A_2 step %scan3A_3  : i32 {
      %mul3A_78 = arith.constant 1 : i32
      %mul3A_79 = arith.muli %scan3A_77, %mul3A_78 : i32
      %add3A = arith.constant 0 : i32
      %add3A_80 = arith.addi %add3A, %mul3A_79 : i32
      %broadcast_in_dim3A = arith.constant 0.000000e+00 : f32
      %broadcast_in_dim3A_81 = vector.broadcast %broadcast_in_dim3A : f32 to vector<16xf32>
      %mul3A_82 = arith.constant 16 : i32
      %mul3A_83 = arith.muli %add3A_80, %mul3A_82 : i32
      %swap3A = arith.index_cast %mul3A_83 : i32 to index
      %swap3A_84 = tpu.vector_load %arg6[%swap3A] {strides = array<i32>} : memref<640xf32, #tpu.memory_space<vmem>>, vector<16xf32>,
      %swap3A_85 = vector.shape_cast %swap3A_84 : vector<16xf32> to vector<16xf32>
      %swap3A_86 = vector.shape_cast %broadcast_in_dim3A_81 : vector<16xf32> to vector<16xf32>
      tpu.vector_store %arg6[%swap3A], %swap3A_86 {strides = array<i32>} : memref<640xf32, #tpu.memory_space<vmem>>, vector<16xf32>,
    }
    %scan3A_4 = arith.constant 40 : i32
    "tpu.region"() ({
      %run_scoped3A_77 = tpu.sem_alloc : memref<!tpu.dma_semaphore, #tpu.memory_space<semaphore_mem>>
      %dma_start3A_78 = tpu.memref_slice %arg8[%multiple_of3A] : memref<10240xf32, #tpu.memory_space<vmem_shared>> -> memref<640xf32, #tpu.memory_space<vmem_shared>>
      %dma_start3A_79 = tpu.memref_slice %arg8[%multiple_of3A] : memref<10240xf32, #tpu.memory_space<vmem_shared>> -> memref<640xf32, #tpu.memory_space<vmem_shared>>
      tpu.enqueue_dma source(%arg6 : memref<640xf32, #tpu.memory_space<vmem>>) target(%dma_start3A_79 : memref<640xf32, #tpu.memory_space<vmem_shared>>) target_semaphore(%run_scoped3A_77 : memref<!tpu.dma_semaphore, #tpu.memory_space<semaphore_mem>>)
      %dma_wait3A = tpu.memref_slice %arg8[%multiple_of3A] : memref<10240xf32, #tpu.memory_space<vmem_shared>> -> memref<640xf32, #tpu.memory_space<vmem_shared>>
      %dma_wait3A_80 = tpu.memref_slice %arg8[%multiple_of3A] : memref<10240xf32, #tpu.memory_space<vmem_shared>> -> memref<640xf32, #tpu.memory_space<vmem_shared>>
      tpu.wait_dma2 semaphore(%run_scoped3A_77 : memref<!tpu.dma_semaphore, #tpu.memory_space<semaphore_mem>>) src(%arg6 : memref<640xf32, #tpu.memory_space<vmem>>) dst(%dma_wait3A_80 : memref<640xf32, #tpu.memory_space<vmem_shared>>)
      tpu.yield
    }) : () -> ()
    %run_scoped3A = arith.constant 1 : i32
    %run_scoped3A_5 = arith.constant 0 : i32
    "tpu.region"() ({
      %run_scoped3A_77 = tpu.sem_alloc : memref<!tpu.dma_semaphore, #tpu.memory_space<semaphore_mem>>
      %dma_start3A_78 = arith.constant 0 : i32
      %dma_start3A_79 = arith.constant 0 : i32
      %dma_start3A_80 = tpu.memref_slice %arg4[%dma_start3A_78, %dma_start3A_79] : memref<125x80xi32, #tpu.memory_space<vmem>> -> memref<25x80xi32, #tpu.memory_space<vmem>>
      %dma_start3A_81 = arith.constant 0 : i32
      %dma_start3A_82 = arith.constant 0 : i32
      %dma_start3A_83 = tpu.memref_slice %arg2[%run_scoped3A, %arg0, %arg1, %run_scoped3A_5, %dma_start3A_81, %dma_start3A_82] : memref<2x2x16x5x25x80xi32, #tpu.memory_space<hbm>> -> memref<1x1x1x1x25x80xi32, #tpu.memory_space<hbm>>
      %dma_start3A_84 = tpu.memref_squeeze %dma_start3A_83 : memref<1x1x1x1x25x80xi32, #tpu.memory_space<hbm>> -> memref<25x80xi32, #tpu.memory_space<hbm>>
      %dma_start3A_85 = arith.constant 0 : i32
      %dma_start3A_86 = arith.constant 0 : i32
      %dma_start3A_87 = tpu.memref_slice %arg4[%dma_start3A_85, %dma_start3A_86] : memref<125x80xi32, #tpu.memory_space<vmem>> -> memref<25x80xi32, #tpu.memory_space<vmem>>
      %dma_start3A_88 = arith.constant 0 : i32
      %dma_start3A_89 = arith.constant 0 : i32
      %dma_start3A_90 = tpu.memref_slice %arg2[%run_scoped3A, %arg0, %arg1, %run_scoped3A_5, %dma_start3A_88, %dma_start3A_89] : memref<2x2x16x5x25x80xi32, #tpu.memory_space<hbm>> -> memref<1x1x1x1x25x80xi32, #tpu.memory_space<hbm>>
      %dma_start3A_91 = tpu.memref_squeeze %dma_start3A_90 : memref<1x1x1x1x25x80xi32, #tpu.memory_space<hbm>> -> memref<25x80xi32, #tpu.memory_space<hbm>>
      tpu.enqueue_dma source(%dma_start3A_91 : memref<25x80xi32, #tpu.memory_space<hbm>>) target(%dma_start3A_87 : memref<25x80xi32, #tpu.memory_space<vmem>>) target_semaphore(%run_scoped3A_77 : memref<!tpu.dma_semaphore, #tpu.memory_space<semaphore_mem>>)
      %dma_wait3A = arith.constant 0 : i32
      %dma_wait3A_92 = arith.constant 0 : i32
      %dma_wait3A_93 = tpu.memref_slice %arg4[%dma_wait3A, %dma_wait3A_92] : memref<125x80xi32, #tpu.memory_space<vmem>> -> memref<25x80xi32, #tpu.memory_space<vmem>>
      %dma_wait3A_94 = arith.constant 0 : i32
      %dma_wait3A_95 = arith.constant 0 : i32
      %dma_wait3A_96 = tpu.memref_slice %arg2[%run_scoped3A, %arg0, %arg1, %run_scoped3A_5, %dma_wait3A_94, %dma_wait3A_95] : memref<2x2x16x5x25x80xi32, #tpu.memory_space<hbm>> -> memref<1x1x1x1x25x80xi32, #tpu.memory_space<hbm>>
      %dma_wait3A_97 = tpu.memref_squeeze %dma_wait3A_96 : memref<1x1x1x1x25x80xi32, #tpu.memory_space<hbm>> -> memref<25x80xi32, #tpu.memory_space<hbm>>
      %dma_wait3A_98 = arith.constant 0 : i32
      %dma_wait3A_99 = arith.constant 0 : i32
      %dma_wait3A_100 = tpu.memref_slice %arg4[%dma_wait3A_98, %dma_wait3A_99] : memref<125x80xi32, #tpu.memory_space<vmem>> -> memref<25x80xi32, #tpu.memory_space<vmem>>
      %dma_wait3A_101 = arith.constant 0 : i32
      %dma_wait3A_102 = arith.constant 0 : i32
      %dma_wait3A_103 = tpu.memref_slice %arg2[%run_scoped3A, %arg0, %arg1, %run_scoped3A_5, %dma_wait3A_101, %dma_wait3A_102] : memref<2x2x16x5x25x80xi32, #tpu.memory_space<hbm>> -> memref<1x1x1x1x25x80xi32, #tpu.memory_space<hbm>>
      %dma_wait3A_104 = tpu.memref_squeeze %dma_wait3A_103 : memref<1x1x1x1x25x80xi32, #tpu.memory_space<hbm>> -> memref<25x80xi32, #tpu.memory_space<hbm>>
      tpu.wait_dma2 semaphore(%run_scoped3A_77 : memref<!tpu.dma_semaphore, #tpu.memory_space<semaphore_mem>>) src(%dma_wait3A_104 : memref<25x80xi32, #tpu.memory_space<hbm>>) dst(%dma_wait3A_100 : memref<25x80xi32, #tpu.memory_space<vmem>>)
      tpu.yield
    }) : () -> ()
    %run_scoped3A_6 = arith.constant 1 : i32
    %run_scoped3A_7 = arith.constant 1 : i32
    "tpu.region"() ({
      %run_scoped3A_77 = tpu.sem_alloc : memref<!tpu.dma_semaphore, #tpu.memory_space<semaphore_mem>>
      %dma_start3A_78 = arith.constant 25 : i32
      %dma_start3A_79 = arith.constant 0 : i32
      %dma_start3A_80 = tpu.memref_slice %arg4[%dma_start3A_78, %dma_start3A_79] : memref<125x80xi32, #tpu.memory_space<vmem>> -> memref<25x80xi32, #tpu.memory_space<vmem>>
      %dma_start3A_81 = arith.constant 0 : i32
      %dma_start3A_82 = arith.constant 0 : i32
      %dma_start3A_83 = tpu.memref_slice %arg2[%run_scoped3A_6, %arg0, %arg1, %run_scoped3A_7, %dma_start3A_81, %dma_start3A_82] : memref<2x2x16x5x25x80xi32, #tpu.memory_space<hbm>> -> memref<1x1x1x1x25x80xi32, #tpu.memory_space<hbm>>
      %dma_start3A_84 = tpu.memref_squeeze %dma_start3A_83 : memref<1x1x1x1x25x80xi32, #tpu.memory_space<hbm>> -> memref<25x80xi32, #tpu.memory_space<hbm>>
      %dma_start3A_85 = arith.constant 25 : i32
      %dma_start3A_86 = arith.constant 0 : i32
      %dma_start3A_87 = tpu.memref_slice %arg4[%dma_start3A_85, %dma_start3A_86] : memref<125x80xi32, #tpu.memory_space<vmem>> -> memref<25x80xi32, #tpu.memory_space<vmem>>
      %dma_start3A_88 = arith.constant 0 : i32
      %dma_start3A_89 = arith.constant 0 : i32
      %dma_start3A_90 = tpu.memref_slice %arg2[%run_scoped3A_6, %arg0, %arg1, %run_scoped3A_7, %dma_start3A_88, %dma_start3A_89] : memref<2x2x16x5x25x80xi32, #tpu.memory_space<hbm>> -> memref<1x1x1x1x25x80xi32, #tpu.memory_space<hbm>>
      %dma_start3A_91 = tpu.memref_squeeze %dma_start3A_90 : memref<1x1x1x1x25x80xi32, #tpu.memory_space<hbm>> -> memref<25x80xi32, #tpu.memory_space<hbm>>
      tpu.enqueue_dma source(%dma_start3A_91 : memref<25x80xi32, #tpu.memory_space<hbm>>) target(%dma_start3A_87 : memref<25x80xi32, #tpu.memory_space<vmem>>) target_semaphore(%run_scoped3A_77 : memref<!tpu.dma_semaphore, #tpu.memory_space<semaphore_mem>>)
      %dma_wait3A = arith.constant 25 : i32
      %dma_wait3A_92 = arith.constant 0 : i32
      %dma_wait3A_93 = tpu.memref_slice %arg4[%dma_wait3A, %dma_wait3A_92] : memref<125x80xi32, #tpu.memory_space<vmem>> -> memref<25x80xi32, #tpu.memory_space<vmem>>
      %dma_wait3A_94 = arith.constant 0 : i32
      %dma_wait3A_95 = arith.constant 0 : i32
      %dma_wait3A_96 = tpu.memref_slice %arg2[%run_scoped3A_6, %arg0, %arg1, %run_scoped3A_7, %dma_wait3A_94, %dma_wait3A_95] : memref<2x2x16x5x25x80xi32, #tpu.memory_space<hbm>> -> memref<1x1x1x1x25x80xi32, #tpu.memory_space<hbm>>
      %dma_wait3A_97 = tpu.memref_squeeze %dma_wait3A_96 : memref<1x1x1x1x25x80xi32, #tpu.memory_space<hbm>> -> memref<25x80xi32, #tpu.memory_space<hbm>>
      %dma_wait3A_98 = arith.constant 25 : i32
      %dma_wait3A_99 = arith.constant 0 : i32
      %dma_wait3A_100 = tpu.memref_slice %arg4[%dma_wait3A_98, %dma_wait3A_99] : memref<125x80xi32, #tpu.memory_space<vmem>> -> memref<25x80xi32, #tpu.memory_space<vmem>>
      %dma_wait3A_101 = arith.constant 0 : i32
      %dma_wait3A_102 = arith.constant 0 : i32
      %dma_wait3A_103 = tpu.memref_slice %arg2[%run_scoped3A_6, %arg0, %arg1, %run_scoped3A_7, %dma_wait3A_101, %dma_wait3A_102] : memref<2x2x16x5x25x80xi32, #tpu.memory_space<hbm>> -> memref<1x1x1x1x25x80xi32, #tpu.memory_space<hbm>>
      %dma_wait3A_104 = tpu.memref_squeeze %dma_wait3A_103 : memref<1x1x1x1x25x80xi32, #tpu.memory_space<hbm>> -> memref<25x80xi32, #tpu.memory_space<hbm>>
      tpu.wait_dma2 semaphore(%run_scoped3A_77 : memref<!tpu.dma_semaphore, #tpu.memory_space<semaphore_mem>>) src(%dma_wait3A_104 : memref<25x80xi32, #tpu.memory_space<hbm>>) dst(%dma_wait3A_100 : memref<25x80xi32, #tpu.memory_space<vmem>>)
      tpu.yield
    }) : () -> ()
    %run_scoped3A_8 = arith.constant 1 : i32
    %run_scoped3A_9 = arith.constant 2 : i32
    "tpu.region"() ({
      %run_scoped3A_77 = tpu.sem_alloc : memref<!tpu.dma_semaphore, #tpu.memory_space<semaphore_mem>>
      %dma_start3A_78 = arith.constant 50 : i32
      %dma_start3A_79 = arith.constant 0 : i32
      %dma_start3A_80 = tpu.memref_slice %arg4[%dma_start3A_78, %dma_start3A_79] : memref<125x80xi32, #tpu.memory_space<vmem>> -> memref<25x80xi32, #tpu.memory_space<vmem>>
      %dma_start3A_81 = arith.constant 0 : i32
      %dma_start3A_82 = arith.constant 0 : i32
      %dma_start3A_83 = tpu.memref_slice %arg2[%run_scoped3A_8, %arg0, %arg1, %run_scoped3A_9, %dma_start3A_81, %dma_start3A_82] : memref<2x2x16x5x25x80xi32, #tpu.memory_space<hbm>> -> memref<1x1x1x1x25x80xi32, #tpu.memory_space<hbm>>
      %dma_start3A_84 = tpu.memref_squeeze %dma_start3A_83 : memref<1x1x1x1x25x80xi32, #tpu.memory_space<hbm>> -> memref<25x80xi32, #tpu.memory_space<hbm>>
      %dma_start3A_85 = arith.constant 50 : i32
      %dma_start3A_86 = arith.constant 0 : i32
      %dma_start3A_87 = tpu.memref_slice %arg4[%dma_start3A_85, %dma_start3A_86] : memref<125x80xi32, #tpu.memory_space<vmem>> -> memref<25x80xi32, #tpu.memory_space<vmem>>
      %dma_start3A_88 = arith.constant 0 : i32
      %dma_start3A_89 = arith.constant 0 : i32
      %dma_start3A_90 = tpu.memref_slice %arg2[%run_scoped3A_8, %arg0, %arg1, %run_scoped3A_9, %dma_start3A_88, %dma_start3A_89] : memref<2x2x16x5x25x80xi32, #tpu.memory_space<hbm>> -> memref<1x1x1x1x25x80xi32, #tpu.memory_space<hbm>>
      %dma_start3A_91 = tpu.memref_squeeze %dma_start3A_90 : memref<1x1x1x1x25x80xi32, #tpu.memory_space<hbm>> -> memref<25x80xi32, #tpu.memory_space<hbm>>
      tpu.enqueue_dma source(%dma_start3A_91 : memref<25x80xi32, #tpu.memory_space<hbm>>) target(%dma_start3A_87 : memref<25x80xi32, #tpu.memory_space<vmem>>) target_semaphore(%run_scoped3A_77 : memref<!tpu.dma_semaphore, #tpu.memory_space<semaphore_mem>>)
      %dma_wait3A = arith.constant 50 : i32
      %dma_wait3A_92 = arith.constant 0 : i32
      %dma_wait3A_93 = tpu.memref_slice %arg4[%dma_wait3A, %dma_wait3A_92] : memref<125x80xi32, #tpu.memory_space<vmem>> -> memref<25x80xi32, #tpu.memory_space<vmem>>
      %dma_wait3A_94 = arith.constant 0 : i32
      %dma_wait3A_95 = arith.constant 0 : i32
      %dma_wait3A_96 = tpu.memref_slice %arg2[%run_scoped3A_8, %arg0, %arg1, %run_scoped3A_9, %dma_wait3A_94, %dma_wait3A_95] : memref<2x2x16x5x25x80xi32, #tpu.memory_space<hbm>> -> memref<1x1x1x1x25x80xi32, #tpu.memory_space<hbm>>
      %dma_wait3A_97 = tpu.memref_squeeze %dma_wait3A_96 : memref<1x1x1x1x25x80xi32, #tpu.memory_space<hbm>> -> memref<25x80xi32, #tpu.memory_space<hbm>>
      %dma_wait3A_98 = arith.constant 50 : i32
      %dma_wait3A_99 = arith.constant 0 : i32
      %dma_wait3A_100 = tpu.memref_slice %arg4[%dma_wait3A_98, %dma_wait3A_99] : memref<125x80xi32, #tpu.memory_space<vmem>> -> memref<25x80xi32, #tpu.memory_space<vmem>>
      %dma_wait3A_101 = arith.constant 0 : i32
      %dma_wait3A_102 = arith.constant 0 : i32
      %dma_wait3A_103 = tpu.memref_slice %arg2[%run_scoped3A_8, %arg0, %arg1, %run_scoped3A_9, %dma_wait3A_101, %dma_wait3A_102] : memref<2x2x16x5x25x80xi32, #tpu.memory_space<hbm>> -> memref<1x1x1x1x25x80xi32, #tpu.memory_space<hbm>>
      %dma_wait3A_104 = tpu.memref_squeeze %dma_wait3A_103 : memref<1x1x1x1x25x80xi32, #tpu.memory_space<hbm>> -> memref<25x80xi32, #tpu.memory_space<hbm>>
      tpu.wait_dma2 semaphore(%run_scoped3A_77 : memref<!tpu.dma_semaphore, #tpu.memory_space<semaphore_mem>>) src(%dma_wait3A_104 : memref<25x80xi32, #tpu.memory_space<hbm>>) dst(%dma_wait3A_100 : memref<25x80xi32, #tpu.memory_space<vmem>>)
      tpu.yield
    }) : () -> ()
    %run_scoped3A_10 = arith.constant 1 : i32
    %run_scoped3A_11 = arith.constant 3 : i32
    "tpu.region"() ({
      %run_scoped3A_77 = tpu.sem_alloc : memref<!tpu.dma_semaphore, #tpu.memory_space<semaphore_mem>>
      %dma_start3A_78 = arith.constant 75 : i32
      %dma_start3A_79 = arith.constant 0 : i32
      %dma_start3A_80 = tpu.memref_slice %arg4[%dma_start3A_78, %dma_start3A_79] : memref<125x80xi32, #tpu.memory_space<vmem>> -> memref<25x80xi32, #tpu.memory_space<vmem>>
      %dma_start3A_81 = arith.constant 0 : i32
      %dma_start3A_82 = arith.constant 0 : i32
      %dma_start3A_83 = tpu.memref_slice %arg2[%run_scoped3A_10, %arg0, %arg1, %run_scoped3A_11, %dma_start3A_81, %dma_start3A_82] : memref<2x2x16x5x25x80xi32, #tpu.memory_space<hbm>> -> memref<1x1x1x1x25x80xi32, #tpu.memory_space<hbm>>
      %dma_start3A_84 = tpu.memref_squeeze %dma_start3A_83 : memref<1x1x1x1x25x80xi32, #tpu.memory_space<hbm>> -> memref<25x80xi32, #tpu.memory_space<hbm>>
      %dma_start3A_85 = arith.constant 75 : i32
      %dma_start3A_86 = arith.constant 0 : i32
      %dma_start3A_87 = tpu.memref_slice %arg4[%dma_start3A_85, %dma_start3A_86] : memref<125x80xi32, #tpu.memory_space<vmem>> -> memref<25x80xi32, #tpu.memory_space<vmem>>
      %dma_start3A_88 = arith.constant 0 : i32
      %dma_start3A_89 = arith.constant 0 : i32
      %dma_start3A_90 = tpu.memref_slice %arg2[%run_scoped3A_10, %arg0, %arg1, %run_scoped3A_11, %dma_start3A_88, %dma_start3A_89] : memref<2x2x16x5x25x80xi32, #tpu.memory_space<hbm>> -> memref<1x1x1x1x25x80xi32, #tpu.memory_space<hbm>>
      %dma_start3A_91 = tpu.memref_squeeze %dma_start3A_90 : memref<1x1x1x1x25x80xi32, #tpu.memory_space<hbm>> -> memref<25x80xi32, #tpu.memory_space<hbm>>
      tpu.enqueue_dma source(%dma_start3A_91 : memref<25x80xi32, #tpu.memory_space<hbm>>) target(%dma_start3A_87 : memref<25x80xi32, #tpu.memory_space<vmem>>) target_semaphore(%run_scoped3A_77 : memref<!tpu.dma_semaphore, #tpu.memory_space<semaphore_mem>>)
      %dma_wait3A = arith.constant 75 : i32
      %dma_wait3A_92 = arith.constant 0 : i32
      %dma_wait3A_93 = tpu.memref_slice %arg4[%dma_wait3A, %dma_wait3A_92] : memref<125x80xi32, #tpu.memory_space<vmem>> -> memref<25x80xi32, #tpu.memory_space<vmem>>
      %dma_wait3A_94 = arith.constant 0 : i32
      %dma_wait3A_95 = arith.constant 0 : i32
      %dma_wait3A_96 = tpu.memref_slice %arg2[%run_scoped3A_10, %arg0, %arg1, %run_scoped3A_11, %dma_wait3A_94, %dma_wait3A_95] : memref<2x2x16x5x25x80xi32, #tpu.memory_space<hbm>> -> memref<1x1x1x1x25x80xi32, #tpu.memory_space<hbm>>
      %dma_wait3A_97 = tpu.memref_squeeze %dma_wait3A_96 : memref<1x1x1x1x25x80xi32, #tpu.memory_space<hbm>> -> memref<25x80xi32, #tpu.memory_space<hbm>>
      %dma_wait3A_98 = arith.constant 75 : i32
      %dma_wait3A_99 = arith.constant 0 : i32
      %dma_wait3A_100 = tpu.memref_slice %arg4[%dma_wait3A_98, %dma_wait3A_99] : memref<125x80xi32, #tpu.memory_space<vmem>> -> memref<25x80xi32, #tpu.memory_space<vmem>>
      %dma_wait3A_101 = arith.constant 0 : i32
      %dma_wait3A_102 = arith.constant 0 : i32
      %dma_wait3A_103 = tpu.memref_slice %arg2[%run_scoped3A_10, %arg0, %arg1, %run_scoped3A_11, %dma_wait3A_101, %dma_wait3A_102] : memref<2x2x16x5x25x80xi32, #tpu.memory_space<hbm>> -> memref<1x1x1x1x25x80xi32, #tpu.memory_space<hbm>>
      %dma_wait3A_104 = tpu.memref_squeeze %dma_wait3A_103 : memref<1x1x1x1x25x80xi32, #tpu.memory_space<hbm>> -> memref<25x80xi32, #tpu.memory_space<hbm>>
      tpu.wait_dma2 semaphore(%run_scoped3A_77 : memref<!tpu.dma_semaphore, #tpu.memory_space<semaphore_mem>>) src(%dma_wait3A_104 : memref<25x80xi32, #tpu.memory_space<hbm>>) dst(%dma_wait3A_100 : memref<25x80xi32, #tpu.memory_space<vmem>>)
      tpu.yield
    }) : () -> ()
    %run_scoped3A_12 = arith.constant 1 : i32
    %run_scoped3A_13 = arith.constant 4 : i32
    "tpu.region"() ({
      %run_scoped3A_77 = tpu.sem_alloc : memref<!tpu.dma_semaphore, #tpu.memory_space<semaphore_mem>>
      %dma_start3A_78 = arith.constant 100 : i32
      %dma_start3A_79 = arith.constant 0 : i32
      %dma_start3A_80 = tpu.memref_slice %arg4[%dma_start3A_78, %dma_start3A_79] : memref<125x80xi32, #tpu.memory_space<vmem>> -> memref<25x80xi32, #tpu.memory_space<vmem>>
      %dma_start3A_81 = arith.constant 0 : i32
      %dma_start3A_82 = arith.constant 0 : i32
      %dma_start3A_83 = tpu.memref_slice %arg2[%run_scoped3A_12, %arg0, %arg1, %run_scoped3A_13, %dma_start3A_81, %dma_start3A_82] : memref<2x2x16x5x25x80xi32, #tpu.memory_space<hbm>> -> memref<1x1x1x1x25x80xi32, #tpu.memory_space<hbm>>
      %dma_start3A_84 = tpu.memref_squeeze %dma_start3A_83 : memref<1x1x1x1x25x80xi32, #tpu.memory_space<hbm>> -> memref<25x80xi32, #tpu.memory_space<hbm>>
      %dma_start3A_85 = arith.constant 100 : i32
      %dma_start3A_86 = arith.constant 0 : i32
      %dma_start3A_87 = tpu.memref_slice %arg4[%dma_start3A_85, %dma_start3A_86] : memref<125x80xi32, #tpu.memory_space<vmem>> -> memref<25x80xi32, #tpu.memory_space<vmem>>
      %dma_start3A_88 = arith.constant 0 : i32
      %dma_start3A_89 = arith.constant 0 : i32
      %dma_start3A_90 = tpu.memref_slice %arg2[%run_scoped3A_12, %arg0, %arg1, %run_scoped3A_13, %dma_start3A_88, %dma_start3A_89] : memref<2x2x16x5x25x80xi32, #tpu.memory_space<hbm>> -> memref<1x1x1x1x25x80xi32, #tpu.memory_space<hbm>>
      %dma_start3A_91 = tpu.memref_squeeze %dma_start3A_90 : memref<1x1x1x1x25x80xi32, #tpu.memory_space<hbm>> -> memref<25x80xi32, #tpu.memory_space<hbm>>
      tpu.enqueue_dma source(%dma_start3A_91 : memref<25x80xi32, #tpu.memory_space<hbm>>) target(%dma_start3A_87 : memref<25x80xi32, #tpu.memory_space<vmem>>) target_semaphore(%run_scoped3A_77 : memref<!tpu.dma_semaphore, #tpu.memory_space<semaphore_mem>>)
      %dma_wait3A = arith.constant 100 : i32
      %dma_wait3A_92 = arith.constant 0 : i32
      %dma_wait3A_93 = tpu.memref_slice %arg4[%dma_wait3A, %dma_wait3A_92] : memref<125x80xi32, #tpu.memory_space<vmem>> -> memref<25x80xi32, #tpu.memory_space<vmem>>
      %dma_wait3A_94 = arith.constant 0 : i32
      %dma_wait3A_95 = arith.constant 0 : i32
      %dma_wait3A_96 = tpu.memref_slice %arg2[%run_scoped3A_12, %arg0, %arg1, %run_scoped3A_13, %dma_wait3A_94, %dma_wait3A_95] : memref<2x2x16x5x25x80xi32, #tpu.memory_space<hbm>> -> memref<1x1x1x1x25x80xi32, #tpu.memory_space<hbm>>
      %dma_wait3A_97 = tpu.memref_squeeze %dma_wait3A_96 : memref<1x1x1x1x25x80xi32, #tpu.memory_space<hbm>> -> memref<25x80xi32, #tpu.memory_space<hbm>>
      %dma_wait3A_98 = arith.constant 100 : i32
      %dma_wait3A_99 = arith.constant 0 : i32
      %dma_wait3A_100 = tpu.memref_slice %arg4[%dma_wait3A_98, %dma_wait3A_99] : memref<125x80xi32, #tpu.memory_space<vmem>> -> memref<25x80xi32, #tpu.memory_space<vmem>>
      %dma_wait3A_101 = arith.constant 0 : i32
      %dma_wait3A_102 = arith.constant 0 : i32
      %dma_wait3A_103 = tpu.memref_slice %arg2[%run_scoped3A_12, %arg0, %arg1, %run_scoped3A_13, %dma_wait3A_101, %dma_wait3A_102] : memref<2x2x16x5x25x80xi32, #tpu.memory_space<hbm>> -> memref<1x1x1x1x25x80xi32, #tpu.memory_space<hbm>>
      %dma_wait3A_104 = tpu.memref_squeeze %dma_wait3A_103 : memref<1x1x1x1x25x80xi32, #tpu.memory_space<hbm>> -> memref<25x80xi32, #tpu.memory_space<hbm>>
      tpu.wait_dma2 semaphore(%run_scoped3A_77 : memref<!tpu.dma_semaphore, #tpu.memory_space<semaphore_mem>>) src(%dma_wait3A_104 : memref<25x80xi32, #tpu.memory_space<hbm>>) dst(%dma_wait3A_100 : memref<25x80xi32, #tpu.memory_space<vmem>>)
      tpu.yield
    }) : () -> ()
    %scan3A_14 = arith.constant 0 : i32
    %scan3A_15 = arith.constant 5 : i32
    %scan3A_16 = arith.addi %scan3A_14, %scan3A_15 : i32
    %scan3A_17 = arith.constant 1 : i32
    scf.for %scan3A_77 = %scan3A_14 to %scan3A_16 step %scan3A_17  : i32 {
      %mul3A_78 = arith.constant 1 : i32
      %mul3A_79 = arith.muli %scan3A_77, %mul3A_78 : i32
      %add3A = arith.constant 0 : i32
      %add3A_80 = arith.addi %add3A, %mul3A_79 : i32
      %broadcast_in_dim3A = arith.constant 1.000000e+00 : f32
      %broadcast_in_dim3A_81 = vector.broadcast %broadcast_in_dim3A : f32 to vector<16xf32>
      %mul3A_82 = arith.constant 16 : i32
      %mul3A_83 = arith.muli %add3A_80, %mul3A_82 : i32
      %swap3A = arith.index_cast %mul3A_83 : i32 to index
      %swap3A_84 = tpu.vector_load %arg5[%swap3A] {strides = array<i32>} : memref<80xf32, #tpu.memory_space<vmem>>, vector<16xf32>,
      %swap3A_85 = vector.shape_cast %swap3A_84 : vector<16xf32> to vector<16xf32>
      %swap3A_86 = vector.shape_cast %broadcast_in_dim3A_81 : vector<16xf32> to vector<16xf32>
      tpu.vector_store %arg5[%swap3A], %swap3A_86 {strides = array<i32>} : memref<80xf32, #tpu.memory_space<vmem>>, vector<16xf32>,
    }
    %scan3A_18 = arith.constant 5 : i32
    %barrier3A = arith.constant 0 : index
    tpu.barrier barrier_id(%barrier3A)
    %dma_start3A = arith.constant 0 : i32
    %dma_start3A_19 = arith.constant 0 : i32
    %dma_start3A_20 = tpu.memref_slice %arg4[%dma_start3A, %dma_start3A_19] : memref<125x80xi32, #tpu.memory_space<vmem>> -> memref<1x80xi32, #tpu.memory_space<vmem>>
    %dma_start3A_21 = tpu.memref_squeeze %dma_start3A_20 : memref<1x80xi32, #tpu.memory_space<vmem>> -> memref<80xi32, #tpu.memory_space<vmem>>
    %dma_start3A_22 = arith.constant 0 : i32
    %dma_start3A_23 = tpu.memref_slice %arg8[%dma_start3A_22] : memref<10240xf32, #tpu.memory_space<vmem_shared>> -> memref<10240xf32, #tpu.memory_space<vmem_shared>>
    tpu.enqueue_indirect_dma source(%arg5 : memref<80xf32, #tpu.memory_space<vmem>>) target(%dma_start3A_23 : memref<10240xf32, #tpu.memory_space<vmem_shared>>) offsets(%dma_start3A_21 : memref<80xi32, #tpu.memory_space<vmem>>) semaphore(%arg7 : memref<!tpu.dma_semaphore, #tpu.memory_space<semaphore_mem>>) {add = true}
    %dma_start3A_24 = arith.constant 1 : i32
    %dma_start3A_25 = arith.constant 0 : i32
    %dma_start3A_26 = tpu.memref_slice %arg4[%dma_start3A_24, %dma_start3A_25] : memref<125x80xi32, #tpu.memory_space<vmem>> -> memref<1x80xi32, #tpu.memory_space<vmem>>
    %dma_start3A_27 = tpu.memref_squeeze %dma_start3A_26 : memref<1x80xi32, #tpu.memory_space<vmem>> -> memref<80xi32, #tpu.memory_space<vmem>>
    %dma_start3A_28 = arith.constant 0 : i32
    %dma_start3A_29 = tpu.memref_slice %arg8[%dma_start3A_28] : memref<10240xf32, #tpu.memory_space<vmem_shared>> -> memref<10240xf32, #tpu.memory_space<vmem_shared>>
    tpu.enqueue_indirect_dma source(%arg5 : memref<80xf32, #tpu.memory_space<vmem>>) target(%dma_start3A_29 : memref<10240xf32, #tpu.memory_space<vmem_shared>>) offsets(%dma_start3A_27 : memref<80xi32, #tpu.memory_space<vmem>>) semaphore(%arg7 : memref<!tpu.dma_semaphore, #tpu.memory_space<semaphore_mem>>) {add = true}
    %dma_start3A_30 = arith.constant 2 : i32
    %dma_start3A_31 = arith.constant 0 : i32
    %dma_start3A_32 = tpu.memref_slice %arg4[%dma_start3A_30, %dma_start3A_31] : memref<125x80xi32, #tpu.memory_space<vmem>> -> memref<1x80xi32, #tpu.memory_space<vmem>>
    %dma_start3A_33 = tpu.memref_squeeze %dma_start3A_32 : memref<1x80xi32, #tpu.memory_space<vmem>> -> memref<80xi32, #tpu.memory_space<vmem>>
    %dma_start3A_34 = arith.constant 0 : i32
    %dma_start3A_35 = tpu.memref_slice %arg8[%dma_start3A_34] : memref<10240xf32, #tpu.memory_space<vmem_shared>> -> memref<10240xf32, #tpu.memory_space<vmem_shared>>
    tpu.enqueue_indirect_dma source(%arg5 : memref<80xf32, #tpu.memory_space<vmem>>) target(%dma_start3A_35 : memref<10240xf32, #tpu.memory_space<vmem_shared>>) offsets(%dma_start3A_33 : memref<80xi32, #tpu.memory_space<vmem>>) semaphore(%arg7 : memref<!tpu.dma_semaphore, #tpu.memory_space<semaphore_mem>>) {add = true}
    %dma_start3A_36 = arith.constant 3 : i32
    %dma_start3A_37 = arith.constant 0 : i32
    %dma_start3A_38 = tpu.memref_slice %arg4[%dma_start3A_36, %dma_start3A_37] : memref<125x80xi32, #tpu.memory_space<vmem>> -> memref<1x80xi32, #tpu.memory_space<vmem>>
    %dma_start3A_39 = tpu.memref_squeeze %dma_start3A_38 : memref<1x80xi32, #tpu.memory_space<vmem>> -> memref<80xi32, #tpu.memory_space<vmem>>
    %dma_start3A_40 = arith.constant 0 : i32
    %dma_start3A_41 = tpu.memref_slice %arg8[%dma_start3A_40] : memref<10240xf32, #tpu.memory_space<vmem_shared>> -> memref<10240xf32, #tpu.memory_space<vmem_shared>>
    tpu.enqueue_indirect_dma source(%arg5 : memref<80xf32, #tpu.memory_space<vmem>>) target(%dma_start3A_41 : memref<10240xf32, #tpu.memory_space<vmem_shared>>) offsets(%dma_start3A_39 : memref<80xi32, #tpu.memory_space<vmem>>) semaphore(%arg7 : memref<!tpu.dma_semaphore, #tpu.memory_space<semaphore_mem>>) {add = true}
    %dma_start3A_42 = arith.constant 4 : i32
    %dma_start3A_43 = arith.constant 0 : i32
    %dma_start3A_44 = tpu.memref_slice %arg4[%dma_start3A_42, %dma_start3A_43] : memref<125x80xi32, #tpu.memory_space<vmem>> -> memref<1x80xi32, #tpu.memory_space<vmem>>
    %dma_start3A_45 = tpu.memref_squeeze %dma_start3A_44 : memref<1x80xi32, #tpu.memory_space<vmem>> -> memref<80xi32, #tpu.memory_space<vmem>>
    %dma_start3A_46 = arith.constant 0 : i32
    %dma_start3A_47 = tpu.memref_slice %arg8[%dma_start3A_46] : memref<10240xf32, #tpu.memory_space<vmem_shared>> -> memref<10240xf32, #tpu.memory_space<vmem_shared>>
    tpu.enqueue_indirect_dma source(%arg5 : memref<80xf32, #tpu.memory_space<vmem>>) target(%dma_start3A_47 : memref<10240xf32, #tpu.memory_space<vmem_shared>>) offsets(%dma_start3A_45 : memref<80xi32, #tpu.memory_space<vmem>>) semaphore(%arg7 : memref<!tpu.dma_semaphore, #tpu.memory_space<semaphore_mem>>) {add = true}
    %dma_start3A_48 = arith.constant 5 : i32
    %dma_start3A_49 = arith.constant 0 : i32
    %dma_start3A_50 = tpu.memref_slice %arg4[%dma_start3A_48, %dma_start3A_49] : memref<125x80xi32, #tpu.memory_space<vmem>> -> memref<1x80xi32, #tpu.memory_space<vmem>>
    %dma_start3A_51 = tpu.memref_squeeze %dma_start3A_50 : memref<1x80xi32, #tpu.memory_space<vmem>> -> memref<80xi32, #tpu.memory_space<vmem>>
    %dma_start3A_52 = arith.constant 0 : i32
    %dma_start3A_53 = tpu.memref_slice %arg8[%dma_start3A_52] : memref<10240xf32, #tpu.memory_space<vmem_shared>> -> memref<10240xf32, #tpu.memory_space<vmem_shared>>
    tpu.enqueue_indirect_dma source(%arg5 : memref<80xf32, #tpu.memory_space<vmem>>) target(%dma_start3A_53 : memref<10240xf32, #tpu.memory_space<vmem_shared>>) offsets(%dma_start3A_51 : memref<80xi32, #tpu.memory_space<vmem>>) semaphore(%arg7 : memref<!tpu.dma_semaphore, #tpu.memory_space<semaphore_mem>>) {add = true}
    %dma_start3A_54 = arith.constant 6 : i32
    %dma_start3A_55 = arith.constant 0 : i32
    %dma_start3A_56 = tpu.memref_slice %arg4[%dma_start3A_54, %dma_start3A_55] : memref<125x80xi32, #tpu.memory_space<vmem>> -> memref<1x80xi32, #tpu.memory_space<vmem>>
    %dma_start3A_57 = tpu.memref_squeeze %dma_start3A_56 : memref<1x80xi32, #tpu.memory_space<vmem>> -> memref<80xi32, #tpu.memory_space<vmem>>
    %dma_start3A_58 = arith.constant 0 : i32
    %dma_start3A_59 = tpu.memref_slice %arg8[%dma_start3A_58] : memref<10240xf32, #tpu.memory_space<vmem_shared>> -> memref<10240xf32, #tpu.memory_space<vmem_shared>>
    tpu.enqueue_indirect_dma source(%arg5 : memref<80xf32, #tpu.memory_space<vmem>>) target(%dma_start3A_59 : memref<10240xf32, #tpu.memory_space<vmem_shared>>) offsets(%dma_start3A_57 : memref<80xi32, #tpu.memory_space<vmem>>) semaphore(%arg7 : memref<!tpu.dma_semaphore, #tpu.memory_space<semaphore_mem>>) {add = true}
    %dma_start3A_60 = arith.constant 7 : i32
    %dma_start3A_61 = arith.constant 0 : i32
    %dma_start3A_62 = tpu.memref_slice %arg4[%dma_start3A_60, %dma_start3A_61] : memref<125x80xi32, #tpu.memory_space<vmem>> -> memref<1x80xi32, #tpu.memory_space<vmem>>
    %dma_start3A_63 = tpu.memref_squeeze %dma_start3A_62 : memref<1x80xi32, #tpu.memory_space<vmem>> -> memref<80xi32, #tpu.memory_space<vmem>>
    %dma_start3A_64 = arith.constant 0 : i32
    %dma_start3A_65 = tpu.memref_slice %arg8[%dma_start3A_64] : memref<10240xf32, #tpu.memory_space<vmem_shared>> -> memref<10240xf32, #tpu.memory_space<vmem_shared>>
    tpu.enqueue_indirect_dma source(%arg5 : memref<80xf32, #tpu.memory_space<vmem>>) target(%dma_start3A_65 : memref<10240xf32, #tpu.memory_space<vmem_shared>>) offsets(%dma_start3A_63 : memref<80xi32, #tpu.memory_space<vmem>>) semaphore(%arg7 : memref<!tpu.dma_semaphore, #tpu.memory_space<semaphore_mem>>) {add = true}
    %scan3A_66 = arith.constant 0 : i32
    %scan3A_67 = arith.constant 117 : i32
    %scan3A_68 = arith.addi %scan3A_66, %scan3A_67 : i32
    %scan3A_69 = arith.constant 1 : i32
    scf.for %scan3A_77 = %scan3A_66 to %scan3A_68 step %scan3A_69  : i32 {
      %mul3A_78 = arith.constant 1 : i32
      %mul3A_79 = arith.muli %scan3A_77, %mul3A_78 : i32
      %add3A = arith.constant 8 : i32
      %add3A_80 = arith.addi %add3A, %mul3A_79 : i32
      %dma_start3A_81 = arith.constant 0 : i32
      %dma_start3A_82 = tpu.memref_slice %arg4[%add3A_80, %dma_start3A_81] : memref<125x80xi32, #tpu.memory_space<vmem>> -> memref<1x80xi32, #tpu.memory_space<vmem>>
      %dma_start3A_83 = tpu.memref_squeeze %dma_start3A_82 : memref<1x80xi32, #tpu.memory_space<vmem>> -> memref<80xi32, #tpu.memory_space<vmem>>
      %dma_start3A_84 = arith.constant 0 : i32
      %dma_start3A_85 = tpu.memref_slice %arg8[%dma_start3A_84] : memref<10240xf32, #tpu.memory_space<vmem_shared>> -> memref<10240xf32, #tpu.memory_space<vmem_shared>>
      tpu.enqueue_indirect_dma source(%arg5 : memref<80xf32, #tpu.memory_space<vmem>>) target(%dma_start3A_85 : memref<10240xf32, #tpu.memory_space<vmem_shared>>) offsets(%dma_start3A_83 : memref<80xi32, #tpu.memory_space<vmem>>) semaphore(%arg7 : memref<!tpu.dma_semaphore, #tpu.memory_space<semaphore_mem>>) {add = true}
      %sub3A = arith.constant 8 : i32
      %sub3A_86 = arith.subi %add3A_80, %sub3A : i32
      %dma_wait3A = arith.constant 0 : i32
      %dma_wait3A_87 = tpu.memref_slice %arg4[%sub3A_86, %dma_wait3A] : memref<125x80xi32, #tpu.memory_space<vmem>> -> memref<1x80xi32, #tpu.memory_space<vmem>>
      %dma_wait3A_88 = tpu.memref_squeeze %dma_wait3A_87 : memref<1x80xi32, #tpu.memory_space<vmem>> -> memref<80xi32, #tpu.memory_space<vmem>>
      %dma_wait3A_89 = arith.constant 0 : i32
      %dma_wait3A_90 = tpu.memref_slice %arg8[%dma_wait3A_89] : memref<10240xf32, #tpu.memory_space<vmem_shared>> -> memref<10240xf32, #tpu.memory_space<vmem_shared>>
      tpu.wait_indirect_dma semaphore(%arg7 : memref<!tpu.dma_semaphore, #tpu.memory_space<semaphore_mem>>) src(%arg5 : memref<80xf32, #tpu.memory_space<vmem>>) dst(%dma_wait3A_90 : memref<10240xf32, #tpu.memory_space<vmem_shared>>)
    }
    %scan3A_70 = arith.constant 117 : i32
    %scan3A_71 = arith.constant 0 : i32
    %scan3A_72 = arith.constant 8 : i32
    %scan3A_73 = arith.addi %scan3A_71, %scan3A_72 : i32
    %scan3A_74 = arith.constant 1 : i32
    scf.for %scan3A_77 = %scan3A_71 to %scan3A_73 step %scan3A_74  : i32 {
      %mul3A_78 = arith.constant 1 : i32
      %mul3A_79 = arith.muli %scan3A_77, %mul3A_78 : i32
      %add3A = arith.constant 117 : i32
      %add3A_80 = arith.addi %add3A, %mul3A_79 : i32
      %dma_wait3A = arith.constant 0 : i32
      %dma_wait3A_81 = tpu.memref_slice %arg4[%add3A_80, %dma_wait3A] : memref<125x80xi32, #tpu.memory_space<vmem>> -> memref<1x80xi32, #tpu.memory_space<vmem>>
      %dma_wait3A_82 = tpu.memref_squeeze %dma_wait3A_81 : memref<1x80xi32, #tpu.memory_space<vmem>> -> memref<80xi32, #tpu.memory_space<vmem>>
      %dma_wait3A_83 = arith.constant 0 : i32
      %dma_wait3A_84 = tpu.memref_slice %arg8[%dma_wait3A_83] : memref<10240xf32, #tpu.memory_space<vmem_shared>> -> memref<10240xf32, #tpu.memory_space<vmem_shared>>
      tpu.wait_indirect_dma semaphore(%arg7 : memref<!tpu.dma_semaphore, #tpu.memory_space<semaphore_mem>>) src(%arg5 : memref<80xf32, #tpu.memory_space<vmem>>) dst(%dma_wait3A_84 : memref<10240xf32, #tpu.memory_space<vmem_shared>>)
    }
    %scan3A_75 = arith.constant 8 : i32
    %barrier3A_76 = arith.constant 0 : index
    tpu.barrier barrier_id(%barrier3A_76)
    "tpu.region"() ({
      %run_scoped3A_77 = tpu.sem_alloc : memref<!tpu.dma_semaphore, #tpu.memory_space<semaphore_mem>>
      %dma_start3A_78 = tpu.memref_slice %arg3[%arg0, %multiple_of3A] : memref<2x10240xf32, #tpu.memory_space<hbm>> -> memref<1x640xf32, #tpu.memory_space<hbm>>
      %dma_start3A_79 = tpu.memref_squeeze %dma_start3A_78 : memref<1x640xf32, #tpu.memory_space<hbm>> -> memref<640xf32, #tpu.memory_space<hbm>>
      %dma_start3A_80 = tpu.memref_slice %arg8[%multiple_of3A] : memref<10240xf32, #tpu.memory_space<vmem_shared>> -> memref<640xf32, #tpu.memory_space<vmem_shared>>
      tpu.enqueue_dma source(%dma_start3A_80 : memref<640xf32, #tpu.memory_space<vmem_shared>>) target(%dma_start3A_79 : memref<640xf32, #tpu.memory_space<hbm>>) target_semaphore(%run_scoped3A_77 : memref<!tpu.dma_semaphore, #tpu.memory_space<semaphore_mem>>)
      %dma_wait3A = tpu.memref_slice %arg3[%arg0, %multiple_of3A] : memref<2x10240xf32, #tpu.memory_space<hbm>> -> memref<1x640xf32, #tpu.memory_space<hbm>>
      %dma_wait3A_81 = tpu.memref_squeeze %dma_wait3A : memref<1x640xf32, #tpu.memory_space<hbm>> -> memref<640xf32, #tpu.memory_space<hbm>>
      %dma_wait3A_82 = tpu.memref_slice %arg8[%multiple_of3A] : memref<10240xf32, #tpu.memory_space<vmem_shared>> -> memref<640xf32, #tpu.memory_space<vmem_shared>>
      tpu.wait_dma2 semaphore(%run_scoped3A_77 : memref<!tpu.dma_semaphore, #tpu.memory_space<semaphore_mem>>) src(%dma_wait3A_82 : memref<640xf32, #tpu.memory_space<vmem_shared>>) dst(%dma_wait3A_81 : memref<640xf32, #tpu.memory_space<hbm>>)
      tpu.yield
    }) : () -> ()
    return
  }
}

module attributes {stable_mosaic.version = 14 : i64} {
  func.func @_final_body(%arg0: i32, %arg1: memref<2x1000x128xf32, #tpu.memory_space<vmem>>, %arg2: memref<1000x128xf32, #tpu.memory_space<vmem>>, %arg3: memref<1000x1xf32, #tpu.memory_space<vmem>>, %arg4: memref<1x128xf32, #tpu.memory_space<vmem>>, %arg5: memref<1000x128xf32, #tpu.memory_space<vmem>>) attributes {dimension_semantics = [#tpu.dimension_semantics<arbitrary>], iteration_bounds = array<i64: 10>, scalar_prefetch = 0 : i64, scratch_operands = 0 : i64, tpu.core_type = #tpu.core_type<tc>, window_params = [{transform_indices = @transform_0, window_bounds = array<i64: 2, 1000, 128>}, {transform_indices = @transform_1, window_bounds = array<i64: 1000, 128>}, {transform_indices = @transform_2, window_bounds = array<i64: 1000, 1>}, {pipeline_mode = #tpu.pipeline_mode<synchronous>, transform_indices = @transform_3, window_bounds = array<i64: 1, 128>}, {transform_indices = @transform_4, window_bounds = array<i64: 1000, 128>}]} {
    %get3A = arith.constant 0 : index
    %get3A_0 = arith.constant 0 : index
    %get3A_1 = arith.constant 0 : index
    %get3A_2 = vector.load %arg1[%get3A, %get3A_0, %get3A_1] : memref<2x1000x128xf32, #tpu.memory_space<vmem>>, vector<1x1000x128xf32>
    %get3A_3 = vector.shape_cast %get3A_2 : vector<1x1000x128xf32> to vector<1000x128xf32>
    %get3A_4 = arith.constant 1 : index
    %get3A_5 = arith.constant 0 : index
    %get3A_6 = arith.constant 0 : index
    %get3A_7 = vector.load %arg1[%get3A_4, %get3A_5, %get3A_6] : memref<2x1000x128xf32, #tpu.memory_space<vmem>>, vector<1x1000x128xf32>
    %get3A_8 = vector.shape_cast %get3A_7 : vector<1x1000x128xf32> to vector<1000x128xf32>
    %add3A = arith.addf %get3A_3, %get3A_8 : vector<1000x128xf32>
    %get3A_9 = arith.constant 0 : index
    %get3A_10 = arith.constant 0 : index
    %get3A_11 = vector.load %arg2[%get3A_9, %get3A_10] : memref<1000x128xf32, #tpu.memory_space<vmem>>, vector<1000x128xf32>
    %add3A_12 = arith.addf %add3A, %get3A_11 : vector<1000x128xf32>
    %get3A_13 = arith.constant 0 : index
    %get3A_14 = arith.constant 0 : index
    %get3A_15 = vector.load %arg3[%get3A_13, %get3A_14] : memref<1000x1xf32, #tpu.memory_space<vmem>>, vector<1000x1xf32>
    %mul3A = vector.broadcast %get3A_15 : vector<1000x1xf32> to vector<1000x128xf32>
    %mul3A_16 = arith.mulf %add3A_12, %mul3A : vector<1000x128xf32>
    %get3A_17 = arith.constant 0 : index
    %get3A_18 = arith.constant 0 : index
    %get3A_19 = vector.load %arg4[%get3A_17, %get3A_18] : memref<1x128xf32, #tpu.memory_space<vmem>>, vector<1x128xf32>
    %add3A_20 = vector.broadcast %get3A_19 : vector<1x128xf32> to vector<1000x128xf32>
    %add3A_21 = arith.addf %mul3A_16, %add3A_20 : vector<1000x128xf32>
    %max3A = arith.constant 0.000000e+00 : f32
    %max3A_22 = vector.broadcast %max3A : f32 to vector<1000x128xf32>
    %max3A_23 = arith.maximumf %add3A_21, %max3A_22 : vector<1000x128xf32>
    %swap3A = arith.constant 0 : index
    %swap3A_24 = arith.constant 0 : index
    %swap3A_25 = vector.load %arg5[%swap3A, %swap3A_24] : memref<1000x128xf32, #tpu.memory_space<vmem>>, vector<1000x128xf32>
    tpu.vector_store %arg5[%swap3A, %swap3A_24], %max3A_23 {strides = array<i32>} : memref<1000x128xf32, #tpu.memory_space<vmem>>, vector<1000x128xf32>,
    return
  }
  func.func @transform_0(%arg0: i32) -> (i32, i32, i32) {
    %c0_i32 = arith.constant 0 : i32
    %c0_i32_0 = arith.constant 0 : i32
    %c0_i32_1 = arith.constant 0 : i32
    return %c0_i32, %arg0, %c0_i32_0 : i32, i32, i32
  }
  func.func @transform_1(%arg0: i32) -> (i32, i32) {
    %c0_i32 = arith.constant 0 : i32
    %c0_i32_0 = arith.constant 0 : i32
    return %arg0, %c0_i32 : i32, i32
  }
  func.func @transform_2(%arg0: i32) -> (i32, i32) {
    %c0_i32 = arith.constant 0 : i32
    %c0_i32_0 = arith.constant 0 : i32
    return %arg0, %c0_i32 : i32, i32
  }
  func.func @transform_3(%arg0: i32) -> (i32, i32) {
    %c0_i32 = arith.constant 0 : i32
    %c0_i32_0 = arith.constant 0 : i32
    %c0_i32_1 = arith.constant 0 : i32
    return %c0_i32, %c0_i32_0 : i32, i32
  }
  func.func @transform_4(%arg0: i32) -> (i32, i32) {
    %c0_i32 = arith.constant 0 : i32
    %c0_i32_0 = arith.constant 0 : i32
    return %arg0, %c0_i32 : i32, i32
  }
}

module attributes {stable_mosaic.version = 14 : i64} {
  func.func @_xform_body(%arg0: i32, %arg1: memref<1000x128xf32, #tpu.memory_space<vmem>>, %arg2: memref<128x128xf32, #tpu.memory_space<vmem>>, %arg3: memref<2x1000x1xf32, #tpu.memory_space<vmem>>, %arg4: memref<1000x128xf32, #tpu.memory_space<vmem>>, %arg5: memref<1000x1xf32, #tpu.memory_space<vmem>>) attributes {dimension_semantics = [#tpu.dimension_semantics<arbitrary>], iteration_bounds = array<i64: 10>, scalar_prefetch = 0 : i64, scratch_operands = 0 : i64, tpu.core_type = #tpu.core_type<tc>, window_params = [{transform_indices = @transform_0, window_bounds = array<i64: 1000, 128>}, {pipeline_mode = #tpu.pipeline_mode<synchronous>, transform_indices = @transform_1, window_bounds = array<i64: 128, 128>}, {transform_indices = @transform_2, window_bounds = array<i64: 2, 1000, 1>}, {transform_indices = @transform_3, window_bounds = array<i64: 1000, 128>}, {transform_indices = @transform_4, window_bounds = array<i64: 1000, 1>}]} {
    %get3A = arith.constant 0 : index
    %get3A_0 = arith.constant 0 : index
    %get3A_1 = arith.constant 0 : index
    %get3A_2 = vector.load %arg3[%get3A, %get3A_0, %get3A_1] : memref<2x1000x1xf32, #tpu.memory_space<vmem>>, vector<1x1000x1xf32>
    %get3A_3 = vector.shape_cast %get3A_2 : vector<1x1000x1xf32> to vector<1000x1xf32>
    %get3A_4 = arith.constant 1 : index
    %get3A_5 = arith.constant 0 : index
    %get3A_6 = arith.constant 0 : index
    %get3A_7 = vector.load %arg3[%get3A_4, %get3A_5, %get3A_6] : memref<2x1000x1xf32, #tpu.memory_space<vmem>>, vector<1x1000x1xf32>
    %get3A_8 = vector.shape_cast %get3A_7 : vector<1x1000x1xf32> to vector<1000x1xf32>
    %add3A = arith.addf %get3A_3, %get3A_8 : vector<1000x1xf32>
    %add3A_9 = arith.constant 1.000000e+00 : f32
    %add3A_10 = vector.broadcast %add3A_9 : f32 to vector<1000x1xf32>
    %add3A_11 = arith.addf %add3A, %add3A_10 : vector<1000x1xf32>
    %rsqrt3A = math.rsqrt %add3A_11 : vector<1000x1xf32>
    %swap3A = arith.constant 0 : index
    %swap3A_12 = arith.constant 0 : index
    %swap3A_13 = vector.load %arg5[%swap3A, %swap3A_12] : memref<1000x1xf32, #tpu.memory_space<vmem>>, vector<1000x1xf32>
    tpu.vector_store %arg5[%swap3A, %swap3A_12], %rsqrt3A {strides = array<i32>} : memref<1000x1xf32, #tpu.memory_space<vmem>>, vector<1000x1xf32>,
    %get3A_14 = arith.constant 0 : index
    %get3A_15 = arith.constant 0 : index
    %get3A_16 = vector.load %arg1[%get3A_14, %get3A_15] : memref<1000x128xf32, #tpu.memory_space<vmem>>, vector<1000x128xf32>
    %get3A_17 = arith.constant 0 : index
    %get3A_18 = arith.constant 0 : index
    %get3A_19 = vector.load %arg2[%get3A_17, %get3A_18] : memref<128x128xf32, #tpu.memory_space<vmem>>, vector<128x128xf32>
    %dot_general3A = arith.constant dense<0.000000e+00> : vector<1000x128xf32>
    %dot_general3A_20 = tpu.matmul %get3A_16, %get3A_19, %dot_general3A {dimension_numbers = #tpu.dot_dimension_numbers<[1], [0], [0], [1], [0, 0, 1, 1], [], []>, transpose_lhs_hint = false} : vector<1000x128xf32>, vector<128x128xf32>, vector<1000x128xf32> -> vector<1000x128xf32>
    %mul3A = vector.broadcast %rsqrt3A : vector<1000x1xf32> to vector<1000x128xf32>
    %mul3A_21 = arith.mulf %dot_general3A_20, %mul3A : vector<1000x128xf32>
    %swap3A_22 = arith.constant 0 : index
    %swap3A_23 = arith.constant 0 : index
    %swap3A_24 = vector.load %arg4[%swap3A_22, %swap3A_23] : memref<1000x128xf32, #tpu.memory_space<vmem>>, vector<1000x128xf32>
    tpu.vector_store %arg4[%swap3A_22, %swap3A_23], %mul3A_21 {strides = array<i32>} : memref<1000x128xf32, #tpu.memory_space<vmem>>, vector<1000x128xf32>,
    return
  }
  func.func @transform_0(%arg0: i32) -> (i32, i32) {
    %c0_i32 = arith.constant 0 : i32
    %c0_i32_0 = arith.constant 0 : i32
    return %arg0, %c0_i32 : i32, i32
  }
  func.func @transform_1(%arg0: i32) -> (i32, i32) {
    %c0_i32 = arith.constant 0 : i32
    %c0_i32_0 = arith.constant 0 : i32
    %c0_i32_1 = arith.constant 0 : i32
    return %c0_i32, %c0_i32_0 : i32, i32
  }
  func.func @transform_2(%arg0: i32) -> (i32, i32, i32) {
    %c0_i32 = arith.constant 0 : i32
    %c0_i32_0 = arith.constant 0 : i32
    %c0_i32_1 = arith.constant 0 : i32
    return %c0_i32, %arg0, %c0_i32_0 : i32, i32, i32
  }
  func.func @transform_3(%arg0: i32) -> (i32, i32) {
    %c0_i32 = arith.constant 0 : i32
    %c0_i32_0 = arith.constant 0 : i32
    return %arg0, %c0_i32 : i32, i32
  }
  func.func @transform_4(%arg0: i32) -> (i32, i32) {
    %c0_i32 = arith.constant 0 : i32
    %c0_i32_0 = arith.constant 0 : i32
    return %arg0, %c0_i32 : i32, i32
  }
}

</mosaic_0001>

<sc_bundles>
// kernel: _impl.6.cloned.1.call-start
scs
__scs_entry_jumppad:
0x0: {  	(pc) =	sbr.rel $0x88, $3  }
0x1: {  	(tag) =	ssettag $0x0;
	lr =	simm.s32 $0x1  }
0x2: {  	[smem:$0x3F9D] =	sst lr;
	_ =	strace $0xD0000000  }
0x3: {  	_ = 	snop  }
0x4: {  	_ = 	snop  }
0x5: {  	_ = 	snop  }
0x6: {  	_ = 	snop  }
0x7: {  	_ = 	snop  }
__scs_overlays_trampoline_lowered:
0x8: {  	[smem:$0x3FAC] =	sst s0  }
0x9: {  	[smem:$0x3FAD] =	sst s1  }
0xa: {  	[smem:$0x3FAE] =	sst s2  }
0xb: {  	[smem:$0x3FAF] =	sst s3  }
0xc: {  	[smem:$0x3FB0] =	sst s4  }
0xd: {  	[smem:$0x3FB1] =	sst s5  }
0xe: {  	[smem:$0x3FB2] =	sst s6  }
0xf: {  	[smem:$0x3FB3] =	sst s7  }
0x10: {  	[smem:$0x3FB4] =	sst s8  }
0x11: {  	[smem:$0x3FB5] =	sst s9;
	s0 =	simm.s32 @!p0 $0x0  }
0x12: {  	s1 =	sld [smem:$0x3F9B];
	s0 =	simm.s32 @p0 $0x1  }
0x13: {  	[smem:$0x3FB6] =	sst s0;
	s0 =	simm.s32 @!p1 $0x0  }
0x14: {  	s2 =	sld [smem:$0x3F9A];
	s0 =	simm.s32 @p1 $0x1  }
0x15: {  	[smem:$0x3FB7] =	sst s0;
	s0 =	simm.s32 @!p2 $0x0  }
0x16: {  	s3 =	sld [smem:$0x3FDB];
	s0 =	simm.s32 @p2 $0x1  }
0x17: {  	s4 =	simm.s32 $0x1BF5;
	[smem:$0x3FB9] =	sst s0  }
0x18: {  	s0 =	sld [smem:$0x3F9C];
	_ =	swait.ge [sflag:s4], $0x0  }
0x19: {  	s7 =	sld [smem:$0x3F9D]  }
0x1a: {  	s8 =	sadd.s32 $0xFFFFE003, lr  }
0x1b: {  	s9 =	sadd.s32 $0xFFFFFEF7, lr;
	s5 =	simm.s32 $0xFFFFFFFF;
	p2 =	slt.u32 s8, $0xFFFFF086  }
0x1c: {  	p1 =	slt.u32 s9, $0xF7A;
	s5 =	simm.s32 @!p2 $0x0  }
0x1d: {  	s5 =	simm.s32 @p1 $0x1;
	p0 =	seq.s32 s7, s2  }
0x1e: {  	s7 =	smul.u32 @!p0 $0xF7A, s2;
	p2 =	seq.s32 @!p0 s5, $0x0  }
0x1f: {  	s9 =	smul.u32 $0xF7A, s1;
	s8 =	simm.s32 @!p0 $0x1BF5;
	p2 =	por !p2, p0  }
0x20: {  	[sflag:s8] =	ssyncset.s32 @!p0 $0xFFFFF086;
	s6 =	sadd.s32 @!p0 s3, s7;
	s7 =	simm.s32 @!p0 $0x108  }
0x21: {  	s3 =	sadd.s32 s3, s9;
	s6 =	sadd.s32 @!p0 $0x88, s6;
	s7 =	simm.s32 @p2 $0x1082  }
0x22: {  	[simem:s7], [sflag:s8] =	dma.local @!p0 [hbm:s6], $0xF7A  }
0x23: {  	s9 =	sor.u32 $0xD0000000, s2;
	s6 =	simm.s32 $0x108;
	_ =	swait.ge @!p0 [sflag:s8], $0x0  }
0x24: {  	s3 =	sadd.s32 $0x88, s3;
	s6 =	simm.s32 @!p1 $0x1082;
	[sflag:s4] =	ssyncset.s32 $0xFFFFF086  }
0x25: {  	[simem:s6], [sflag:s4] =	dma.local [hbm:s3], $0xF7A  }
0x26: {  	[smem:$0x3F9D] =	sst s1;
	(tag) =	ssettag s2;
	_ =	strace s9  }
0x27: {  	s1 =	sld [smem:$0x3FAD]  }
0x28: {  	s2 =	sld [smem:$0x3FAE]  }
0x29: {  	s4 =	sld [smem:$0x3FB0]  }
0x2a: {  	p0 =	seq.s32 s5, $0x0;
	s5 =	sld [smem:$0x3FB1]  }
0x2b: {  	s6 =	sld [smem:$0x3FB2]  }
0x2c: {  	s7 =	sld [smem:$0x3FB3]  }
0x2d: {  	s3 =	simm.s32 $0x108;
	s8 =	sld [smem:$0x3FB4]  }
0x2e: {  	s3 =	simm.s32 @!p0 $0x1082;
	s9 =	sld [smem:$0x3FB5]  }
0x2f: {  	lr =	sadd.s32 s0, s3;
	s0 =	sld [smem:$0x3FAC]  }
0x30: {  	s3 =	sld [smem:$0x3FAF]  }
0x31: {  	[smem:$0x3FB8] =	sst s10  }
0x32: {  	s10 =	sld [smem:$0x3FB6];
	_ =	sdelay $0x3  }
0x33: {  	p0 =	seq.s32 s10, $0x1;
	s10 =	sld [smem:$0x3FB8];
	_ =	sdelay $0x3  }
0x34: {  	[smem:$0x3FB8] =	sst s10  }
0x35: {  	s10 =	sld [smem:$0x3FB7];
	_ =	sdelay $0x3  }
0x36: {  	p1 =	seq.s32 s10, $0x1;
	s10 =	sld [smem:$0x3FB8];
	_ =	sdelay $0x3  }
0x37: {  	[smem:$0x3FB8] =	sst s10  }
0x38: {  	s10 =	sld [smem:$0x3FB9]  }
0x39: {  	_ = 	snop;
	(pc) =	sbr.ind lr, $3  }
0x3a: {  	_ = 	snop  }
0x3b: {  	_ = 	snop  }
0x3c: {  	p2 =	seq.s32 s10, $0x1;
	s10 =	sld [smem:$0x3FB8]  }
0x3d: {  	_ =	shalt  }
0x3e: {  	_ =	shalt  }
0x3f: {  	_ =	shalt  }
0x40: {  	_ =	shalt  }
0x41: {  	_ =	shalt  }
0x42: {  	_ =	shalt  }
0x43: {  	_ =	shalt  }
0x44: {  	_ =	shalt  }
0x45: {  	_ =	shalt  }
0x46: {  	_ =	shalt  }
0x47: {  	_ =	shalt  }
0x48: {  	_ =	shalt  }
0x49: {  	_ =	shalt  }
0x4a: {  	_ =	shalt  }
0x4b: {  	_ =	shalt  }
0x4c: {  	_ =	shalt  }
0x4d: {  	_ =	shalt  }
0x4e: {  	_ =	shalt  }
0x4f: {  	_ =	shalt  }
0x50: {  	_ =	shalt  }
0x51: {  	_ =	shalt  }
0x52: {  	_ =	shalt  }
0x53: {  	_ =	shalt  }
0x54: {  	_ =	shalt  }
0x55: {  	_ =	shalt  }
0x56: {  	_ =	shalt  }
0x57: {  	_ =	shalt  }
0x58: {  	_ =	shalt  }
0x59: {  	_ =	shalt  }
0x5a: {  	_ =	shalt  }
0x5b: {  	_ =	shalt  }
0x5c: {  	_ =	shalt  }
0x5d: {  	_ =	shalt  }
0x5e: {  	_ =	shalt  }
0x5f: {  	_ =	shalt  }
0x60: {  	_ =	shalt  }
0x61: {  	_ =	shalt  }
0x62: {  	_ =	shalt  }
0x63: {  	_ =	shalt  }
0x64: {  	_ =	shalt  }
0x65: {  	_ =	shalt  }
0x66: {  	_ =	shalt  }
0x67: {  	_ =	shalt  }
0x68: {  	_ =	shalt  }
0x69: {  	_ =	shalt  }
0x6a: {  	_ =	shalt  }
0x6b: {  	_ =	shalt  }
0x6c: {  	_ =	shalt  }
0x6d: {  	_ =	shalt  }
0x6e: {  	_ =	shalt  }
0x6f: {  	_ =	shalt  }
0x70: {  	_ =	shalt  }
0x71: {  	_ =	shalt  }
0x72: {  	_ =	shalt  }
0x73: {  	_ =	shalt  }
0x74: {  	_ =	shalt  }
0x75: {  	_ =	shalt  }
0x76: {  	_ =	shalt  }
0x77: {  	_ =	shalt  }
0x78: {  	_ =	shalt  }
0x79: {  	_ =	shalt  }
0x7a: {  	_ =	shalt  }
0x7b: {  	_ =	shalt  }
0x7c: {  	_ =	shalt  }
0x7d: {  	_ =	shalt  }
0x7e: {  	_ =	shalt  }
0x7f: {  	_ =	shalt  }
0x80: {  	_ =	shalt  }
0x81: {  	_ =	shalt  }
0x82: {  	_ =	shalt  }
0x83: {  	_ =	shalt  }
0x84: {  	_ =	shalt  }
0x85: {  	_ =	shalt  }
0x86: {  	_ =	shalt  }
0x87: {  	_ =	shalt  }
.Lfunc_end0:
.L_simem_size_0:
called_computation_lowered:
.L_overlay_start_0:
0x88: {  	s2 =	sld [smem:$0x3FD9]  }
0x89: {  	s3 =	sld [smem:$0x3FFE];
	_ =	sdelay $0x1  }
0x8a: {  	s1 =	srdreg.scid  }
0x8b: {  	s0 =	sand.u32 $0x1, s1  }
0x8c: {  	s17 =	sshll.u32 s0, $0xA;
	s2 =	sadd.s32 s3, s2  }
0x8d: {  	s2 =	sadd.s32 s2, s17  }
0x8e: {  	[smem:$0x3FC4] =	sst s2  }
0x8f: {  	_ = 	snop  }
0x90: {  	s2 =	sld [smem:$0x3FD0];
	(tm) =	ssettm $0x1  }
0x91: {  	s18 =	sld [smem:$0x3FFB];
	_ =	sdelay $0x3  }
0x92: {  	_ =	strace s18  }
0x93: {  	s3 =	sld [smem:$0x3FFC];
	_ =	sdelay $0x3  }
0x94: {  	_ =	strace s3  }
0x95: {  	s3 =	sld [smem:$0x3FFD];
	_ =	sdelay $0x3  }
0x96: {  	_ =	strace s3  }
0x97: {  	_ =	strace $0x8FFFFFFF  }
0x98: {  	s19 =	sld [smem:$0x3FDB];
	_ =	sdelay $0x1  }
0x99: {  	s4 =	simm.s32 $_scs_section_size  }
0x9a: {  	s5 =	simm.s32 $_size__tile_overlayer_lowered;
	s6 =	simm.s32 $_tile_overlayer_lowered  }
0x9b: {  	s22 =	simm.s32 $0x1BFF;
	s21 =	sshll.u32 s6, $0x1;
	s3 =	sadd.s32 s4, s19  }
0x9c: {  	s7 =	simm.s32 $0x0;
	s20 =	sshll.u32 s5, $0x1;
	s5 =	sadd.s32 s21, s3  }
0x9d: {  	[timem:s7], [sflag:s22] =	dma.local [hbm:s5], s20  }
0x9e: {  	_ =	swait.ge [sflag:s22], s20  }
0x9f: {  	s4 =	ssub.s32 $0x0, s20;
	[sflag:s22] =	ssyncset.done $0x0  }
0xa0: {  	[sflag:s22] =	ssyncadd.s32 s4;
	_ =	sdelay $0x1  }
0xa1: {  	s23 =	simm.s32 $0x1B8B  }
0xa2: {  	_ =	swait.ge [sflag:s23], $0x1  }
0xa3: {  	[sflag:s23] =	ssyncset.done $0x0  }
0xa4: {  	s25 =	simm.s32 $0x1B8E;
	s24 =	sld [smem:$0x3FFE];
	[sflag:s23] =	ssyncadd.s32 $0xFFFFFFFF  }
0xa5: {  	s26 =	simm.s32 $execute0_lowered;
	[smem:$0x3FD2] =	sst s25  }
0xa6: {  	s5 =	sshll.u32 s26, $0x1;
	_ =	strace $0x80000046;
	[dreg:$0x1] =	wrdreg $0xFFFFFFFF  }
0xa7: {  	s28 =	simm.s32 $_size_execute0_lowered;
	s3 =	sadd.s32 s3, s5;
	[dreg:$0x0] =	wrdreg $0x0  }
0xa8: {  	s5 =	sshll.u32 s28, $0x1;
	[dreg:$0x2] =	wrdreg s3  }
0xa9: {  	[dreg:$0x3] =	wrdreg s5  }
0xaa: {  	[dreg:$0x4] =	wrdreg $0xC0  }
0xab: {  	_ =	task [dreg:s7], $0x5FFFF  }
0xac: {  	[dreg:$0x1] =	wrdreg $0xFFFFFFFF  }
0xad: {  	[dreg:$0x0] =	wrdreg $0x60  }
0xae: {  	[dreg:$0x2] =	wrdreg s24  }
0xaf: {  	[dreg:$0x3] =	wrdreg s2  }
0xb0: {  	[dreg:$0x4] =	wrdreg $0x43000  }
0xb1: {  	[dreg:$0x5] =	wrdreg $0x9  }
0xb2: {  	_ =	task.clear_ibuf [dreg:s7], $0x6FFFF;
	_ =	strace $0x90000046  }
0xb3: {  	s29 =	simm.s32 $0x9;
	_ =	strace $0x80000048  }
0xb4: {  	_ =	swait.ge [sflag:s29], $0x1  }
0xb5: {  	[sflag:s29] =	ssyncadd.s32 $0xFFFFFFFF  }
0xb6: {  	_ =	strace $0x90000048  }
0xb7: {  	_ =	sfence  }
0xb8: {  	s30 =	sld [smem:$0x0];
	_ =	sdelay $0x2  }
0xb9: {  	s31 =	sshll.u32 s1, $0xD;
	s1 =	sshrl.u32 s1, $0x2  }
0xba: {  	s3 =	sand.u32 $0x4000, s31;
	s1 =	sadd.s32 s1, s30  }
0xbb: {  	s0 =	sor.u32 s3, s0;
	s1 =	sshll.u32 s1, $0x11  }
0xbc: {  	s0 =	sor.u32 s1, s0  }
0xbd: {  	s0 =	sadd.s32 $0x8F2B, s0  }
0xbe: {  	[sflag:s0] =	ssyncadd.remote.s32 $0x1  }
0xbf: {  	_ =	sfence.sel $0xFFFF  }
0xc0: {  	[dreg:$0x0] =	wrdreg $0xFFFFFFFF;
	(pc) =	sbr.abs _section_cstart, $3  }
0xc1: {  	[dreg:$0x1] =	wrdreg $0xFFFFFFFF  }
0xc2: {  	_ =	task.clear_ibuf [dreg:s7], $0x2FFFF;
	_ =	strace $0x9FFFFFFF  }
0xc3: {  	(tm) =	ssettm $0x7FFFFFFF  }
tec
execute0_lowered:
.L_overlay_start_1:
0x0: {  	(tag) =	ssettag $0x1  }
0x1: {  	s1 =	rddreg [dreg:$0x0]  }
0x2: {  	s0 =	srdreg.scid;
	s10 =	rddreg [dreg:$0x1]  }
0x3: {  	s22 =	stileid.u32;
	s2 =	rddreg [dreg:$0x2]  }
0x4: {  	s3 =	simm.s32 $0x0;
	s13 =	simm.s32 $0x2;
	s14 =	simm.s32 $0xC80  }
0x5: {  	s15 =	simm.s32 $0x1900;
	s16 =	simm.s32 $0x2580;
	s17 =	simm.s32 $0x3200  }
0x6: {  	s18 =	simm.s32 $0x50;
	s19 =	simm.s32 $0x4000;
	s20 =	simm.s32 $0x80  }
0x7: {  	s21 =	simm.s32 $0x100;
	s28 =	simm.s32 $0x1;
	s5 =	smul.u32 $0x5000, s22  }
0x8: {  	s29 =	simm.s32 $0x20;
	s30 =	simm.s32 $0x10;
	s7 =	smul.u32 $0xA00, s22  }
0x9: {  	s31 =	simm.s32 $0x0;
	s6 =	sand.u32 $0x1, s0;
	s8 =	smul.u32 $0x500, s22  }
0xa: {  	[smem:$0x7FF] =	sst s3;
	s22 =	simm.s32 $0x180;
	s4 =	smul.u32 $0x50000, s6  }
0xb: {  	s23 =	ssub.s32 $0x2, s6;
	_ =	strace $0x80000047;
	s9 =	sshll.u32 s6, $0x7  }
0xc: {  	s24 =	sshrl.u32 s23, $0x1;
	s25 =	sshrl.u32 s7, $0x2;
	s12 =	sor.u32 s9, s8  }
0xd: {  	s4 =	sadd.s32 s5, s4;
	s11 =	ssub.s32 s23, s24;
	s26 =	sshrl.u32 s12, $0x3  }
0xe: {  	s12 =	simm.s32 $0x4080;
	s23 =	simm.s32 $0x200;
	s24 =	simm.s32 $0x280  }
0xf: {  	s4 =	sshrl.u32 s4, $0x3;
	s10 =	sadd.s32 s10, s26;
	s11 =	smax.u32 s11, $0x1  }
0x10: {  	s26 =	simm.s32 $0x380;
	s1 =	sadd.s32 s4, s1;
	s4 =	sadd.s32 s25, s2  }
0x11: {  	s25 =	simm.s32 $0x300;
	s5 =	sadd.s32 $0x15C00, s1;
	s6 =	sadd.s32 $0x15E00, s1  }
0x12: {  	v0 =	vimm.f32 $0.0e+00;
	v1 =	vimm.f32 $1.000000000e+00;
	s7 =	sadd.s32 $0x16000, s1;
	s8 =	sadd.s32 $0x16200, s1;
	s9 =	sadd.s32 $0x16400, s1  }
.LBB2_1:
0x13: {  	[tilespmem:$0x4080] =	vst v0  }
0x14: {  	[tilespmem:$0x4090] =	vst v0  }
0x15: {  	[tilespmem:$0x40A0] =	vst v0  }
0x16: {  	[tilespmem:$0x40B0] =	vst v0  }
0x17: {  	[tilespmem:$0x40C0] =	vst v0  }
0x18: {  	[tilespmem:$0x40D0] =	vst v0  }
0x19: {  	[tilespmem:$0x40E0] =	vst v0  }
0x1a: {  	[tilespmem:$0x40F0] =	vst v0  }
0x1b: {  	[tilespmem:$0x4100] =	vst v0  }
0x1c: {  	[tilespmem:$0x4110] =	vst v0  }
0x1d: {  	[tilespmem:$0x4120] =	vst v0  }
0x1e: {  	[tilespmem:$0x4130] =	vst v0  }
0x1f: {  	[tilespmem:$0x4140] =	vst v0  }
0x20: {  	[tilespmem:$0x4150] =	vst v0  }
0x21: {  	[tilespmem:$0x4160] =	vst v0  }
0x22: {  	[tilespmem:$0x4170] =	vst v0  }
0x23: {  	[tilespmem:$0x4180] =	vst v0  }
0x24: {  	[tilespmem:$0x4190] =	vst v0  }
0x25: {  	[tilespmem:$0x41A0] =	vst v0  }
0x26: {  	[tilespmem:$0x41B0] =	vst v0  }
0x27: {  	[tilespmem:$0x41C0] =	vst v0  }
0x28: {  	[tilespmem:$0x41D0] =	vst v0  }
0x29: {  	[tilespmem:$0x41E0] =	vst v0  }
0x2a: {  	[tilespmem:$0x41F0] =	vst v0  }
0x2b: {  	[tilespmem:$0x4200] =	vst v0  }
0x2c: {  	[tilespmem:$0x4210] =	vst v0  }
0x2d: {  	[tilespmem:$0x4220] =	vst v0  }
0x2e: {  	[tilespmem:$0x4230] =	vst v0  }
0x2f: {  	[tilespmem:$0x4240] =	vst v0  }
0x30: {  	[tilespmem:$0x4250] =	vst v0  }
0x31: {  	[tilespmem:$0x4260] =	vst v0  }
0x32: {  	[tilespmem:$0x4270] =	vst v0  }
0x33: {  	[tilespmem:$0x4280] =	vst v0  }
0x34: {  	[tilespmem:$0x4290] =	vst v0  }
0x35: {  	[tilespmem:$0x42A0] =	vst v0  }
0x36: {  	[tilespmem:$0x42B0] =	vst v0  }
0x37: {  	[tilespmem:$0x42C0] =	vst v0  }
0x38: {  	[tilespmem:$0x42D0] =	vst v0  }
0x39: {  	[tilespmem:$0x42E0] =	vst v0  }
0x3a: {  	[tilespmem:$0x42F0] =	vst v0  }
0x3b: {  	[spmem:s4] =	stream.linear.scatter [tilespmem:s12], [sflag:$0x2], $0x280, $0x38;
	[tilespmem:$0x4580] =	vst v63  }
0x3c: {  	_ =	swait.ge [sflag:s13], $0x280  }
0x3d: {  	[sflag:s13] =	ssyncset.done $0x0  }
0x3e: {  	[sflag:s13] =	ssyncadd.s32 $0xFFFFFD80  }
0x3f: {  	[tilespmem:s3], [sflag:$0x2] =	stream.linear.gather [hbm4b:s5+s3], $0xC80, $0x38;
	[tilespmem:$0x4580] =	vst v63  }
0x40: {  	_ =	swait.ge [sflag:s13], $0xC80  }
0x41: {  	[sflag:s13] =	ssyncset.done $0x0  }
0x42: {  	[sflag:s13] =	ssyncadd.s32 $0xFFFFF380  }
0x43: {  	[tilespmem:s14], [sflag:$0x2] =	stream.linear.gather [hbm4b:s6+s3], $0xC80, $0x38;
	[tilespmem:$0x4580] =	vst v63  }
0x44: {  	_ =	swait.ge [sflag:s13], $0xC80  }
0x45: {  	[sflag:s13] =	ssyncset.done $0x0  }
0x46: {  	[sflag:s13] =	ssyncadd.s32 $0xFFFFF380  }
0x47: {  	[tilespmem:s15], [sflag:$0x2] =	stream.linear.gather [hbm4b:s7+s3], $0xC80, $0x38;
	[tilespmem:$0x4580] =	vst v63  }
0x48: {  	_ =	swait.ge [sflag:s13], $0xC80  }
0x49: {  	[sflag:s13] =	ssyncset.done $0x0  }
0x4a: {  	[sflag:s13] =	ssyncadd.s32 $0xFFFFF380  }
0x4b: {  	[tilespmem:s16], [sflag:$0x2] =	stream.linear.gather [hbm4b:s8+s3], $0xC80, $0x38;
	[tilespmem:$0x4580] =	vst v63  }
0x4c: {  	_ =	swait.ge [sflag:s13], $0xC80  }
0x4d: {  	[sflag:s13] =	ssyncset.done $0x0  }
0x4e: {  	[sflag:s13] =	ssyncadd.s32 $0xFFFFF380  }
0x4f: {  	[tilespmem:s17], [sflag:$0x2] =	stream.linear.gather [hbm4b:s9+s3], $0xC80, $0x38;
	[tilespmem:$0x4580] =	vst v63  }
0x50: {  	_ =	swait.ge [sflag:s13], $0xC80  }
0x51: {  	[sflag:s13] =	ssyncset.done $0x0  }
0x52: {  	[sflag:s13] =	ssyncadd.s32 $0xFFFFF380  }
0x53: {  	[tilespmem:$0x4000] =	vst v1  }
0x54: {  	[tilespmem:$0x4010] =	vst v1  }
0x55: {  	[tilespmem:$0x4020] =	vst v1  }
0x56: {  	[tilespmem:$0x4030] =	vst v1  }
0x57: {  	[tilespmem:$0x4040] =	vst v1  }
0x58: {  	[bflag:$0x0] =	sbarrier.arrive $0xFFFF  }
0x59: {  	[spmem:s2] =	stream.indirect.scatter.add.f32 [tilespmem:s19], [sflag:$0x1], $0x1, s3, s18, $0xb8;
	[tilespmem:$0x4580] =	vst v63  }
0x5a: {  	_ = 	snop  }
0x5b: {  	[spmem:s2] =	stream.indirect.scatter.add.f32 [tilespmem:s19], [sflag:$0x1], $0x1, s20, s18, $0xb8;
	[tilespmem:$0x4580] =	vst v63  }
0x5c: {  	_ = 	snop  }
0x5d: {  	[spmem:s2] =	stream.indirect.scatter.add.f32 [tilespmem:s19], [sflag:$0x1], $0x1, s21, s18, $0xb8;
	[tilespmem:$0x4580] =	vst v63  }
0x5e: {  	_ = 	snop  }
0x5f: {  	[spmem:s2] =	stream.indirect.scatter.add.f32 [tilespmem:s19], [sflag:$0x1], $0x1, s22, s18, $0xb8;
	[tilespmem:$0x4580] =	vst v63  }
0x60: {  	_ = 	snop  }
0x61: {  	[spmem:s2] =	stream.indirect.scatter.add.f32 [tilespmem:s19], [sflag:$0x1], $0x1, s23, s18, $0xb8;
	[tilespmem:$0x4580] =	vst v63  }
0x62: {  	_ = 	snop  }
0x63: {  	[spmem:s2] =	stream.indirect.scatter.add.f32 [tilespmem:s19], [sflag:$0x1], $0x1, s24, s18, $0xb8;
	[tilespmem:$0x4580] =	vst v63  }
0x64: {  	_ = 	snop  }
0x65: {  	[spmem:s2] =	stream.indirect.scatter.add.f32 [tilespmem:s19], [sflag:$0x1], $0x1, s25, s18, $0xb8;
	[tilespmem:$0x4580] =	vst v63  }
0x66: {  	_ = 	snop  }
0x67: {  	[spmem:s2] =	stream.indirect.scatter.add.f32 [tilespmem:s19], [sflag:$0x1], $0x1, s26, s18, $0xb8;
	[tilespmem:$0x4580] =	vst v63  }
0x68: {  	s1 =	simm.s32 $0x400  }
0x69: {  	[spmem:s2] =	stream.indirect.scatter.add.f32 [tilespmem:s19], [sflag:$0x1], $0x1, s1, s18, $0xb8;
	[tilespmem:$0x4580] =	vst v63  }
0x6a: {  	_ =	swait.ge [sflag:s28], $0x50  }
0x6b: {  	s1 =	simm.s32 $0x1200;
	[sflag:s28] =	ssyncset.done $0x0  }
.LBB2_2:
0x6c: {  	s0 =	sshra.s32 s1, $0x2;
	[sflag:s28] =	ssyncadd.s32 $0xFFFFFFB0;
	p0 =	sne.s32 s1, $0xF800  }
0x6d: {  	[spmem:s2] =	stream.indirect.scatter.add.f32 [tilespmem:s19], [sflag:$0x1], $0x1, s0, s18, $0xb8;
	[tilespmem:$0x4580] =	vst v63  }
.Ltmp0:
0x6e: {  	_ = 	snop;
	(pc) =	sbr.rel @p0 .LBB2_2-.Ltmp0, $4  }
0x6f: {  	_ = 	snop  }
0x70: {  	s1 =	sadd.s32 $0x200, s1  }
0x71: {  	_ =	swait.ge [sflag:s28], $0x50  }
0x72: {  	[sflag:s28] =	ssyncset.done $0x0  }
0x73: {  	[sflag:s28] =	ssyncadd.s32 $0xFFFFFFB0  }
0x74: {  	_ =	swait.ge [sflag:s28], $0x50  }
0x75: {  	[sflag:s28] =	ssyncset.done $0x0  }
0x76: {  	[sflag:s28] =	ssyncadd.s32 $0xFFFFFFB0  }
0x77: {  	_ =	swait.ge [sflag:s28], $0x50  }
0x78: {  	[sflag:s28] =	ssyncset.done $0x0  }
0x79: {  	[sflag:s28] =	ssyncadd.s32 $0xFFFFFFB0  }
0x7a: {  	_ =	swait.ge [sflag:s28], $0x50  }
0x7b: {  	[sflag:s28] =	ssyncset.done $0x0  }
0x7c: {  	[sflag:s28] =	ssyncadd.s32 $0xFFFFFFB0  }
0x7d: {  	_ =	swait.ge [sflag:s28], $0x50  }
0x7e: {  	[sflag:s28] =	ssyncset.done $0x0  }
0x7f: {  	[sflag:s28] =	ssyncadd.s32 $0xFFFFFFB0  }
0x80: {  	_ =	swait.ge [sflag:s28], $0x50  }
0x81: {  	[sflag:s28] =	ssyncset.done $0x0  }
0x82: {  	[sflag:s28] =	ssyncadd.s32 $0xFFFFFFB0  }
0x83: {  	_ =	swait.ge [sflag:s28], $0x50  }
0x84: {  	[sflag:s28] =	ssyncset.done $0x0  }
0x85: {  	[sflag:s28] =	ssyncadd.s32 $0xFFFFFFB0  }
0x86: {  	_ =	swait.ge [sflag:s28], $0x50  }
0x87: {  	[sflag:s28] =	ssyncset.done $0x0  }
0x88: {  	[sflag:s28] =	ssyncadd.s32 $0xFFFFFFB0  }
0x89: {  	s0 =	stileid.u32;
	_ =	swait.ge [sflag:s28], $0x50  }
0x8a: {  	s1 =	sshrl.u32 s4, $0x3;
	s31 =	sadd.s32 $0x1, s31;
	[sflag:s28] =	ssyncset.done $0x0  }
0x8b: {  	s0 =	sshll.u32 s0, $0x6;
	p0 =	sne.s32 s31, s11;
	[sflag:s28] =	ssyncadd.s32 $0xFFFFFFB0  }
.Ltmp1:
0x8c: {  	s0 =	sor.u32 $0x1C02, s0;
	[bflag:$0x0] =	sbarrier.arrive $0xFFFF;
	(pc) =	sbr.rel @p0 .LBB2_1-.Ltmp1, $4  }
0x8d: {  	[hbm:s10@s29], [sflag:s0] =	dma.strided [spmem:s1@s30], $0x50, s28, $0x10   }
0x8e: {  	_ =	swait.ge [sflag:s13], $0x50  }
0x8f: {  	[sflag:s13] =	ssyncset.done $0x0  }
0x90: {  	[sflag:s13] =	ssyncadd.s32 $0xFFFFFFB0  }
0x91: {  	_ =	sfence.sel $0x180000  }
0x92: {  	[bflag:$0x0] =	sbarrier.arrive $0xFFFF  }
0x93: {  	_ =	strace $0x90000047  }
0x94: {  	s0 =	stileid.u32;
	[bflag:$0x2] =	sbarrier.arrive $0xFFFF  }
0x95: {  	p0 =	sne.s32 s0, $0x0;
	s0 =	rddreg [dreg:$0x3]  }
0x96: {  	s0 =	sadd.s32 @!p0 $0x100000, s0  }
0x97: {  	[sflag:s0] =	ssyncadd.tile.s32 @!p0 $0x1;
	_ =	shalt  }
.Lfunc_end2:
_tile_overlayer_lowered:
.L_overlay_start_2:
0x98: {  	(tag) =	ssettag $0x2  }
0x99: {  	s0 =	rddreg [dreg:$0x0];
	s2 =	stileid.u32  }
0x9a: {  	s1 =	rddreg [dreg:$0x1];
	p0 =	sne.s32 s2, $0x0  }
0x9b: {  	s3 =	rddreg [dreg:$0x2];
	[bflag:$0x3] =	sbarrier.arrive $0xFFFF;
	s2 =	simm.s32 @!p0 $0x1C02  }
0x9c: {  	[timem:s3], [sflag:s2] =	dma.local @!p0 [hbm:s0], s1  }
0x9d: {  	s0 =	simm.s32 @!p0 $0x2  }
0x9e: {  	_ =	swait.ge @!p0 [sflag:s0], s1  }
0x9f: {  	s1 =	ssub.s32 @!p0 $0x0, s1;
	[sflag:s0] =	ssyncset.done @!p0 $0x0  }
0xa0: {  	[sflag:s0] =	ssyncadd.s32 @!p0 s1  }
0xa1: {  	[bflag:$0x3] =	sbarrier.arrive $0xFFFF  }
0xa2: {  	_ =	shalt  }

// kernel: _impl.9.cloned.1.call-start
scs
__scs_entry_jumppad:
0x0: {  	(pc) =	sbr.rel $0x88, $3  }
0x1: {  	(tag) =	ssettag $0x0;
	lr =	simm.s32 $0x1  }
0x2: {  	[smem:$0x3F9D] =	sst lr;
	_ =	strace $0xD0000000  }
0x3: {  	_ = 	snop  }
0x4: {  	_ = 	snop  }
0x5: {  	_ = 	snop  }
0x6: {  	_ = 	snop  }
0x7: {  	_ = 	snop  }
__scs_overlays_trampoline_lowered:
0x8: {  	[smem:$0x3FAC] =	sst s0  }
0x9: {  	[smem:$0x3FAD] =	sst s1  }
0xa: {  	[smem:$0x3FAE] =	sst s2  }
0xb: {  	[smem:$0x3FAF] =	sst s3  }
0xc: {  	[smem:$0x3FB0] =	sst s4  }
0xd: {  	[smem:$0x3FB1] =	sst s5  }
0xe: {  	[smem:$0x3FB2] =	sst s6  }
0xf: {  	[smem:$0x3FB3] =	sst s7  }
0x10: {  	[smem:$0x3FB4] =	sst s8  }
0x11: {  	[smem:$0x3FB5] =	sst s9;
	s0 =	simm.s32 @!p0 $0x0  }
0x12: {  	s1 =	sld [smem:$0x3F9B];
	s0 =	simm.s32 @p0 $0x1  }
0x13: {  	[smem:$0x3FB6] =	sst s0;
	s0 =	simm.s32 @!p1 $0x0  }
0x14: {  	s2 =	sld [smem:$0x3F9A];
	s0 =	simm.s32 @p1 $0x1  }
0x15: {  	[smem:$0x3FB7] =	sst s0;
	s0 =	simm.s32 @!p2 $0x0  }
0x16: {  	s3 =	sld [smem:$0x3FDB];
	s0 =	simm.s32 @p2 $0x1  }
0x17: {  	s4 =	simm.s32 $0x1BF5;
	[smem:$0x3FB9] =	sst s0  }
0x18: {  	s0 =	sld [smem:$0x3F9C];
	_ =	swait.ge [sflag:s4], $0x0  }
0x19: {  	s7 =	sld [smem:$0x3F9D]  }
0x1a: {  	s8 =	sadd.s32 $0xFFFFE003, lr  }
0x1b: {  	s9 =	sadd.s32 $0xFFFFFEF7, lr;
	s5 =	simm.s32 $0xFFFFFFFF;
	p2 =	slt.u32 s8, $0xFFFFF086  }
0x1c: {  	p1 =	slt.u32 s9, $0xF7A;
	s5 =	simm.s32 @!p2 $0x0  }
0x1d: {  	s5 =	simm.s32 @p1 $0x1;
	p0 =	seq.s32 s7, s2  }
0x1e: {  	s7 =	smul.u32 @!p0 $0xF7A, s2;
	p2 =	seq.s32 @!p0 s5, $0x0  }
0x1f: {  	s9 =	smul.u32 $0xF7A, s1;
	s8 =	simm.s32 @!p0 $0x1BF5;
	p2 =	por !p2, p0  }
0x20: {  	[sflag:s8] =	ssyncset.s32 @!p0 $0xFFFFF086;
	s6 =	sadd.s32 @!p0 s3, s7;
	s7 =	simm.s32 @!p0 $0x108  }
0x21: {  	s3 =	sadd.s32 s3, s9;
	s6 =	sadd.s32 @!p0 $0x88, s6;
	s7 =	simm.s32 @p2 $0x1082  }
0x22: {  	[simem:s7], [sflag:s8] =	dma.local @!p0 [hbm:s6], $0xF7A  }
0x23: {  	s9 =	sor.u32 $0xD0000000, s2;
	s6 =	simm.s32 $0x108;
	_ =	swait.ge @!p0 [sflag:s8], $0x0  }
0x24: {  	s3 =	sadd.s32 $0x88, s3;
	s6 =	simm.s32 @!p1 $0x1082;
	[sflag:s4] =	ssyncset.s32 $0xFFFFF086  }
0x25: {  	[simem:s6], [sflag:s4] =	dma.local [hbm:s3], $0xF7A  }
0x26: {  	[smem:$0x3F9D] =	sst s1;
	(tag) =	ssettag s2;
	_ =	strace s9  }
0x27: {  	s1 =	sld [smem:$0x3FAD]  }
0x28: {  	s2 =	sld [smem:$0x3FAE]  }
0x29: {  	s4 =	sld [smem:$0x3FB0]  }
0x2a: {  	p0 =	seq.s32 s5, $0x0;
	s5 =	sld [smem:$0x3FB1]  }
0x2b: {  	s6 =	sld [smem:$0x3FB2]  }
0x2c: {  	s7 =	sld [smem:$0x3FB3]  }
0x2d: {  	s3 =	simm.s32 $0x108;
	s8 =	sld [smem:$0x3FB4]  }
0x2e: {  	s3 =	simm.s32 @!p0 $0x1082;
	s9 =	sld [smem:$0x3FB5]  }
0x2f: {  	lr =	sadd.s32 s0, s3;
	s0 =	sld [smem:$0x3FAC]  }
0x30: {  	s3 =	sld [smem:$0x3FAF]  }
0x31: {  	[smem:$0x3FB8] =	sst s10  }
0x32: {  	s10 =	sld [smem:$0x3FB6];
	_ =	sdelay $0x3  }
0x33: {  	p0 =	seq.s32 s10, $0x1;
	s10 =	sld [smem:$0x3FB8];
	_ =	sdelay $0x3  }
0x34: {  	[smem:$0x3FB8] =	sst s10  }
0x35: {  	s10 =	sld [smem:$0x3FB7];
	_ =	sdelay $0x3  }
0x36: {  	p1 =	seq.s32 s10, $0x1;
	s10 =	sld [smem:$0x3FB8];
	_ =	sdelay $0x3  }
0x37: {  	[smem:$0x3FB8] =	sst s10  }
0x38: {  	s10 =	sld [smem:$0x3FB9]  }
0x39: {  	_ = 	snop;
	(pc) =	sbr.ind lr, $3  }
0x3a: {  	_ = 	snop  }
0x3b: {  	_ = 	snop  }
0x3c: {  	p2 =	seq.s32 s10, $0x1;
	s10 =	sld [smem:$0x3FB8]  }
0x3d: {  	_ =	shalt  }
0x3e: {  	_ =	shalt  }
0x3f: {  	_ =	shalt  }
0x40: {  	_ =	shalt  }
0x41: {  	_ =	shalt  }
0x42: {  	_ =	shalt  }
0x43: {  	_ =	shalt  }
0x44: {  	_ =	shalt  }
0x45: {  	_ =	shalt  }
0x46: {  	_ =	shalt  }
0x47: {  	_ =	shalt  }
0x48: {  	_ =	shalt  }
0x49: {  	_ =	shalt  }
0x4a: {  	_ =	shalt  }
0x4b: {  	_ =	shalt  }
0x4c: {  	_ =	shalt  }
0x4d: {  	_ =	shalt  }
0x4e: {  	_ =	shalt  }
0x4f: {  	_ =	shalt  }
0x50: {  	_ =	shalt  }
0x51: {  	_ =	shalt  }
0x52: {  	_ =	shalt  }
0x53: {  	_ =	shalt  }
0x54: {  	_ =	shalt  }
0x55: {  	_ =	shalt  }
0x56: {  	_ =	shalt  }
0x57: {  	_ =	shalt  }
0x58: {  	_ =	shalt  }
0x59: {  	_ =	shalt  }
0x5a: {  	_ =	shalt  }
0x5b: {  	_ =	shalt  }
0x5c: {  	_ =	shalt  }
0x5d: {  	_ =	shalt  }
0x5e: {  	_ =	shalt  }
0x5f: {  	_ =	shalt  }
0x60: {  	_ =	shalt  }
0x61: {  	_ =	shalt  }
0x62: {  	_ =	shalt  }
0x63: {  	_ =	shalt  }
0x64: {  	_ =	shalt  }
0x65: {  	_ =	shalt  }
0x66: {  	_ =	shalt  }
0x67: {  	_ =	shalt  }
0x68: {  	_ =	shalt  }
0x69: {  	_ =	shalt  }
0x6a: {  	_ =	shalt  }
0x6b: {  	_ =	shalt  }
0x6c: {  	_ =	shalt  }
0x6d: {  	_ =	shalt  }
0x6e: {  	_ =	shalt  }
0x6f: {  	_ =	shalt  }
0x70: {  	_ =	shalt  }
0x71: {  	_ =	shalt  }
0x72: {  	_ =	shalt  }
0x73: {  	_ =	shalt  }
0x74: {  	_ =	shalt  }
0x75: {  	_ =	shalt  }
0x76: {  	_ =	shalt  }
0x77: {  	_ =	shalt  }
0x78: {  	_ =	shalt  }
0x79: {  	_ =	shalt  }
0x7a: {  	_ =	shalt  }
0x7b: {  	_ =	shalt  }
0x7c: {  	_ =	shalt  }
0x7d: {  	_ =	shalt  }
0x7e: {  	_ =	shalt  }
0x7f: {  	_ =	shalt  }
0x80: {  	_ =	shalt  }
0x81: {  	_ =	shalt  }
0x82: {  	_ =	shalt  }
0x83: {  	_ =	shalt  }
0x84: {  	_ =	shalt  }
0x85: {  	_ =	shalt  }
0x86: {  	_ =	shalt  }
0x87: {  	_ =	shalt  }
.Lfunc_end0:
.L_simem_size_0:
called_computation.1_lowered:
.L_overlay_start_0:
0x88: {  	s2 =	sld [smem:$0x3FD9]  }
0x89: {  	s3 =	sld [smem:$0x3FFE];
	_ =	sdelay $0x1  }
0x8a: {  	s1 =	srdreg.scid  }
0x8b: {  	s0 =	sand.u32 $0x1, s1  }
0x8c: {  	s17 =	sshll.u32 s0, $0xA;
	s2 =	sadd.s32 s3, s2  }
0x8d: {  	s2 =	sadd.s32 s2, s17  }
0x8e: {  	[smem:$0x3FC4] =	sst s2  }
0x8f: {  	_ = 	snop  }
0x90: {  	s2 =	sld [smem:$0x3FD0];
	(tm) =	ssettm $0x1  }
0x91: {  	s18 =	sld [smem:$0x3FFB];
	_ =	sdelay $0x3  }
0x92: {  	_ =	strace s18  }
0x93: {  	s3 =	sld [smem:$0x3FFC];
	_ =	sdelay $0x3  }
0x94: {  	_ =	strace s3  }
0x95: {  	s3 =	sld [smem:$0x3FFD];
	_ =	sdelay $0x3  }
0x96: {  	_ =	strace s3  }
0x97: {  	_ =	strace $0x8FFFFFFF  }
0x98: {  	s19 =	sld [smem:$0x3FDB];
	_ =	sdelay $0x1  }
0x99: {  	s4 =	simm.s32 $_scs_section_size  }
0x9a: {  	s5 =	simm.s32 $_size__tile_overlayer_lowered;
	s6 =	simm.s32 $_tile_overlayer_lowered  }
0x9b: {  	s22 =	simm.s32 $0x1BFF;
	s21 =	sshll.u32 s6, $0x1;
	s3 =	sadd.s32 s4, s19  }
0x9c: {  	s7 =	simm.s32 $0x0;
	s20 =	sshll.u32 s5, $0x1;
	s5 =	sadd.s32 s21, s3  }
0x9d: {  	[timem:s7], [sflag:s22] =	dma.local [hbm:s5], s20  }
0x9e: {  	_ =	swait.ge [sflag:s22], s20  }
0x9f: {  	s4 =	ssub.s32 $0x0, s20;
	[sflag:s22] =	ssyncset.done $0x0  }
0xa0: {  	[sflag:s22] =	ssyncadd.s32 s4;
	_ =	sdelay $0x1  }
0xa1: {  	s23 =	simm.s32 $0x1B8B  }
0xa2: {  	_ =	swait.ge [sflag:s23], $0x1  }
0xa3: {  	[sflag:s23] =	ssyncset.done $0x0  }
0xa4: {  	s25 =	simm.s32 $0x1B8E;
	s24 =	sld [smem:$0x3FFE];
	[sflag:s23] =	ssyncadd.s32 $0xFFFFFFFF  }
0xa5: {  	s26 =	simm.s32 $execute0_lowered;
	[smem:$0x3FD2] =	sst s25  }
0xa6: {  	s5 =	sshll.u32 s26, $0x1;
	_ =	strace $0x80000049;
	[dreg:$0x1] =	wrdreg $0xFFFFFFFF  }
0xa7: {  	s28 =	simm.s32 $_size_execute0_lowered;
	s3 =	sadd.s32 s3, s5;
	[dreg:$0x0] =	wrdreg $0x0  }
0xa8: {  	s5 =	sshll.u32 s28, $0x1;
	[dreg:$0x2] =	wrdreg s3  }
0xa9: {  	[dreg:$0x3] =	wrdreg s5  }
0xaa: {  	[dreg:$0x4] =	wrdreg $0xC0  }
0xab: {  	_ =	task [dreg:s7], $0x5FFFF  }
0xac: {  	[dreg:$0x1] =	wrdreg $0xFFFFFFFF  }
0xad: {  	[dreg:$0x0] =	wrdreg $0x60  }
0xae: {  	[dreg:$0x2] =	wrdreg s2  }
0xaf: {  	[dreg:$0x3] =	wrdreg s24  }
0xb0: {  	[dreg:$0x4] =	wrdreg $0xC0000  }
0xb1: {  	[dreg:$0x5] =	wrdreg $0x9  }
0xb2: {  	_ =	task.clear_ibuf [dreg:s7], $0x6FFFF;
	_ =	strace $0x90000049  }
0xb3: {  	s29 =	simm.s32 $0x9;
	_ =	strace $0x8000004B  }
0xb4: {  	_ =	swait.ge [sflag:s29], $0x1  }
0xb5: {  	[sflag:s29] =	ssyncadd.s32 $0xFFFFFFFF  }
0xb6: {  	_ =	strace $0x9000004B  }
0xb7: {  	_ =	sfence  }
0xb8: {  	s30 =	sld [smem:$0x0];
	_ =	sdelay $0x2  }
0xb9: {  	s31 =	sshll.u32 s1, $0xD;
	s1 =	sshrl.u32 s1, $0x2  }
0xba: {  	s3 =	sand.u32 $0x4000, s31;
	s1 =	sadd.s32 s1, s30  }
0xbb: {  	s0 =	sor.u32 s3, s0;
	s1 =	sshll.u32 s1, $0x11  }
0xbc: {  	s0 =	sor.u32 s1, s0  }
0xbd: {  	s0 =	sadd.s32 $0x8F2B, s0  }
0xbe: {  	[sflag:s0] =	ssyncadd.remote.s32 $0x1  }
0xbf: {  	_ =	sfence.sel $0xFFFF  }
0xc0: {  	[dreg:$0x0] =	wrdreg $0xFFFFFFFF;
	(pc) =	sbr.abs _section_cstart, $3  }
0xc1: {  	[dreg:$0x1] =	wrdreg $0xFFFFFFFF  }
0xc2: {  	_ =	task.clear_ibuf [dreg:s7], $0x2FFFF;
	_ =	strace $0x9FFFFFFF  }
0xc3: {  	(tm) =	ssettm $0x7FFFFFFF  }
tec
execute0_lowered:
.L_overlay_start_1:
0x0: {  	(tag) =	ssettag $0x1  }
0x1: {  	s0 =	srdreg.scid;
	s8 =	stileid.u32  }
0x2: {  	s0 =	sand.u32 $0x1, s0;
	s4 =	smul.u32 $0x5000, s8  }
0x3: {  	s2 =	rddreg [dreg:$0x0];
	s1 =	smul.u32 $0x50000, s0  }
0x4: {  	s5 =	rddreg [dreg:$0x1]  }
0x5: {  	s3 =	rddreg [dreg:$0x2];
	s1 =	sadd.s32 s4, s1;
	s4 =	simm.s32 $0x0  }
0x6: {  	s20 =	simm.s32 $0x80;
	[smem:$0x7FF] =	sst s4  }
0x7: {  	s21 =	simm.s32 $0x100;
	_ =	strace $0x8000004A;
	[dreg:$0x6] =	wrdreg s20  }
0x8: {  	s22 =	simm.s32 $0x180;
	[dreg:$0x7] =	wrdreg s21  }
0x9: {  	s23 =	simm.s32 $0x200;
	[dreg:$0x8] =	wrdreg s22  }
0xa: {  	s24 =	simm.s32 $0x1080;
	[dreg:$0x9] =	wrdreg s23  }
0xb: {  	s25 =	simm.s32 $0x280;
	[dreg:$0xa] =	wrdreg s24  }
0xc: {  	s10 =	simm.s32 $0x300;
	[dreg:$0xb] =	wrdreg s25  }
0xd: {  	s11 =	simm.s32 $0x1180;
	[dreg:$0xd] =	wrdreg s10  }
0xe: {  	s12 =	simm.s32 $0x380;
	s13 =	simm.s32 $0x1200;
	[dreg:$0xe] =	wrdreg s11  }
0xf: {  	s14 =	simm.s32 $0x400;
	s15 =	simm.s32 $0x1280;
	[dreg:$0xf] =	wrdreg s12  }
0x10: {  	s17 =	simm.s32 $0x480;
	s18 =	simm.s32 $0x1300;
	[dreg:$0x10] =	wrdreg s13  }
0x11: {  	s26 =	smul.u32 $0x140000, s0;
	s0 =	ssub.s32 $0x2, s0;
	[dreg:$0x11] =	wrdreg s14  }
0x12: {  	s7 =	sadd.s32 $0x1C00, s5;
	s16 =	sshrl.u32 s0, $0x1;
	[dreg:$0x12] =	wrdreg s15  }
0x13: {  	s9 =	smul.u32 $0x14000, s8;
	s0 =	ssub.s32 s0, s16;
	[dreg:$0x13] =	wrdreg s17  }
0x14: {  	s19 =	smul.u32 $0x50000, s8;
	s0 =	smax.u32 s0, $0x1;
	[dreg:$0x14] =	wrdreg s18  }
0x15: {  	s8 =	simm.s32 $0x680;
	s16 =	simm.s32 $0x780;
	[smem:$0x7EC] =	sst s0  }
0x16: {  	s6 =	sadd.s32 $0xA0000, s1;
	s1 =	sshrl.u32 s1, $0x3;
	[dreg:$0x1b] =	wrdreg s8  }
0x17: {  	s1 =	sadd.s32 s1, s7;
	[dreg:$0x1f] =	wrdreg s16  }
0x18: {  	s20 =	simm.s32 $0x500;
	[dreg:$0x5] =	wrdreg s1  }
0x19: {  	s21 =	simm.s32 $0x1380;
	[dreg:$0x15] =	wrdreg s20  }
0x1a: {  	s23 =	simm.s32 $0x580;
	[dreg:$0x16] =	wrdreg s21  }
0x1b: {  	s24 =	simm.s32 $0x1400;
	[dreg:$0x17] =	wrdreg s23  }
0x1c: {  	s28 =	simm.s32 $0x1880;
	s25 =	simm.s32 $0x600;
	[dreg:$0x18] =	wrdreg s24  }
0x1d: {  	s29 =	simm.s32 $0xA80;
	s10 =	simm.s32 $0x1500;
	[dreg:$0x19] =	wrdreg s25  }
0x1e: {  	s30 =	simm.s32 $0x1900;
	s12 =	simm.s32 $0x700;
	[dreg:$0x1c] =	wrdreg s10  }
0x1f: {  	s31 =	simm.s32 $0xB00;
	s14 =	simm.s32 $0x1580;
	[dreg:$0x1d] =	wrdreg s12  }
0x20: {  	s6 =	sshrl.u32 s6, $0x3;
	s18 =	simm.s32 $0x1600;
	[dreg:$0x1e] =	wrdreg s14  }
0x21: {  	s22 =	sshrl.u32 s19, $0x2;
	s19 =	simm.s32 $0x800;
	[smem:$0x7F5] =	sst s18  }
0x22: {  	s16 =	simm.s32 $0x5;
	s6 =	sadd.s32 s6, s7;
	[smem:$0x7F6] =	sst s19  }
0x23: {  	s0 =	simm.s32 $0xB80;
	s7 =	simm.s32 $0x1100;
	[dreg:$0x4] =	wrdreg s6  }
0x24: {  	s8 =	simm.s32 $0x1A80;
	s20 =	simm.s32 $0x1680;
	[dreg:$0xc] =	wrdreg s7  }
0x25: {  	s21 =	simm.s32 $0x880;
	s18 =	simm.s32 $0x50;
	[smem:$0x7F7] =	sst s20  }
0x26: {  	s19 =	simm.s32 $0x4800;
	s23 =	simm.s32 $0x900;
	[smem:$0x7F8] =	sst s21  }
0x27: {  	s24 =	simm.s32 $0x1780;
	s6 =	sadd.s32 s9, s26;
	[smem:$0x7FA] =	sst s23  }
0x28: {  	s25 =	simm.s32 $0x980;
	[smem:$0x7FB] =	sst s24;
	s6 =	sshrl.u32 s6, $0x3  }
0x29: {  	[smem:$0x7FC] =	sst s25;
	s5 =	sadd.s32 s6, s5;
	s6 =	simm.s32 $0x1480  }
0x2a: {  	s1 =	simm.s32 $0x1980;
	s5 =	sadd.s32 $0x29C00, s5;
	[dreg:$0x1a] =	wrdreg s6  }
0x2b: {  	s10 =	simm.s32 $0x1B80;
	[smem:$0x7EB] =	sst s5;
	s5 =	sadd.s32 s22, s3  }
0x2c: {  	s12 =	simm.s32 $0x0;
	s22 =	simm.s32 $0x1700;
	[smem:$0x7F3] =	sst s5  }
0x2d: {  	s20 =	simm.s32 $0x7000;
	s26 =	sadd.s32 $0x2800, s5;
	[smem:$0x7F9] =	sst s22  }
0x2e: {  	s21 =	simm.s32 $0x9800;
	s7 =	sadd.s32 $0x5000, s5;
	[smem:$0x7ED] =	sst s26  }
0x2f: {  	s23 =	simm.s32 $0x2;
	s9 =	sadd.s32 $0x7800, s5;
	[smem:$0x7EE] =	sst s7  }
0x30: {  	s24 =	simm.s32 $0x3;
	s11 =	sadd.s32 $0xA000, s5;
	[smem:$0x7EF] =	sst s9  }
0x31: {  	s25 =	simm.s32 $0x4;
	s13 =	sadd.s32 $0xC800, s5;
	[smem:$0x7F0] =	sst s11  }
0x32: {  	s15 =	sadd.s32 $0xF000, s5;
	s17 =	sadd.s32 $0x11800, s5;
	[smem:$0x7F1] =	sst s13  }
0x33: {  	s22 =	simm.s32 $0x1;
	s5 =	simm.s32 $0x1A00;
	[smem:$0x7F2] =	sst s15  }
0x34: {  	[smem:$0x7F4] =	sst s17;
	s15 =	simm.s32 $0x2000;
	s17 =	simm.s32 $0x1000  }
0x35: {  	s26 =	simm.s32 $0x1800;
	s7 =	simm.s32 $0xC00;
	s9 =	simm.s32 $0x1B00  }
0x36: {  	v0 =	vimm.f32 $0.0e+00;
	s11 =	simm.s32 $0x1C00;
	[smem:$0x7FD] =	sst s26;
	s26 =	simm.s32 $0xA00  }
.LBB2_1:
0x37: {  	s13 =	simm.s32 $0x70;
	s14 =	simm.s32 $0x3C0  }
.LBB2_2:
0x38: {  	p0 =	sne.s32 s14, $0x9FC0;
	[tilespmem:s13+$0x2000] =	vst v0  }
0x39: {  	[tilespmem:s13+$0x1F90] =	vst v0  }
0x3a: {  	[tilespmem:s13+$0x1FA0] =	vst v0  }
.Ltmp0:
0x3b: {  	[tilespmem:s13+$0x1FB0] =	vst v0;
	(pc) =	sbr.rel @p0 .LBB2_2-.Ltmp0, $4  }
0x3c: {  	[tilespmem:s13+$0x1FC0] =	vst v0  }
0x3d: {  	[tilespmem:s13+$0x1FD0] =	vst v0  }
0x3e: {  	[tilespmem:s13+$0x1FE0] =	vst v0  }
0x3f: {  	[tilespmem:s13+$0x1FF0] =	vst v0;
	s13 =	sshra.s32 s14, $0x2;
	s14 =	sadd.s32 $0x200, s14  }
0x40: {  	[tilespmem:s13+$0x2000] =	vst v0  }
0x41: {  	[tilespmem:s13+$0x1F90] =	vst v0  }
0x42: {  	[tilespmem:s13+$0x1FA0] =	vst v0  }
0x43: {  	[tilespmem:s13+$0x1FB0] =	vst v0  }
0x44: {  	[tilespmem:s13+$0x1FC0] =	vst v0  }
0x45: {  	[tilespmem:s13+$0x1FD0] =	vst v0;
	s6 =	sld [smem:$0x7F3]  }
0x46: {  	[tilespmem:s13+$0x1FE0] =	vst v0  }
0x47: {  	[smem:$0x7EA] =	sst s12;
	[tilespmem:s13+$0x1FF0] =	vst v0  }
0x48: {  	[spmem:s6] =	stream.linear.scatter [tilespmem:s15], [sflag:$0x5], $0x2800, $0x38;
	v63 =	vld [tilespmem:$0x0]  }
0x49: {  	_ =	swait.ge [sflag:s16], $0x2800  }
0x4a: {  	s13 =	sld [smem:$0x7ED]  }
0x4b: {  	[sflag:s16] =	ssyncset.done $0x0  }
0x4c: {  	[sflag:s16] =	ssyncadd.s32 $0xFFFFD800  }
0x4d: {  	[spmem:s13] =	stream.linear.scatter [tilespmem:s15], [sflag:$0x5], $0x2800, $0x38;
	v63 =	vld [tilespmem:$0x0]  }
0x4e: {  	_ =	swait.ge [sflag:s16], $0x2800  }
0x4f: {  	s14 =	sld [smem:$0x7EE]  }
0x50: {  	[sflag:s16] =	ssyncset.done $0x0  }
0x51: {  	[sflag:s16] =	ssyncadd.s32 $0xFFFFD800  }
0x52: {  	[spmem:s14] =	stream.linear.scatter [tilespmem:s15], [sflag:$0x5], $0x2800, $0x38;
	v63 =	vld [tilespmem:$0x0]  }
0x53: {  	_ =	swait.ge [sflag:s16], $0x2800  }
0x54: {  	s12 =	sld [smem:$0x7EF]  }
0x55: {  	[sflag:s16] =	ssyncset.done $0x0  }
0x56: {  	[sflag:s16] =	ssyncadd.s32 $0xFFFFD800  }
0x57: {  	[spmem:s12] =	stream.linear.scatter [tilespmem:s15], [sflag:$0x5], $0x2800, $0x38;
	v63 =	vld [tilespmem:$0x0]  }
0x58: {  	_ =	swait.ge [sflag:s16], $0x2800  }
0x59: {  	s13 =	sld [smem:$0x7F0]  }
0x5a: {  	[sflag:s16] =	ssyncset.done $0x0  }
0x5b: {  	[sflag:s16] =	ssyncadd.s32 $0xFFFFD800  }
0x5c: {  	[spmem:s13] =	stream.linear.scatter [tilespmem:s15], [sflag:$0x5], $0x2800, $0x38;
	v63 =	vld [tilespmem:$0x0]  }
0x5d: {  	_ =	swait.ge [sflag:s16], $0x2800  }
0x5e: {  	s14 =	sld [smem:$0x7F1]  }
0x5f: {  	[sflag:s16] =	ssyncset.done $0x0  }
0x60: {  	[sflag:s16] =	ssyncadd.s32 $0xFFFFD800  }
0x61: {  	[spmem:s14] =	stream.linear.scatter [tilespmem:s15], [sflag:$0x5], $0x2800, $0x38;
	v63 =	vld [tilespmem:$0x0]  }
0x62: {  	_ =	swait.ge [sflag:s16], $0x2800  }
0x63: {  	s12 =	sld [smem:$0x7F2]  }
0x64: {  	[sflag:s16] =	ssyncset.done $0x0  }
0x65: {  	[sflag:s16] =	ssyncadd.s32 $0xFFFFD800  }
0x66: {  	[spmem:s12] =	stream.linear.scatter [tilespmem:s15], [sflag:$0x5], $0x2800, $0x38;
	v63 =	vld [tilespmem:$0x0]  }
0x67: {  	_ =	swait.ge [sflag:s16], $0x2800  }
0x68: {  	s13 =	sld [smem:$0x7F4]  }
0x69: {  	[sflag:s16] =	ssyncset.done $0x0  }
0x6a: {  	[sflag:s16] =	ssyncadd.s32 $0xFFFFD800  }
0x6b: {  	[spmem:s13] =	stream.linear.scatter [tilespmem:s15], [sflag:$0x5], $0x2800, $0x38;
	v63 =	vld [tilespmem:$0x0]  }
0x6c: {  	_ =	swait.ge [sflag:s16], $0x2800  }
0x6d: {  	[sflag:s16] =	ssyncset.done $0x0  }
0x6e: {  	[sflag:s16] =	ssyncadd.s32 $0xFFFFD800  }
0x6f: {  	[bflag:$0x0] =	sbarrier.arrive $0xFFFF  }
0x70: {  	s14 =	rddreg [dreg:$0x5]  }
0x71: {  	s6 =	sadd.s32 $0x0, s14  }
0x72: {  	[tilespmem:s4], [sflag:$0x5] =	stream.linear.gather [hbm4b:s6+s4], $0xC80, $0x38;
	v63 =	vld [tilespmem:$0x0]  }
0x73: {  	_ =	swait.ge [sflag:s16], $0xC80  }
0x74: {  	s12 =	rddreg [dreg:$0x4];
	[sflag:s16] =	ssyncset.done $0x0  }
0x75: {  	[sflag:s16] =	ssyncadd.s32 $0xFFFFF380;
	s6 =	sadd.s32 $0x0, s12  }
0x76: {  	[tilespmem:s17], [sflag:$0x5] =	stream.linear.gather [hbm4b:s6+s4], $0xC80, $0x38;
	v63 =	vld [tilespmem:$0x0]  }
0x77: {  	_ =	swait.ge [sflag:s16], $0xC80  }
0x78: {  	[sflag:s16] =	ssyncset.done $0x0  }
0x79: {  	[sflag:s16] =	ssyncadd.s32 $0xFFFFF380  }
0x7a: {  	[tilespmem:s15], [sflag:$0x1] =	stream.indirect.gather [hbm4b:s2+s18], $0x80, s4, s18, $0xb8;
	v63 =	vld [tilespmem:$0x0]  }
0x7b: {  	s13 =	rddreg [dreg:$0x6]  }
0x7c: {  	[tilespmem:s19], [sflag:$0x2] =	stream.indirect.gather [hbm4b:s2+s18], $0x80, s13, s18, $0xb8;
	v63 =	vld [tilespmem:$0x0]  }
0x7d: {  	s14 =	rddreg [dreg:$0x7]  }
0x7e: {  	[tilespmem:s20], [sflag:$0x3] =	stream.indirect.gather [hbm4b:s2+s18], $0x80, s14, s18, $0xb8;
	v63 =	vld [tilespmem:$0x0]  }
0x7f: {  	s12 =	rddreg [dreg:$0x8]  }
0x80: {  	[tilespmem:s21], [sflag:$0x4] =	stream.indirect.gather [hbm4b:s2+s18], $0x80, s12, s18, $0xb8;
	v63 =	vld [tilespmem:$0x0]  }
0x81: {  	_ =	swait.ge [sflag:s22], $0x2800  }
0x82: {  	[sflag:s22] =	ssyncset.done $0x0  }
0x83: {  	[sflag:s22] =	ssyncadd.s32 $0xFFFFD800  }
0x84: {  	[spmem:s3] =	stream.indirect.scatter.add.f32 [tilespmem:s15], [sflag:$0x5], $0x80, s17, s18, $0xb8;
	v63 =	vld [tilespmem:$0x0]  }
0x85: {  	_ =	swait.ge [sflag:s16], $0x2800  }
0x86: {  	[sflag:s16] =	ssyncset.done $0x0  }
0x87: {  	s13 =	rddreg [dreg:$0x9];
	[sflag:s16] =	ssyncadd.s32 $0xFFFFD800  }
0x88: {  	[tilespmem:s15], [sflag:$0x1] =	stream.indirect.gather [hbm4b:s2+s18], $0x80, s13, s18, $0xb8;
	v63 =	vld [tilespmem:$0x0]  }
0x89: {  	_ =	swait.ge [sflag:s23], $0x2800  }
0x8a: {  	[sflag:s23] =	ssyncset.done $0x0  }
0x8b: {  	s14 =	rddreg [dreg:$0xa];
	[sflag:s23] =	ssyncadd.s32 $0xFFFFD800  }
0x8c: {  	[spmem:s3] =	stream.indirect.scatter.add.f32 [tilespmem:s19], [sflag:$0x5], $0x80, s14, s18, $0xb8;
	v63 =	vld [tilespmem:$0x0]  }
0x8d: {  	_ =	swait.ge [sflag:s16], $0x2800  }
0x8e: {  	[sflag:s16] =	ssyncset.done $0x0  }
0x8f: {  	s12 =	rddreg [dreg:$0xb];
	[sflag:s16] =	ssyncadd.s32 $0xFFFFD800  }
0x90: {  	[tilespmem:s19], [sflag:$0x2] =	stream.indirect.gather [hbm4b:s2+s18], $0x80, s12, s18, $0xb8;
	v63 =	vld [tilespmem:$0x0]  }
0x91: {  	_ =	swait.ge [sflag:s24], $0x2800  }
0x92: {  	[sflag:s24] =	ssyncset.done $0x0  }
0x93: {  	s13 =	rddreg [dreg:$0xc];
	[sflag:s24] =	ssyncadd.s32 $0xFFFFD800  }
0x94: {  	[spmem:s3] =	stream.indirect.scatter.add.f32 [tilespmem:s20], [sflag:$0x5], $0x80, s13, s18, $0xb8;
	v63 =	vld [tilespmem:$0x0]  }
0x95: {  	_ =	swait.ge [sflag:s16], $0x2800  }
0x96: {  	[sflag:s16] =	ssyncset.done $0x0  }
0x97: {  	s14 =	rddreg [dreg:$0xd];
	[sflag:s16] =	ssyncadd.s32 $0xFFFFD800  }
0x98: {  	[tilespmem:s20], [sflag:$0x3] =	stream.indirect.gather [hbm4b:s2+s18], $0x80, s14, s18, $0xb8;
	v63 =	vld [tilespmem:$0x0]  }
0x99: {  	_ =	swait.ge [sflag:s25], $0x2800  }
0x9a: {  	[sflag:s25] =	ssyncset.done $0x0  }
0x9b: {  	s12 =	rddreg [dreg:$0xe];
	[sflag:s25] =	ssyncadd.s32 $0xFFFFD800  }
0x9c: {  	[spmem:s3] =	stream.indirect.scatter.add.f32 [tilespmem:s21], [sflag:$0x5], $0x80, s12, s18, $0xb8;
	v63 =	vld [tilespmem:$0x0]  }
0x9d: {  	_ =	swait.ge [sflag:s16], $0x2800  }
0x9e: {  	[sflag:s16] =	ssyncset.done $0x0  }
0x9f: {  	s13 =	rddreg [dreg:$0xf];
	[sflag:s16] =	ssyncadd.s32 $0xFFFFD800  }
0xa0: {  	[tilespmem:s21], [sflag:$0x4] =	stream.indirect.gather [hbm4b:s2+s18], $0x80, s13, s18, $0xb8;
	v63 =	vld [tilespmem:$0x0]  }
0xa1: {  	_ =	swait.ge [sflag:s22], $0x2800  }
0xa2: {  	[sflag:s22] =	ssyncset.done $0x0  }
0xa3: {  	s14 =	rddreg [dreg:$0x10];
	[sflag:s22] =	ssyncadd.s32 $0xFFFFD800  }
0xa4: {  	[spmem:s3] =	stream.indirect.scatter.add.f32 [tilespmem:s15], [sflag:$0x5], $0x80, s14, s18, $0xb8;
	v63 =	vld [tilespmem:$0x0]  }
0xa5: {  	_ =	swait.ge [sflag:s16], $0x2800  }
0xa6: {  	[sflag:s16] =	ssyncset.done $0x0  }
0xa7: {  	s12 =	rddreg [dreg:$0x11];
	[sflag:s16] =	ssyncadd.s32 $0xFFFFD800  }
0xa8: {  	[tilespmem:s15], [sflag:$0x1] =	stream.indirect.gather [hbm4b:s2+s18], $0x80, s12, s18, $0xb8;
	v63 =	vld [tilespmem:$0x0]  }
0xa9: {  	_ =	swait.ge [sflag:s23], $0x2800  }
0xaa: {  	[sflag:s23] =	ssyncset.done $0x0  }
0xab: {  	s13 =	rddreg [dreg:$0x12];
	[sflag:s23] =	ssyncadd.s32 $0xFFFFD800  }
0xac: {  	[spmem:s3] =	stream.indirect.scatter.add.f32 [tilespmem:s19], [sflag:$0x5], $0x80, s13, s18, $0xb8;
	v63 =	vld [tilespmem:$0x0]  }
0xad: {  	_ =	swait.ge [sflag:s16], $0x2800  }
0xae: {  	[sflag:s16] =	ssyncset.done $0x0  }
0xaf: {  	s14 =	rddreg [dreg:$0x13];
	[sflag:s16] =	ssyncadd.s32 $0xFFFFD800  }
0xb0: {  	[tilespmem:s19], [sflag:$0x2] =	stream.indirect.gather [hbm4b:s2+s18], $0x80, s14, s18, $0xb8;
	v63 =	vld [tilespmem:$0x0]  }
0xb1: {  	_ =	swait.ge [sflag:s24], $0x2800  }
0xb2: {  	[sflag:s24] =	ssyncset.done $0x0  }
0xb3: {  	s12 =	rddreg [dreg:$0x14];
	[sflag:s24] =	ssyncadd.s32 $0xFFFFD800  }
0xb4: {  	[spmem:s3] =	stream.indirect.scatter.add.f32 [tilespmem:s20], [sflag:$0x5], $0x80, s12, s18, $0xb8;
	v63 =	vld [tilespmem:$0x0]  }
0xb5: {  	_ =	swait.ge [sflag:s16], $0x2800  }
0xb6: {  	[sflag:s16] =	ssyncset.done $0x0  }
0xb7: {  	s13 =	rddreg [dreg:$0x15];
	[sflag:s16] =	ssyncadd.s32 $0xFFFFD800  }
0xb8: {  	[tilespmem:s20], [sflag:$0x3] =	stream.indirect.gather [hbm4b:s2+s18], $0x80, s13, s18, $0xb8;
	v63 =	vld [tilespmem:$0x0]  }
0xb9: {  	_ =	swait.ge [sflag:s25], $0x2800  }
0xba: {  	[sflag:s25] =	ssyncset.done $0x0  }
0xbb: {  	s14 =	rddreg [dreg:$0x16];
	[sflag:s25] =	ssyncadd.s32 $0xFFFFD800  }
0xbc: {  	[spmem:s3] =	stream.indirect.scatter.add.f32 [tilespmem:s21], [sflag:$0x5], $0x80, s14, s18, $0xb8;
	v63 =	vld [tilespmem:$0x0]  }
0xbd: {  	_ =	swait.ge [sflag:s16], $0x2800  }
0xbe: {  	[sflag:s16] =	ssyncset.done $0x0  }
0xbf: {  	s12 =	rddreg [dreg:$0x17];
	[sflag:s16] =	ssyncadd.s32 $0xFFFFD800  }
0xc0: {  	[tilespmem:s21], [sflag:$0x4] =	stream.indirect.gather [hbm4b:s2+s18], $0x80, s12, s18, $0xb8;
	v63 =	vld [tilespmem:$0x0]  }
0xc1: {  	_ =	swait.ge [sflag:s22], $0x2800  }
0xc2: {  	[sflag:s22] =	ssyncset.done $0x0  }
0xc3: {  	s13 =	rddreg [dreg:$0x18];
	[sflag:s22] =	ssyncadd.s32 $0xFFFFD800  }
0xc4: {  	[spmem:s3] =	stream.indirect.scatter.add.f32 [tilespmem:s15], [sflag:$0x5], $0x80, s13, s18, $0xb8;
	v63 =	vld [tilespmem:$0x0]  }
0xc5: {  	_ =	swait.ge [sflag:s16], $0x2800  }
0xc6: {  	[sflag:s16] =	ssyncset.done $0x0  }
0xc7: {  	s14 =	rddreg [dreg:$0x19];
	[sflag:s16] =	ssyncadd.s32 $0xFFFFD800  }
0xc8: {  	[tilespmem:s15], [sflag:$0x1] =	stream.indirect.gather [hbm4b:s2+s18], $0x80, s14, s18, $0xb8;
	v63 =	vld [tilespmem:$0x0]  }
0xc9: {  	_ =	swait.ge [sflag:s23], $0x2800  }
0xca: {  	[sflag:s23] =	ssyncset.done $0x0  }
0xcb: {  	s12 =	rddreg [dreg:$0x1a];
	[sflag:s23] =	ssyncadd.s32 $0xFFFFD800  }
0xcc: {  	[spmem:s3] =	stream.indirect.scatter.add.f32 [tilespmem:s19], [sflag:$0x5], $0x80, s12, s18, $0xb8;
	v63 =	vld [tilespmem:$0x0]  }
0xcd: {  	_ =	swait.ge [sflag:s16], $0x2800  }
0xce: {  	[sflag:s16] =	ssyncset.done $0x0  }
0xcf: {  	s13 =	rddreg [dreg:$0x1b];
	[sflag:s16] =	ssyncadd.s32 $0xFFFFD800  }
0xd0: {  	[tilespmem:s19], [sflag:$0x2] =	stream.indirect.gather [hbm4b:s2+s18], $0x80, s13, s18, $0xb8;
	v63 =	vld [tilespmem:$0x0]  }
0xd1: {  	_ =	swait.ge [sflag:s24], $0x2800  }
0xd2: {  	[sflag:s24] =	ssyncset.done $0x0  }
0xd3: {  	s14 =	rddreg [dreg:$0x1c];
	[sflag:s24] =	ssyncadd.s32 $0xFFFFD800  }
0xd4: {  	[spmem:s3] =	stream.indirect.scatter.add.f32 [tilespmem:s20], [sflag:$0x5], $0x80, s14, s18, $0xb8;
	v63 =	vld [tilespmem:$0x0]  }
0xd5: {  	_ =	swait.ge [sflag:s16], $0x2800  }
0xd6: {  	[sflag:s16] =	ssyncset.done $0x0  }
0xd7: {  	s12 =	rddreg [dreg:$0x1d];
	[sflag:s16] =	ssyncadd.s32 $0xFFFFD800  }
0xd8: {  	[tilespmem:s20], [sflag:$0x3] =	stream.indirect.gather [hbm4b:s2+s18], $0x80, s12, s18, $0xb8;
	v63 =	vld [tilespmem:$0x0]  }
0xd9: {  	_ =	swait.ge [sflag:s25], $0x2800  }
0xda: {  	[sflag:s25] =	ssyncset.done $0x0  }
0xdb: {  	s13 =	rddreg [dreg:$0x1e];
	[sflag:s25] =	ssyncadd.s32 $0xFFFFD800  }
0xdc: {  	[spmem:s3] =	stream.indirect.scatter.add.f32 [tilespmem:s21], [sflag:$0x5], $0x80, s13, s18, $0xb8;
	v63 =	vld [tilespmem:$0x0]  }
0xdd: {  	_ =	swait.ge [sflag:s16], $0x2800  }
0xde: {  	[sflag:s16] =	ssyncset.done $0x0  }
0xdf: {  	s14 =	rddreg [dreg:$0x1f];
	[sflag:s16] =	ssyncadd.s32 $0xFFFFD800  }
0xe0: {  	[tilespmem:s21], [sflag:$0x4] =	stream.indirect.gather [hbm4b:s2+s18], $0x80, s14, s18, $0xb8;
	v63 =	vld [tilespmem:$0x0]  }
0xe1: {  	_ =	swait.ge [sflag:s22], $0x2800  }
0xe2: {  	s12 =	sld [smem:$0x7F5]  }
0xe3: {  	[sflag:s22] =	ssyncset.done $0x0  }
0xe4: {  	[sflag:s22] =	ssyncadd.s32 $0xFFFFD800  }
0xe5: {  	[spmem:s3] =	stream.indirect.scatter.add.f32 [tilespmem:s15], [sflag:$0x5], $0x80, s12, s18, $0xb8;
	v63 =	vld [tilespmem:$0x0]  }
0xe6: {  	_ =	swait.ge [sflag:s16], $0x2800  }
0xe7: {  	s13 =	sld [smem:$0x7F6]  }
0xe8: {  	[sflag:s16] =	ssyncset.done $0x0  }
0xe9: {  	[sflag:s16] =	ssyncadd.s32 $0xFFFFD800  }
0xea: {  	[tilespmem:s15], [sflag:$0x1] =	stream.indirect.gather [hbm4b:s2+s18], $0x80, s13, s18, $0xb8;
	v63 =	vld [tilespmem:$0x0]  }
0xeb: {  	_ =	swait.ge [sflag:s23], $0x2800  }
0xec: {  	s14 =	sld [smem:$0x7F7]  }
0xed: {  	[sflag:s23] =	ssyncset.done $0x0  }
0xee: {  	[sflag:s23] =	ssyncadd.s32 $0xFFFFD800  }
0xef: {  	[spmem:s3] =	stream.indirect.scatter.add.f32 [tilespmem:s19], [sflag:$0x5], $0x80, s14, s18, $0xb8;
	v63 =	vld [tilespmem:$0x0]  }
0xf0: {  	_ =	swait.ge [sflag:s16], $0x2800  }
0xf1: {  	s12 =	sld [smem:$0x7F8]  }
0xf2: {  	[sflag:s16] =	ssyncset.done $0x0  }
0xf3: {  	[sflag:s16] =	ssyncadd.s32 $0xFFFFD800  }
0xf4: {  	[tilespmem:s19], [sflag:$0x2] =	stream.indirect.gather [hbm4b:s2+s18], $0x80, s12, s18, $0xb8;
	v63 =	vld [tilespmem:$0x0]  }
0xf5: {  	_ =	swait.ge [sflag:s24], $0x2800  }
0xf6: {  	s13 =	sld [smem:$0x7F9]  }
0xf7: {  	[sflag:s24] =	ssyncset.done $0x0  }
0xf8: {  	[sflag:s24] =	ssyncadd.s32 $0xFFFFD800  }
0xf9: {  	[spmem:s3] =	stream.indirect.scatter.add.f32 [tilespmem:s20], [sflag:$0x5], $0x80, s13, s18, $0xb8;
	v63 =	vld [tilespmem:$0x0]  }
0xfa: {  	_ =	swait.ge [sflag:s16], $0x2800  }
0xfb: {  	s14 =	sld [smem:$0x7FA]  }
0xfc: {  	[sflag:s16] =	ssyncset.done $0x0  }
0xfd: {  	[sflag:s16] =	ssyncadd.s32 $0xFFFFD800  }
0xfe: {  	[tilespmem:s20], [sflag:$0x3] =	stream.indirect.gather [hbm4b:s2+s18], $0x80, s14, s18, $0xb8;
	v63 =	vld [tilespmem:$0x0]  }
0xff: {  	_ =	swait.ge [sflag:s25], $0x2800  }
0x100: {  	s12 =	sld [smem:$0x7FB]  }
0x101: {  	[sflag:s25] =	ssyncset.done $0x0  }
0x102: {  	[sflag:s25] =	ssyncadd.s32 $0xFFFFD800  }
0x103: {  	[spmem:s3] =	stream.indirect.scatter.add.f32 [tilespmem:s21], [sflag:$0x5], $0x80, s12, s18, $0xb8;
	v63 =	vld [tilespmem:$0x0]  }
0x104: {  	_ =	swait.ge [sflag:s16], $0x2800  }
0x105: {  	s13 =	sld [smem:$0x7FC]  }
0x106: {  	[sflag:s16] =	ssyncset.done $0x0  }
0x107: {  	[sflag:s16] =	ssyncadd.s32 $0xFFFFD800  }
0x108: {  	[tilespmem:s21], [sflag:$0x4] =	stream.indirect.gather [hbm4b:s2+s18], $0x80, s13, s18, $0xb8;
	v63 =	vld [tilespmem:$0x0]  }
0x109: {  	_ =	swait.ge [sflag:s22], $0x2800  }
0x10a: {  	s14 =	sld [smem:$0x7FD]  }
0x10b: {  	[sflag:s22] =	ssyncset.done $0x0  }
0x10c: {  	[sflag:s22] =	ssyncadd.s32 $0xFFFFD800  }
0x10d: {  	[spmem:s3] =	stream.indirect.scatter.add.f32 [tilespmem:s15], [sflag:$0x5], $0x80, s14, s18, $0xb8;
	v63 =	vld [tilespmem:$0x0]  }
0x10e: {  	_ =	swait.ge [sflag:s16], $0x2800  }
0x10f: {  	[sflag:s16] =	ssyncset.done $0x0  }
0x110: {  	[sflag:s16] =	ssyncadd.s32 $0xFFFFD800  }
0x111: {  	[tilespmem:s15], [sflag:$0x1] =	stream.indirect.gather [hbm4b:s2+s18], $0x80, s26, s18, $0xb8;
	v63 =	vld [tilespmem:$0x0]  }
0x112: {  	_ =	swait.ge [sflag:s23], $0x2800  }
0x113: {  	[sflag:s23] =	ssyncset.done $0x0  }
0x114: {  	[sflag:s23] =	ssyncadd.s32 $0xFFFFD800  }
0x115: {  	[spmem:s3] =	stream.indirect.scatter.add.f32 [tilespmem:s19], [sflag:$0x5], $0x80, s28, s18, $0xb8;
	v63 =	vld [tilespmem:$0x0]  }
0x116: {  	_ =	swait.ge [sflag:s16], $0x2800  }
0x117: {  	[sflag:s16] =	ssyncset.done $0x0  }
0x118: {  	[sflag:s16] =	ssyncadd.s32 $0xFFFFD800  }
0x119: {  	[tilespmem:s19], [sflag:$0x2] =	stream.indirect.gather [hbm4b:s2+s18], $0x80, s29, s18, $0xb8;
	v63 =	vld [tilespmem:$0x0]  }
0x11a: {  	_ =	swait.ge [sflag:s24], $0x2800  }
0x11b: {  	[sflag:s24] =	ssyncset.done $0x0  }
0x11c: {  	[sflag:s24] =	ssyncadd.s32 $0xFFFFD800  }
0x11d: {  	[spmem:s3] =	stream.indirect.scatter.add.f32 [tilespmem:s20], [sflag:$0x5], $0x80, s30, s18, $0xb8;
	v63 =	vld [tilespmem:$0x0]  }
0x11e: {  	_ =	swait.ge [sflag:s16], $0x2800  }
0x11f: {  	[sflag:s16] =	ssyncset.done $0x0  }
0x120: {  	[sflag:s16] =	ssyncadd.s32 $0xFFFFD800  }
0x121: {  	[tilespmem:s20], [sflag:$0x3] =	stream.indirect.gather [hbm4b:s2+s18], $0x80, s31, s18, $0xb8;
	v63 =	vld [tilespmem:$0x0]  }
0x122: {  	_ =	swait.ge [sflag:s25], $0x2800  }
0x123: {  	[sflag:s25] =	ssyncset.done $0x0  }
0x124: {  	[sflag:s25] =	ssyncadd.s32 $0xFFFFD800  }
0x125: {  	[spmem:s3] =	stream.indirect.scatter.add.f32 [tilespmem:s21], [sflag:$0x5], $0x80, s1, s18, $0xb8;
	v63 =	vld [tilespmem:$0x0]  }
0x126: {  	_ =	swait.ge [sflag:s16], $0x2800  }
0x127: {  	[sflag:s16] =	ssyncset.done $0x0  }
0x128: {  	[sflag:s16] =	ssyncadd.s32 $0xFFFFD800  }
0x129: {  	[tilespmem:s21], [sflag:$0x4] =	stream.indirect.gather [hbm4b:s2+s18], $0x80, s0, s18, $0xb8;
	v63 =	vld [tilespmem:$0x0]  }
0x12a: {  	_ =	swait.ge [sflag:s22], $0x2800  }
0x12b: {  	[sflag:s22] =	ssyncset.done $0x0  }
0x12c: {  	[sflag:s22] =	ssyncadd.s32 $0xFFFFD800  }
0x12d: {  	[spmem:s3] =	stream.indirect.scatter.add.f32 [tilespmem:s15], [sflag:$0x5], $0x80, s5, s18, $0xb8;
	v63 =	vld [tilespmem:$0x0]  }
0x12e: {  	_ =	swait.ge [sflag:s16], $0x2800  }
0x12f: {  	[sflag:s16] =	ssyncset.done $0x0  }
0x130: {  	[sflag:s16] =	ssyncadd.s32 $0xFFFFD800  }
0x131: {  	[tilespmem:s15], [sflag:$0x1] =	stream.indirect.gather [hbm4b:s2+s18], $0x80, s7, s18, $0xb8;
	v63 =	vld [tilespmem:$0x0]  }
0x132: {  	_ =	swait.ge [sflag:s23], $0x2800  }
0x133: {  	[sflag:s23] =	ssyncset.done $0x0  }
0x134: {  	[sflag:s23] =	ssyncadd.s32 $0xFFFFD800  }
0x135: {  	[spmem:s3] =	stream.indirect.scatter.add.f32 [tilespmem:s19], [sflag:$0x5], $0x80, s8, s18, $0xb8;
	v63 =	vld [tilespmem:$0x0]  }
0x136: {  	_ =	swait.ge [sflag:s16], $0x2800  }
0x137: {  	[sflag:s16] =	ssyncset.done $0x0  }
0x138: {  	[sflag:s16] =	ssyncadd.s32 $0xFFFFD800  }
0x139: {  	_ =	swait.ge [sflag:s24], $0x2800  }
0x13a: {  	[sflag:s24] =	ssyncset.done $0x0  }
0x13b: {  	[sflag:s24] =	ssyncadd.s32 $0xFFFFD800  }
0x13c: {  	[spmem:s3] =	stream.indirect.scatter.add.f32 [tilespmem:s20], [sflag:$0x5], $0x80, s9, s18, $0xb8;
	v63 =	vld [tilespmem:$0x0]  }
0x13d: {  	_ =	swait.ge [sflag:s16], $0x2800  }
0x13e: {  	[sflag:s16] =	ssyncset.done $0x0  }
0x13f: {  	[sflag:s16] =	ssyncadd.s32 $0xFFFFD800  }
0x140: {  	_ =	swait.ge [sflag:s25], $0x2800  }
0x141: {  	[sflag:s25] =	ssyncset.done $0x0  }
0x142: {  	[sflag:s25] =	ssyncadd.s32 $0xFFFFD800  }
0x143: {  	[spmem:s3] =	stream.indirect.scatter.add.f32 [tilespmem:s21], [sflag:$0x5], $0x80, s10, s18, $0xb8;
	v63 =	vld [tilespmem:$0x0]  }
0x144: {  	_ =	swait.ge [sflag:s16], $0x2800  }
0x145: {  	[sflag:s16] =	ssyncset.done $0x0  }
0x146: {  	[sflag:s16] =	ssyncadd.s32 $0xFFFFD800  }
0x147: {  	_ =	swait.ge [sflag:s22], $0x2800  }
0x148: {  	[sflag:s22] =	ssyncset.done $0x0  }
0x149: {  	[sflag:s22] =	ssyncadd.s32 $0xFFFFD800  }
0x14a: {  	[spmem:s3] =	stream.indirect.scatter.add.f32 [tilespmem:s15], [sflag:$0x5], $0x80, s11, s18, $0xb8;
	v63 =	vld [tilespmem:$0x0]  }
0x14b: {  	s13 =	simm.s32 $0x200;
	_ =	swait.ge [sflag:s16], $0x2800  }
0x14c: {  	s14 =	simm.s32 $0x400;
	s6 =	rddreg [dreg:$0x5];
	[sflag:s16] =	ssyncset.done $0x0  }
.LBB2_4:
0x14d: {  	[sflag:s16] =	ssyncadd.s32 $0xFFFFD800;
	s6 =	sadd.s32 s13, s6  }
0x14e: {  	[tilespmem:s4], [sflag:$0x5] =	stream.linear.gather [hbm4b:s6+s4], $0xC80, $0x38;
	v63 =	vld [tilespmem:$0x0]  }
0x14f: {  	_ =	swait.ge [sflag:s16], $0xC80  }
0x150: {  	s6 =	rddreg [dreg:$0x4];
	[sflag:s16] =	ssyncset.done $0x0  }
0x151: {  	[sflag:s16] =	ssyncadd.s32 $0xFFFFF380;
	s6 =	sadd.s32 s13, s6  }
0x152: {  	[tilespmem:s17], [sflag:$0x5] =	stream.linear.gather [hbm4b:s6+s4], $0xC80, $0x38;
	v63 =	vld [tilespmem:$0x0]  }
0x153: {  	_ =	swait.ge [sflag:s16], $0xC80  }
0x154: {  	[sflag:s16] =	ssyncset.done $0x0  }
0x155: {  	[sflag:s16] =	ssyncadd.s32 $0xFFFFF380  }
0x156: {  	[tilespmem:s15], [sflag:$0x1] =	stream.indirect.gather [hbm4b:s2+s18], $0x80, s4, s18, $0xb8;
	v63 =	vld [tilespmem:$0x0]  }
0x157: {  	s12 =	smov.u32 s14;
	s6 =	rddreg [dreg:$0x6]  }
0x158: {  	[tilespmem:s19], [sflag:$0x2] =	stream.indirect.gather [hbm4b:s2+s18], $0x80, s6, s18, $0xb8;
	v63 =	vld [tilespmem:$0x0]  }
0x159: {  	s13 =	smov.u32 s12;
	s12 =	rddreg [dreg:$0x7]  }
0x15a: {  	[tilespmem:s20], [sflag:$0x3] =	stream.indirect.gather [hbm4b:s2+s18], $0x80, s12, s18, $0xb8;
	v63 =	vld [tilespmem:$0x0]  }
0x15b: {  	s6 =	rddreg [dreg:$0x8]  }
0x15c: {  	[tilespmem:s21], [sflag:$0x4] =	stream.indirect.gather [hbm4b:s2+s18], $0x80, s6, s18, $0xb8;
	v63 =	vld [tilespmem:$0x0]  }
0x15d: {  	_ =	swait.ge [sflag:s22], $0x2800  }
0x15e: {  	[sflag:s22] =	ssyncset.done $0x0  }
0x15f: {  	[sflag:s22] =	ssyncadd.s32 $0xFFFFD800  }
0x160: {  	[spmem:s3] =	stream.indirect.scatter.add.f32 [tilespmem:s15], [sflag:$0x5], $0x80, s17, s18, $0xb8;
	v63 =	vld [tilespmem:$0x0]  }
0x161: {  	_ =	swait.ge [sflag:s16], $0x2800  }
0x162: {  	[sflag:s16] =	ssyncset.done $0x0  }
0x163: {  	s12 =	rddreg [dreg:$0x9];
	[sflag:s16] =	ssyncadd.s32 $0xFFFFD800  }
0x164: {  	[tilespmem:s15], [sflag:$0x1] =	stream.indirect.gather [hbm4b:s2+s18], $0x80, s12, s18, $0xb8;
	v63 =	vld [tilespmem:$0x0]  }
0x165: {  	_ =	swait.ge [sflag:s23], $0x2800  }
0x166: {  	[sflag:s23] =	ssyncset.done $0x0  }
0x167: {  	s12 =	rddreg [dreg:$0xa];
	[sflag:s23] =	ssyncadd.s32 $0xFFFFD800  }
0x168: {  	[spmem:s3] =	stream.indirect.scatter.add.f32 [tilespmem:s19], [sflag:$0x5], $0x80, s12, s18, $0xb8;
	v63 =	vld [tilespmem:$0x0]  }
0x169: {  	_ =	swait.ge [sflag:s16], $0x2800  }
0x16a: {  	[sflag:s16] =	ssyncset.done $0x0  }
0x16b: {  	s12 =	rddreg [dreg:$0xb];
	[sflag:s16] =	ssyncadd.s32 $0xFFFFD800  }
0x16c: {  	[tilespmem:s19], [sflag:$0x2] =	stream.indirect.gather [hbm4b:s2+s18], $0x80, s12, s18, $0xb8;
	v63 =	vld [tilespmem:$0x0]  }
0x16d: {  	_ =	swait.ge [sflag:s24], $0x2800  }
0x16e: {  	[sflag:s24] =	ssyncset.done $0x0  }
0x16f: {  	s12 =	rddreg [dreg:$0xc];
	[sflag:s24] =	ssyncadd.s32 $0xFFFFD800  }
0x170: {  	[spmem:s3] =	stream.indirect.scatter.add.f32 [tilespmem:s20], [sflag:$0x5], $0x80, s12, s18, $0xb8;
	v63 =	vld [tilespmem:$0x0]  }
0x171: {  	_ =	swait.ge [sflag:s16], $0x2800  }
0x172: {  	[sflag:s16] =	ssyncset.done $0x0  }
0x173: {  	s12 =	rddreg [dreg:$0xd];
	[sflag:s16] =	ssyncadd.s32 $0xFFFFD800  }
0x174: {  	[tilespmem:s20], [sflag:$0x3] =	stream.indirect.gather [hbm4b:s2+s18], $0x80, s12, s18, $0xb8;
	v63 =	vld [tilespmem:$0x0]  }
0x175: {  	_ =	swait.ge [sflag:s25], $0x2800  }
0x176: {  	[sflag:s25] =	ssyncset.done $0x0  }
0x177: {  	s12 =	rddreg [dreg:$0xe];
	[sflag:s25] =	ssyncadd.s32 $0xFFFFD800  }
0x178: {  	[spmem:s3] =	stream.indirect.scatter.add.f32 [tilespmem:s21], [sflag:$0x5], $0x80, s12, s18, $0xb8;
	v63 =	vld [tilespmem:$0x0]  }
0x179: {  	_ =	swait.ge [sflag:s16], $0x2800  }
0x17a: {  	[sflag:s16] =	ssyncset.done $0x0  }
0x17b: {  	s12 =	rddreg [dreg:$0xf];
	[sflag:s16] =	ssyncadd.s32 $0xFFFFD800  }
0x17c: {  	[tilespmem:s21], [sflag:$0x4] =	stream.indirect.gather [hbm4b:s2+s18], $0x80, s12, s18, $0xb8;
	v63 =	vld [tilespmem:$0x0]  }
0x17d: {  	_ =	swait.ge [sflag:s22], $0x2800  }
0x17e: {  	[sflag:s22] =	ssyncset.done $0x0  }
0x17f: {  	s12 =	rddreg [dreg:$0x10];
	[sflag:s22] =	ssyncadd.s32 $0xFFFFD800  }
0x180: {  	[spmem:s3] =	stream.indirect.scatter.add.f32 [tilespmem:s15], [sflag:$0x5], $0x80, s12, s18, $0xb8;
	v63 =	vld [tilespmem:$0x0]  }
0x181: {  	_ =	swait.ge [sflag:s16], $0x2800  }
0x182: {  	[sflag:s16] =	ssyncset.done $0x0  }
0x183: {  	s12 =	rddreg [dreg:$0x11];
	[sflag:s16] =	ssyncadd.s32 $0xFFFFD800  }
0x184: {  	[tilespmem:s15], [sflag:$0x1] =	stream.indirect.gather [hbm4b:s2+s18], $0x80, s12, s18, $0xb8;
	v63 =	vld [tilespmem:$0x0]  }
0x185: {  	_ =	swait.ge [sflag:s23], $0x2800  }
0x186: {  	[sflag:s23] =	ssyncset.done $0x0  }
0x187: {  	s12 =	rddreg [dreg:$0x12];
	[sflag:s23] =	ssyncadd.s32 $0xFFFFD800  }
0x188: {  	[spmem:s3] =	stream.indirect.scatter.add.f32 [tilespmem:s19], [sflag:$0x5], $0x80, s12, s18, $0xb8;
	v63 =	vld [tilespmem:$0x0]  }
0x189: {  	_ =	swait.ge [sflag:s16], $0x2800  }
0x18a: {  	[sflag:s16] =	ssyncset.done $0x0  }
0x18b: {  	s12 =	rddreg [dreg:$0x13];
	[sflag:s16] =	ssyncadd.s32 $0xFFFFD800  }
0x18c: {  	[tilespmem:s19], [sflag:$0x2] =	stream.indirect.gather [hbm4b:s2+s18], $0x80, s12, s18, $0xb8;
	v63 =	vld [tilespmem:$0x0]  }
0x18d: {  	_ =	swait.ge [sflag:s24], $0x2800  }
0x18e: {  	[sflag:s24] =	ssyncset.done $0x0  }
0x18f: {  	s12 =	rddreg [dreg:$0x14];
	[sflag:s24] =	ssyncadd.s32 $0xFFFFD800  }
0x190: {  	[spmem:s3] =	stream.indirect.scatter.add.f32 [tilespmem:s20], [sflag:$0x5], $0x80, s12, s18, $0xb8;
	v63 =	vld [tilespmem:$0x0]  }
0x191: {  	_ =	swait.ge [sflag:s16], $0x2800  }
0x192: {  	[sflag:s16] =	ssyncset.done $0x0  }
0x193: {  	s12 =	rddreg [dreg:$0x15];
	[sflag:s16] =	ssyncadd.s32 $0xFFFFD800  }
0x194: {  	[tilespmem:s20], [sflag:$0x3] =	stream.indirect.gather [hbm4b:s2+s18], $0x80, s12, s18, $0xb8;
	v63 =	vld [tilespmem:$0x0]  }
0x195: {  	_ =	swait.ge [sflag:s25], $0x2800  }
0x196: {  	[sflag:s25] =	ssyncset.done $0x0  }
0x197: {  	s12 =	rddreg [dreg:$0x16];
	[sflag:s25] =	ssyncadd.s32 $0xFFFFD800  }
0x198: {  	[spmem:s3] =	stream.indirect.scatter.add.f32 [tilespmem:s21], [sflag:$0x5], $0x80, s12, s18, $0xb8;
	v63 =	vld [tilespmem:$0x0]  }
0x199: {  	_ =	swait.ge [sflag:s16], $0x2800  }
0x19a: {  	[sflag:s16] =	ssyncset.done $0x0  }
0x19b: {  	s12 =	rddreg [dreg:$0x17];
	[sflag:s16] =	ssyncadd.s32 $0xFFFFD800  }
0x19c: {  	[tilespmem:s21], [sflag:$0x4] =	stream.indirect.gather [hbm4b:s2+s18], $0x80, s12, s18, $0xb8;
	v63 =	vld [tilespmem:$0x0]  }
0x19d: {  	_ =	swait.ge [sflag:s22], $0x2800  }
0x19e: {  	[sflag:s22] =	ssyncset.done $0x0  }
0x19f: {  	s12 =	rddreg [dreg:$0x18];
	[sflag:s22] =	ssyncadd.s32 $0xFFFFD800  }
0x1a0: {  	[spmem:s3] =	stream.indirect.scatter.add.f32 [tilespmem:s15], [sflag:$0x5], $0x80, s12, s18, $0xb8;
	v63 =	vld [tilespmem:$0x0]  }
0x1a1: {  	_ =	swait.ge [sflag:s16], $0x2800  }
0x1a2: {  	[sflag:s16] =	ssyncset.done $0x0  }
0x1a3: {  	s12 =	rddreg [dreg:$0x19];
	[sflag:s16] =	ssyncadd.s32 $0xFFFFD800  }
0x1a4: {  	[tilespmem:s15], [sflag:$0x1] =	stream.indirect.gather [hbm4b:s2+s18], $0x80, s12, s18, $0xb8;
	v63 =	vld [tilespmem:$0x0]  }
0x1a5: {  	_ =	swait.ge [sflag:s23], $0x2800  }
0x1a6: {  	[sflag:s23] =	ssyncset.done $0x0  }
0x1a7: {  	s12 =	rddreg [dreg:$0x1a];
	[sflag:s23] =	ssyncadd.s32 $0xFFFFD800  }
0x1a8: {  	[spmem:s3] =	stream.indirect.scatter.add.f32 [tilespmem:s19], [sflag:$0x5], $0x80, s12, s18, $0xb8;
	v63 =	vld [tilespmem:$0x0]  }
0x1a9: {  	_ =	swait.ge [sflag:s16], $0x2800  }
0x1aa: {  	[sflag:s16] =	ssyncset.done $0x0  }
0x1ab: {  	s12 =	rddreg [dreg:$0x1b];
	[sflag:s16] =	ssyncadd.s32 $0xFFFFD800  }
0x1ac: {  	[tilespmem:s19], [sflag:$0x2] =	stream.indirect.gather [hbm4b:s2+s18], $0x80, s12, s18, $0xb8;
	v63 =	vld [tilespmem:$0x0]  }
0x1ad: {  	_ =	swait.ge [sflag:s24], $0x2800  }
0x1ae: {  	[sflag:s24] =	ssyncset.done $0x0  }
0x1af: {  	s12 =	rddreg [dreg:$0x1c];
	[sflag:s24] =	ssyncadd.s32 $0xFFFFD800  }
0x1b0: {  	[spmem:s3] =	stream.indirect.scatter.add.f32 [tilespmem:s20], [sflag:$0x5], $0x80, s12, s18, $0xb8;
	v63 =	vld [tilespmem:$0x0]  }
0x1b1: {  	_ =	swait.ge [sflag:s16], $0x2800  }
0x1b2: {  	[sflag:s16] =	ssyncset.done $0x0  }
0x1b3: {  	s12 =	rddreg [dreg:$0x1d];
	[sflag:s16] =	ssyncadd.s32 $0xFFFFD800  }
0x1b4: {  	[tilespmem:s20], [sflag:$0x3] =	stream.indirect.gather [hbm4b:s2+s18], $0x80, s12, s18, $0xb8;
	v63 =	vld [tilespmem:$0x0]  }
0x1b5: {  	_ =	swait.ge [sflag:s25], $0x2800  }
0x1b6: {  	[sflag:s25] =	ssyncset.done $0x0  }
0x1b7: {  	s12 =	rddreg [dreg:$0x1e];
	[sflag:s25] =	ssyncadd.s32 $0xFFFFD800  }
0x1b8: {  	[spmem:s3] =	stream.indirect.scatter.add.f32 [tilespmem:s21], [sflag:$0x5], $0x80, s12, s18, $0xb8;
	v63 =	vld [tilespmem:$0x0]  }
0x1b9: {  	_ =	swait.ge [sflag:s16], $0x2800  }
0x1ba: {  	[sflag:s16] =	ssyncset.done $0x0  }
0x1bb: {  	s12 =	rddreg [dreg:$0x1f];
	[sflag:s16] =	ssyncadd.s32 $0xFFFFD800  }
0x1bc: {  	[tilespmem:s21], [sflag:$0x4] =	stream.indirect.gather [hbm4b:s2+s18], $0x80, s12, s18, $0xb8;
	v63 =	vld [tilespmem:$0x0]  }
0x1bd: {  	_ =	swait.ge [sflag:s22], $0x2800  }
0x1be: {  	s12 =	sld [smem:$0x7F5]  }
0x1bf: {  	[sflag:s22] =	ssyncset.done $0x0  }
0x1c0: {  	[sflag:s22] =	ssyncadd.s32 $0xFFFFD800  }
0x1c1: {  	[spmem:s3] =	stream.indirect.scatter.add.f32 [tilespmem:s15], [sflag:$0x5], $0x80, s12, s18, $0xb8;
	v63 =	vld [tilespmem:$0x0]  }
0x1c2: {  	_ =	swait.ge [sflag:s16], $0x2800  }
0x1c3: {  	s12 =	sld [smem:$0x7F6]  }
0x1c4: {  	[sflag:s16] =	ssyncset.done $0x0  }
0x1c5: {  	[sflag:s16] =	ssyncadd.s32 $0xFFFFD800  }
0x1c6: {  	[tilespmem:s15], [sflag:$0x1] =	stream.indirect.gather [hbm4b:s2+s18], $0x80, s12, s18, $0xb8;
	v63 =	vld [tilespmem:$0x0]  }
0x1c7: {  	_ =	swait.ge [sflag:s23], $0x2800  }
0x1c8: {  	s12 =	sld [smem:$0x7F7]  }
0x1c9: {  	[sflag:s23] =	ssyncset.done $0x0  }
0x1ca: {  	[sflag:s23] =	ssyncadd.s32 $0xFFFFD800  }
0x1cb: {  	[spmem:s3] =	stream.indirect.scatter.add.f32 [tilespmem:s19], [sflag:$0x5], $0x80, s12, s18, $0xb8;
	v63 =	vld [tilespmem:$0x0]  }
0x1cc: {  	_ =	swait.ge [sflag:s16], $0x2800  }
0x1cd: {  	s12 =	sld [smem:$0x7F8]  }
0x1ce: {  	[sflag:s16] =	ssyncset.done $0x0  }
0x1cf: {  	[sflag:s16] =	ssyncadd.s32 $0xFFFFD800  }
0x1d0: {  	[tilespmem:s19], [sflag:$0x2] =	stream.indirect.gather [hbm4b:s2+s18], $0x80, s12, s18, $0xb8;
	v63 =	vld [tilespmem:$0x0]  }
0x1d1: {  	_ =	swait.ge [sflag:s24], $0x2800  }
0x1d2: {  	s12 =	sld [smem:$0x7F9]  }
0x1d3: {  	[sflag:s24] =	ssyncset.done $0x0  }
0x1d4: {  	[sflag:s24] =	ssyncadd.s32 $0xFFFFD800  }
0x1d5: {  	[spmem:s3] =	stream.indirect.scatter.add.f32 [tilespmem:s20], [sflag:$0x5], $0x80, s12, s18, $0xb8;
	v63 =	vld [tilespmem:$0x0]  }
0x1d6: {  	_ =	swait.ge [sflag:s16], $0x2800  }
0x1d7: {  	s12 =	sld [smem:$0x7FA]  }
0x1d8: {  	[sflag:s16] =	ssyncset.done $0x0  }
0x1d9: {  	[sflag:s16] =	ssyncadd.s32 $0xFFFFD800  }
0x1da: {  	[tilespmem:s20], [sflag:$0x3] =	stream.indirect.gather [hbm4b:s2+s18], $0x80, s12, s18, $0xb8;
	v63 =	vld [tilespmem:$0x0]  }
0x1db: {  	_ =	swait.ge [sflag:s25], $0x2800  }
0x1dc: {  	s12 =	sld [smem:$0x7FB]  }
0x1dd: {  	[sflag:s25] =	ssyncset.done $0x0  }
0x1de: {  	[sflag:s25] =	ssyncadd.s32 $0xFFFFD800  }
0x1df: {  	[spmem:s3] =	stream.indirect.scatter.add.f32 [tilespmem:s21], [sflag:$0x5], $0x80, s12, s18, $0xb8;
	v63 =	vld [tilespmem:$0x0]  }
0x1e0: {  	_ =	swait.ge [sflag:s16], $0x2800  }
0x1e1: {  	s12 =	sld [smem:$0x7FC]  }
0x1e2: {  	[sflag:s16] =	ssyncset.done $0x0  }
0x1e3: {  	[sflag:s16] =	ssyncadd.s32 $0xFFFFD800  }
0x1e4: {  	[tilespmem:s21], [sflag:$0x4] =	stream.indirect.gather [hbm4b:s2+s18], $0x80, s12, s18, $0xb8;
	v63 =	vld [tilespmem:$0x0]  }
0x1e5: {  	_ =	swait.ge [sflag:s22], $0x2800  }
0x1e6: {  	s12 =	sld [smem:$0x7FD]  }
0x1e7: {  	[sflag:s22] =	ssyncset.done $0x0  }
0x1e8: {  	[sflag:s22] =	ssyncadd.s32 $0xFFFFD800  }
0x1e9: {  	[spmem:s3] =	stream.indirect.scatter.add.f32 [tilespmem:s15], [sflag:$0x5], $0x80, s12, s18, $0xb8;
	v63 =	vld [tilespmem:$0x0]  }
0x1ea: {  	_ =	swait.ge [sflag:s16], $0x2800  }
0x1eb: {  	[sflag:s16] =	ssyncset.done $0x0  }
0x1ec: {  	[sflag:s16] =	ssyncadd.s32 $0xFFFFD800  }
0x1ed: {  	[tilespmem:s15], [sflag:$0x1] =	stream.indirect.gather [hbm4b:s2+s18], $0x80, s26, s18, $0xb8;
	v63 =	vld [tilespmem:$0x0]  }
0x1ee: {  	_ =	swait.ge [sflag:s23], $0x2800  }
0x1ef: {  	[sflag:s23] =	ssyncset.done $0x0  }
0x1f0: {  	[sflag:s23] =	ssyncadd.s32 $0xFFFFD800  }
0x1f1: {  	[spmem:s3] =	stream.indirect.scatter.add.f32 [tilespmem:s19], [sflag:$0x5], $0x80, s28, s18, $0xb8;
	v63 =	vld [tilespmem:$0x0]  }
0x1f2: {  	_ =	swait.ge [sflag:s16], $0x2800  }
0x1f3: {  	[sflag:s16] =	ssyncset.done $0x0  }
0x1f4: {  	[sflag:s16] =	ssyncadd.s32 $0xFFFFD800  }
0x1f5: {  	[tilespmem:s19], [sflag:$0x2] =	stream.indirect.gather [hbm4b:s2+s18], $0x80, s29, s18, $0xb8;
	v63 =	vld [tilespmem:$0x0]  }
0x1f6: {  	_ =	swait.ge [sflag:s24], $0x2800  }
0x1f7: {  	[sflag:s24] =	ssyncset.done $0x0  }
0x1f8: {  	[sflag:s24] =	ssyncadd.s32 $0xFFFFD800  }
0x1f9: {  	[spmem:s3] =	stream.indirect.scatter.add.f32 [tilespmem:s20], [sflag:$0x5], $0x80, s30, s18, $0xb8;
	v63 =	vld [tilespmem:$0x0]  }
0x1fa: {  	_ =	swait.ge [sflag:s16], $0x2800  }
0x1fb: {  	[sflag:s16] =	ssyncset.done $0x0  }
0x1fc: {  	[sflag:s16] =	ssyncadd.s32 $0xFFFFD800  }
0x1fd: {  	[tilespmem:s20], [sflag:$0x3] =	stream.indirect.gather [hbm4b:s2+s18], $0x80, s31, s18, $0xb8;
	v63 =	vld [tilespmem:$0x0]  }
0x1fe: {  	_ =	swait.ge [sflag:s25], $0x2800  }
0x1ff: {  	[sflag:s25] =	ssyncset.done $0x0  }
0x200: {  	[sflag:s25] =	ssyncadd.s32 $0xFFFFD800  }
0x201: {  	[spmem:s3] =	stream.indirect.scatter.add.f32 [tilespmem:s21], [sflag:$0x5], $0x80, s1, s18, $0xb8;
	v63 =	vld [tilespmem:$0x0]  }
0x202: {  	_ =	swait.ge [sflag:s16], $0x2800  }
0x203: {  	[sflag:s16] =	ssyncset.done $0x0  }
0x204: {  	[sflag:s16] =	ssyncadd.s32 $0xFFFFD800  }
0x205: {  	[tilespmem:s21], [sflag:$0x4] =	stream.indirect.gather [hbm4b:s2+s18], $0x80, s0, s18, $0xb8;
	v63 =	vld [tilespmem:$0x0]  }
0x206: {  	_ =	swait.ge [sflag:s22], $0x2800  }
0x207: {  	[sflag:s22] =	ssyncset.done $0x0  }
0x208: {  	[sflag:s22] =	ssyncadd.s32 $0xFFFFD800  }
0x209: {  	[spmem:s3] =	stream.indirect.scatter.add.f32 [tilespmem:s15], [sflag:$0x5], $0x80, s5, s18, $0xb8;
	v63 =	vld [tilespmem:$0x0]  }
0x20a: {  	_ =	swait.ge [sflag:s16], $0x2800  }
0x20b: {  	[sflag:s16] =	ssyncset.done $0x0  }
0x20c: {  	[sflag:s16] =	ssyncadd.s32 $0xFFFFD800  }
0x20d: {  	[tilespmem:s15], [sflag:$0x1] =	stream.indirect.gather [hbm4b:s2+s18], $0x80, s7, s18, $0xb8;
	v63 =	vld [tilespmem:$0x0]  }
0x20e: {  	_ =	swait.ge [sflag:s23], $0x2800  }
0x20f: {  	[sflag:s23] =	ssyncset.done $0x0  }
0x210: {  	[sflag:s23] =	ssyncadd.s32 $0xFFFFD800  }
0x211: {  	[spmem:s3] =	stream.indirect.scatter.add.f32 [tilespmem:s19], [sflag:$0x5], $0x80, s8, s18, $0xb8;
	v63 =	vld [tilespmem:$0x0]  }
0x212: {  	_ =	swait.ge [sflag:s16], $0x2800  }
0x213: {  	[sflag:s16] =	ssyncset.done $0x0  }
0x214: {  	[sflag:s16] =	ssyncadd.s32 $0xFFFFD800  }
0x215: {  	_ =	swait.ge [sflag:s24], $0x2800  }
0x216: {  	[sflag:s24] =	ssyncset.done $0x0  }
0x217: {  	[sflag:s24] =	ssyncadd.s32 $0xFFFFD800  }
0x218: {  	[spmem:s3] =	stream.indirect.scatter.add.f32 [tilespmem:s20], [sflag:$0x5], $0x80, s9, s18, $0xb8;
	v63 =	vld [tilespmem:$0x0]  }
0x219: {  	_ =	swait.ge [sflag:s16], $0x2800  }
0x21a: {  	[sflag:s16] =	ssyncset.done $0x0  }
0x21b: {  	[sflag:s16] =	ssyncadd.s32 $0xFFFFD800  }
0x21c: {  	_ =	swait.ge [sflag:s25], $0x2800  }
0x21d: {  	[sflag:s25] =	ssyncset.done $0x0  }
0x21e: {  	[sflag:s25] =	ssyncadd.s32 $0xFFFFD800  }
0x21f: {  	[spmem:s3] =	stream.indirect.scatter.add.f32 [tilespmem:s21], [sflag:$0x5], $0x80, s10, s18, $0xb8;
	v63 =	vld [tilespmem:$0x0]  }
0x220: {  	_ =	swait.ge [sflag:s16], $0x2800  }
0x221: {  	[sflag:s16] =	ssyncset.done $0x0  }
0x222: {  	[sflag:s16] =	ssyncadd.s32 $0xFFFFD800  }
0x223: {  	p0 =	sne.s32 s14, $0x800;
	_ =	swait.ge [sflag:s22], $0x2800  }
.Ltmp1:
0x224: {  	[sflag:s22] =	ssyncset.done $0x0;
	(pc) =	sbr.rel @p0 .LBB2_4-.Ltmp1, $4  }
0x225: {  	[sflag:s22] =	ssyncadd.s32 $0xFFFFD800  }
0x226: {  	[spmem:s3] =	stream.indirect.scatter.add.f32 [tilespmem:s15], [sflag:$0x5], $0x80, s11, s18, $0xb8;
	v63 =	vld [tilespmem:$0x0]  }
0x227: {  	_ =	swait.ge [sflag:s16], $0x2800  }
0x228: {  	s14 =	sadd.s32 $0x200, s14;
	s6 =	rddreg [dreg:$0x5];
	[sflag:s16] =	ssyncset.done $0x0  }
0x229: {  	[sflag:s16] =	ssyncadd.s32 $0xFFFFD800;
	s6 =	sadd.s32 s13, s6  }
0x22a: {  	[tilespmem:s4], [sflag:$0x5] =	stream.linear.gather [hbm4b:s6+s4], $0xC80, $0x38;
	v63 =	vld [tilespmem:$0x0]  }
0x22b: {  	_ =	swait.ge [sflag:s16], $0xC80  }
0x22c: {  	s12 =	rddreg [dreg:$0x4];
	[sflag:s16] =	ssyncset.done $0x0  }
0x22d: {  	[sflag:s16] =	ssyncadd.s32 $0xFFFFF380;
	s6 =	sadd.s32 s13, s12  }
0x22e: {  	[tilespmem:s17], [sflag:$0x5] =	stream.linear.gather [hbm4b:s6+s4], $0xC80, $0x38;
	v63 =	vld [tilespmem:$0x0]  }
0x22f: {  	_ =	swait.ge [sflag:s16], $0xC80  }
0x230: {  	[sflag:s16] =	ssyncset.done $0x0  }
0x231: {  	[sflag:s16] =	ssyncadd.s32 $0xFFFFF380  }
0x232: {  	[tilespmem:s15], [sflag:$0x1] =	stream.indirect.gather [hbm4b:s2+s18], $0x80, s4, s18, $0xb8;
	v63 =	vld [tilespmem:$0x0]  }
0x233: {  	s13 =	rddreg [dreg:$0x6]  }
0x234: {  	[tilespmem:s19], [sflag:$0x2] =	stream.indirect.gather [hbm4b:s2+s18], $0x80, s13, s18, $0xb8;
	v63 =	vld [tilespmem:$0x0]  }
0x235: {  	s12 =	rddreg [dreg:$0x7]  }
0x236: {  	[tilespmem:s20], [sflag:$0x3] =	stream.indirect.gather [hbm4b:s2+s18], $0x80, s12, s18, $0xb8;
	v63 =	vld [tilespmem:$0x0]  }
0x237: {  	s14 =	rddreg [dreg:$0x8]  }
0x238: {  	[tilespmem:s21], [sflag:$0x4] =	stream.indirect.gather [hbm4b:s2+s18], $0x80, s14, s18, $0xb8;
	v63 =	vld [tilespmem:$0x0]  }
0x239: {  	_ =	swait.ge [sflag:s22], $0x2800  }
0x23a: {  	[sflag:s22] =	ssyncset.done $0x0  }
0x23b: {  	[sflag:s22] =	ssyncadd.s32 $0xFFFFD800  }
0x23c: {  	[spmem:s3] =	stream.indirect.scatter.add.f32 [tilespmem:s15], [sflag:$0x5], $0x80, s17, s18, $0xb8;
	v63 =	vld [tilespmem:$0x0]  }
0x23d: {  	_ =	swait.ge [sflag:s16], $0x2800  }
0x23e: {  	[sflag:s16] =	ssyncset.done $0x0  }
0x23f: {  	s13 =	rddreg [dreg:$0x9];
	[sflag:s16] =	ssyncadd.s32 $0xFFFFD800  }
0x240: {  	[tilespmem:s15], [sflag:$0x1] =	stream.indirect.gather [hbm4b:s2+s18], $0x80, s13, s18, $0xb8;
	v63 =	vld [tilespmem:$0x0]  }
0x241: {  	_ =	swait.ge [sflag:s23], $0x2800  }
0x242: {  	[sflag:s23] =	ssyncset.done $0x0  }
0x243: {  	s14 =	rddreg [dreg:$0xa];
	[sflag:s23] =	ssyncadd.s32 $0xFFFFD800  }
0x244: {  	[spmem:s3] =	stream.indirect.scatter.add.f32 [tilespmem:s19], [sflag:$0x5], $0x80, s14, s18, $0xb8;
	v63 =	vld [tilespmem:$0x0]  }
0x245: {  	_ =	swait.ge [sflag:s16], $0x2800  }
0x246: {  	[sflag:s16] =	ssyncset.done $0x0  }
0x247: {  	s12 =	rddreg [dreg:$0xb];
	[sflag:s16] =	ssyncadd.s32 $0xFFFFD800  }
0x248: {  	[tilespmem:s19], [sflag:$0x2] =	stream.indirect.gather [hbm4b:s2+s18], $0x80, s12, s18, $0xb8;
	v63 =	vld [tilespmem:$0x0]  }
0x249: {  	_ =	swait.ge [sflag:s24], $0x2800  }
0x24a: {  	[sflag:s24] =	ssyncset.done $0x0  }
0x24b: {  	s13 =	rddreg [dreg:$0xc];
	[sflag:s24] =	ssyncadd.s32 $0xFFFFD800  }
0x24c: {  	[spmem:s3] =	stream.indirect.scatter.add.f32 [tilespmem:s20], [sflag:$0x5], $0x80, s13, s18, $0xb8;
	v63 =	vld [tilespmem:$0x0]  }
0x24d: {  	_ =	swait.ge [sflag:s16], $0x2800  }
0x24e: {  	[sflag:s16] =	ssyncset.done $0x0  }
0x24f: {  	s14 =	rddreg [dreg:$0xd];
	[sflag:s16] =	ssyncadd.s32 $0xFFFFD800  }
0x250: {  	[tilespmem:s20], [sflag:$0x3] =	stream.indirect.gather [hbm4b:s2+s18], $0x80, s14, s18, $0xb8;
	v63 =	vld [tilespmem:$0x0]  }
0x251: {  	_ =	swait.ge [sflag:s25], $0x2800  }
0x252: {  	[sflag:s25] =	ssyncset.done $0x0  }
0x253: {  	s12 =	rddreg [dreg:$0xe];
	[sflag:s25] =	ssyncadd.s32 $0xFFFFD800  }
0x254: {  	[spmem:s3] =	stream.indirect.scatter.add.f32 [tilespmem:s21], [sflag:$0x5], $0x80, s12, s18, $0xb8;
	v63 =	vld [tilespmem:$0x0]  }
0x255: {  	_ =	swait.ge [sflag:s16], $0x2800  }
0x256: {  	[sflag:s16] =	ssyncset.done $0x0  }
0x257: {  	s13 =	rddreg [dreg:$0xf];
	[sflag:s16] =	ssyncadd.s32 $0xFFFFD800  }
0x258: {  	[tilespmem:s21], [sflag:$0x4] =	stream.indirect.gather [hbm4b:s2+s18], $0x80, s13, s18, $0xb8;
	v63 =	vld [tilespmem:$0x0]  }
0x259: {  	_ =	swait.ge [sflag:s22], $0x2800  }
0x25a: {  	[sflag:s22] =	ssyncset.done $0x0  }
0x25b: {  	s14 =	rddreg [dreg:$0x10];
	[sflag:s22] =	ssyncadd.s32 $0xFFFFD800  }
0x25c: {  	[spmem:s3] =	stream.indirect.scatter.add.f32 [tilespmem:s15], [sflag:$0x5], $0x80, s14, s18, $0xb8;
	v63 =	vld [tilespmem:$0x0]  }
0x25d: {  	_ =	swait.ge [sflag:s16], $0x2800  }
0x25e: {  	[sflag:s16] =	ssyncset.done $0x0  }
0x25f: {  	s12 =	rddreg [dreg:$0x11];
	[sflag:s16] =	ssyncadd.s32 $0xFFFFD800  }
0x260: {  	[tilespmem:s15], [sflag:$0x1] =	stream.indirect.gather [hbm4b:s2+s18], $0x80, s12, s18, $0xb8;
	v63 =	vld [tilespmem:$0x0]  }
0x261: {  	_ =	swait.ge [sflag:s23], $0x2800  }
0x262: {  	[sflag:s23] =	ssyncset.done $0x0  }
0x263: {  	s13 =	rddreg [dreg:$0x12];
	[sflag:s23] =	ssyncadd.s32 $0xFFFFD800  }
0x264: {  	[spmem:s3] =	stream.indirect.scatter.add.f32 [tilespmem:s19], [sflag:$0x5], $0x80, s13, s18, $0xb8;
	v63 =	vld [tilespmem:$0x0]  }
0x265: {  	_ =	swait.ge [sflag:s16], $0x2800  }
0x266: {  	[sflag:s16] =	ssyncset.done $0x0  }
0x267: {  	s14 =	rddreg [dreg:$0x13];
	[sflag:s16] =	ssyncadd.s32 $0xFFFFD800  }
0x268: {  	[tilespmem:s19], [sflag:$0x2] =	stream.indirect.gather [hbm4b:s2+s18], $0x80, s14, s18, $0xb8;
	v63 =	vld [tilespmem:$0x0]  }
0x269: {  	_ =	swait.ge [sflag:s24], $0x2800  }
0x26a: {  	[sflag:s24] =	ssyncset.done $0x0  }
0x26b: {  	s12 =	rddreg [dreg:$0x14];
	[sflag:s24] =	ssyncadd.s32 $0xFFFFD800  }
0x26c: {  	[spmem:s3] =	stream.indirect.scatter.add.f32 [tilespmem:s20], [sflag:$0x5], $0x80, s12, s18, $0xb8;
	v63 =	vld [tilespmem:$0x0]  }
0x26d: {  	_ =	swait.ge [sflag:s16], $0x2800  }
0x26e: {  	[sflag:s16] =	ssyncset.done $0x0  }
0x26f: {  	s13 =	rddreg [dreg:$0x15];
	[sflag:s16] =	ssyncadd.s32 $0xFFFFD800  }
0x270: {  	[tilespmem:s20], [sflag:$0x3] =	stream.indirect.gather [hbm4b:s2+s18], $0x80, s13, s18, $0xb8;
	v63 =	vld [tilespmem:$0x0]  }
0x271: {  	_ =	swait.ge [sflag:s25], $0x2800  }
0x272: {  	[sflag:s25] =	ssyncset.done $0x0  }
0x273: {  	s14 =	rddreg [dreg:$0x16];
	[sflag:s25] =	ssyncadd.s32 $0xFFFFD800  }
0x274: {  	[spmem:s3] =	stream.indirect.scatter.add.f32 [tilespmem:s21], [sflag:$0x5], $0x80, s14, s18, $0xb8;
	v63 =	vld [tilespmem:$0x0]  }
0x275: {  	_ =	swait.ge [sflag:s16], $0x2800  }
0x276: {  	[sflag:s16] =	ssyncset.done $0x0  }
0x277: {  	s12 =	rddreg [dreg:$0x17];
	[sflag:s16] =	ssyncadd.s32 $0xFFFFD800  }
0x278: {  	[tilespmem:s21], [sflag:$0x4] =	stream.indirect.gather [hbm4b:s2+s18], $0x80, s12, s18, $0xb8;
	v63 =	vld [tilespmem:$0x0]  }
0x279: {  	_ =	swait.ge [sflag:s22], $0x2800  }
0x27a: {  	[sflag:s22] =	ssyncset.done $0x0  }
0x27b: {  	s13 =	rddreg [dreg:$0x18];
	[sflag:s22] =	ssyncadd.s32 $0xFFFFD800  }
0x27c: {  	[spmem:s3] =	stream.indirect.scatter.add.f32 [tilespmem:s15], [sflag:$0x5], $0x80, s13, s18, $0xb8;
	v63 =	vld [tilespmem:$0x0]  }
0x27d: {  	_ =	swait.ge [sflag:s16], $0x2800  }
0x27e: {  	[sflag:s16] =	ssyncset.done $0x0  }
0x27f: {  	s14 =	rddreg [dreg:$0x19];
	[sflag:s16] =	ssyncadd.s32 $0xFFFFD800  }
0x280: {  	[tilespmem:s15], [sflag:$0x1] =	stream.indirect.gather [hbm4b:s2+s18], $0x80, s14, s18, $0xb8;
	v63 =	vld [tilespmem:$0x0]  }
0x281: {  	_ =	swait.ge [sflag:s23], $0x2800  }
0x282: {  	[sflag:s23] =	ssyncset.done $0x0  }
0x283: {  	s12 =	rddreg [dreg:$0x1a];
	[sflag:s23] =	ssyncadd.s32 $0xFFFFD800  }
0x284: {  	[spmem:s3] =	stream.indirect.scatter.add.f32 [tilespmem:s19], [sflag:$0x5], $0x80, s12, s18, $0xb8;
	v63 =	vld [tilespmem:$0x0]  }
0x285: {  	_ =	swait.ge [sflag:s16], $0x2800  }
0x286: {  	[sflag:s16] =	ssyncset.done $0x0  }
0x287: {  	s13 =	rddreg [dreg:$0x1b];
	[sflag:s16] =	ssyncadd.s32 $0xFFFFD800  }
0x288: {  	[tilespmem:s19], [sflag:$0x2] =	stream.indirect.gather [hbm4b:s2+s18], $0x80, s13, s18, $0xb8;
	v63 =	vld [tilespmem:$0x0]  }
0x289: {  	_ =	swait.ge [sflag:s24], $0x2800  }
0x28a: {  	[sflag:s24] =	ssyncset.done $0x0  }
0x28b: {  	s14 =	rddreg [dreg:$0x1c];
	[sflag:s24] =	ssyncadd.s32 $0xFFFFD800  }
0x28c: {  	[spmem:s3] =	stream.indirect.scatter.add.f32 [tilespmem:s20], [sflag:$0x5], $0x80, s14, s18, $0xb8;
	v63 =	vld [tilespmem:$0x0]  }
0x28d: {  	_ =	swait.ge [sflag:s16], $0x2800  }
0x28e: {  	[sflag:s16] =	ssyncset.done $0x0  }
0x28f: {  	s12 =	rddreg [dreg:$0x1d];
	[sflag:s16] =	ssyncadd.s32 $0xFFFFD800  }
0x290: {  	[tilespmem:s20], [sflag:$0x3] =	stream.indirect.gather [hbm4b:s2+s18], $0x80, s12, s18, $0xb8;
	v63 =	vld [tilespmem:$0x0]  }
0x291: {  	_ =	swait.ge [sflag:s25], $0x2800  }
0x292: {  	[sflag:s25] =	ssyncset.done $0x0  }
0x293: {  	s13 =	rddreg [dreg:$0x1e];
	[sflag:s25] =	ssyncadd.s32 $0xFFFFD800  }
0x294: {  	[spmem:s3] =	stream.indirect.scatter.add.f32 [tilespmem:s21], [sflag:$0x5], $0x80, s13, s18, $0xb8;
	v63 =	vld [tilespmem:$0x0]  }
0x295: {  	_ =	swait.ge [sflag:s16], $0x2800  }
0x296: {  	[sflag:s16] =	ssyncset.done $0x0  }
0x297: {  	s14 =	rddreg [dreg:$0x1f];
	[sflag:s16] =	ssyncadd.s32 $0xFFFFD800  }
0x298: {  	[tilespmem:s21], [sflag:$0x4] =	stream.indirect.gather [hbm4b:s2+s18], $0x80, s14, s18, $0xb8;
	v63 =	vld [tilespmem:$0x0]  }
0x299: {  	_ =	swait.ge [sflag:s22], $0x2800  }
0x29a: {  	s12 =	sld [smem:$0x7F5]  }
0x29b: {  	[sflag:s22] =	ssyncset.done $0x0  }
0x29c: {  	[sflag:s22] =	ssyncadd.s32 $0xFFFFD800  }
0x29d: {  	[spmem:s3] =	stream.indirect.scatter.add.f32 [tilespmem:s15], [sflag:$0x5], $0x80, s12, s18, $0xb8;
	v63 =	vld [tilespmem:$0x0]  }
0x29e: {  	_ =	swait.ge [sflag:s16], $0x2800  }
0x29f: {  	s13 =	sld [smem:$0x7F6]  }
0x2a0: {  	[sflag:s16] =	ssyncset.done $0x0  }
0x2a1: {  	[sflag:s16] =	ssyncadd.s32 $0xFFFFD800  }
0x2a2: {  	[tilespmem:s15], [sflag:$0x1] =	stream.indirect.gather [hbm4b:s2+s18], $0x80, s13, s18, $0xb8;
	v63 =	vld [tilespmem:$0x0]  }
0x2a3: {  	_ =	swait.ge [sflag:s23], $0x2800  }
0x2a4: {  	s14 =	sld [smem:$0x7F7]  }
0x2a5: {  	[sflag:s23] =	ssyncset.done $0x0  }
0x2a6: {  	[sflag:s23] =	ssyncadd.s32 $0xFFFFD800  }
0x2a7: {  	[spmem:s3] =	stream.indirect.scatter.add.f32 [tilespmem:s19], [sflag:$0x5], $0x80, s14, s18, $0xb8;
	v63 =	vld [tilespmem:$0x0]  }
0x2a8: {  	_ =	swait.ge [sflag:s16], $0x2800  }
0x2a9: {  	s12 =	sld [smem:$0x7F8]  }
0x2aa: {  	[sflag:s16] =	ssyncset.done $0x0  }
0x2ab: {  	[sflag:s16] =	ssyncadd.s32 $0xFFFFD800  }
0x2ac: {  	[tilespmem:s19], [sflag:$0x2] =	stream.indirect.gather [hbm4b:s2+s18], $0x80, s12, s18, $0xb8;
	v63 =	vld [tilespmem:$0x0]  }
0x2ad: {  	_ =	swait.ge [sflag:s24], $0x2800  }
0x2ae: {  	s13 =	sld [smem:$0x7F9]  }
0x2af: {  	[sflag:s24] =	ssyncset.done $0x0  }
0x2b0: {  	[sflag:s24] =	ssyncadd.s32 $0xFFFFD800  }
0x2b1: {  	[spmem:s3] =	stream.indirect.scatter.add.f32 [tilespmem:s20], [sflag:$0x5], $0x80, s13, s18, $0xb8;
	v63 =	vld [tilespmem:$0x0]  }
0x2b2: {  	_ =	swait.ge [sflag:s16], $0x2800  }
0x2b3: {  	s14 =	sld [smem:$0x7FA]  }
0x2b4: {  	[sflag:s16] =	ssyncset.done $0x0  }
0x2b5: {  	[sflag:s16] =	ssyncadd.s32 $0xFFFFD800  }
0x2b6: {  	[tilespmem:s20], [sflag:$0x3] =	stream.indirect.gather [hbm4b:s2+s18], $0x80, s14, s18, $0xb8;
	v63 =	vld [tilespmem:$0x0]  }
0x2b7: {  	_ =	swait.ge [sflag:s25], $0x2800  }
0x2b8: {  	s12 =	sld [smem:$0x7FB]  }
0x2b9: {  	[sflag:s25] =	ssyncset.done $0x0  }
0x2ba: {  	[sflag:s25] =	ssyncadd.s32 $0xFFFFD800  }
0x2bb: {  	[spmem:s3] =	stream.indirect.scatter.add.f32 [tilespmem:s21], [sflag:$0x5], $0x80, s12, s18, $0xb8;
	v63 =	vld [tilespmem:$0x0]  }
0x2bc: {  	_ =	swait.ge [sflag:s16], $0x2800  }
0x2bd: {  	s13 =	sld [smem:$0x7FC]  }
0x2be: {  	[sflag:s16] =	ssyncset.done $0x0  }
0x2bf: {  	[sflag:s16] =	ssyncadd.s32 $0xFFFFD800  }
0x2c0: {  	[tilespmem:s21], [sflag:$0x4] =	stream.indirect.gather [hbm4b:s2+s18], $0x80, s13, s18, $0xb8;
	v63 =	vld [tilespmem:$0x0]  }
0x2c1: {  	_ =	swait.ge [sflag:s22], $0x2800  }
0x2c2: {  	s14 =	sld [smem:$0x7FD]  }
0x2c3: {  	[sflag:s22] =	ssyncset.done $0x0  }
0x2c4: {  	[sflag:s22] =	ssyncadd.s32 $0xFFFFD800  }
0x2c5: {  	[spmem:s3] =	stream.indirect.scatter.add.f32 [tilespmem:s15], [sflag:$0x5], $0x80, s14, s18, $0xb8;
	v63 =	vld [tilespmem:$0x0]  }
0x2c6: {  	_ =	swait.ge [sflag:s16], $0x2800  }
0x2c7: {  	[sflag:s16] =	ssyncset.done $0x0  }
0x2c8: {  	[sflag:s16] =	ssyncadd.s32 $0xFFFFD800  }
0x2c9: {  	[tilespmem:s15], [sflag:$0x1] =	stream.indirect.gather [hbm4b:s2+s18], $0x80, s26, s18, $0xb8;
	v63 =	vld [tilespmem:$0x0]  }
0x2ca: {  	_ =	swait.ge [sflag:s23], $0x2800  }
0x2cb: {  	[sflag:s23] =	ssyncset.done $0x0  }
0x2cc: {  	[sflag:s23] =	ssyncadd.s32 $0xFFFFD800  }
0x2cd: {  	[spmem:s3] =	stream.indirect.scatter.add.f32 [tilespmem:s19], [sflag:$0x5], $0x80, s28, s18, $0xb8;
	v63 =	vld [tilespmem:$0x0]  }
0x2ce: {  	_ =	swait.ge [sflag:s16], $0x2800  }
0x2cf: {  	[sflag:s16] =	ssyncset.done $0x0  }
0x2d0: {  	[sflag:s16] =	ssyncadd.s32 $0xFFFFD800  }
0x2d1: {  	[tilespmem:s19], [sflag:$0x2] =	stream.indirect.gather [hbm4b:s2+s18], $0x80, s29, s18, $0xb8;
	v63 =	vld [tilespmem:$0x0]  }
0x2d2: {  	_ =	swait.ge [sflag:s24], $0x2800  }
0x2d3: {  	[sflag:s24] =	ssyncset.done $0x0  }
0x2d4: {  	[sflag:s24] =	ssyncadd.s32 $0xFFFFD800  }
0x2d5: {  	[spmem:s3] =	stream.indirect.scatter.add.f32 [tilespmem:s20], [sflag:$0x5], $0x80, s30, s18, $0xb8;
	v63 =	vld [tilespmem:$0x0]  }
0x2d6: {  	_ =	swait.ge [sflag:s16], $0x2800  }
0x2d7: {  	[sflag:s16] =	ssyncset.done $0x0  }
0x2d8: {  	[sflag:s16] =	ssyncadd.s32 $0xFFFFD800  }
0x2d9: {  	[tilespmem:s20], [sflag:$0x3] =	stream.indirect.gather [hbm4b:s2+s18], $0x80, s31, s18, $0xb8;
	v63 =	vld [tilespmem:$0x0]  }
0x2da: {  	_ =	swait.ge [sflag:s25], $0x2800  }
0x2db: {  	[sflag:s25] =	ssyncset.done $0x0  }
0x2dc: {  	[sflag:s25] =	ssyncadd.s32 $0xFFFFD800  }
0x2dd: {  	[spmem:s3] =	stream.indirect.scatter.add.f32 [tilespmem:s21], [sflag:$0x5], $0x80, s1, s18, $0xb8;
	v63 =	vld [tilespmem:$0x0]  }
0x2de: {  	_ =	swait.ge [sflag:s16], $0x2800  }
0x2df: {  	[sflag:s16] =	ssyncset.done $0x0  }
0x2e0: {  	[sflag:s16] =	ssyncadd.s32 $0xFFFFD800  }
0x2e1: {  	[tilespmem:s21], [sflag:$0x4] =	stream.indirect.gather [hbm4b:s2+s18], $0x80, s0, s18, $0xb8;
	v63 =	vld [tilespmem:$0x0]  }
0x2e2: {  	_ =	swait.ge [sflag:s22], $0x2800  }
0x2e3: {  	[sflag:s22] =	ssyncset.done $0x0  }
0x2e4: {  	[sflag:s22] =	ssyncadd.s32 $0xFFFFD800  }
0x2e5: {  	[spmem:s3] =	stream.indirect.scatter.add.f32 [tilespmem:s15], [sflag:$0x5], $0x80, s5, s18, $0xb8;
	v63 =	vld [tilespmem:$0x0]  }
0x2e6: {  	_ =	swait.ge [sflag:s16], $0x2800  }
0x2e7: {  	[sflag:s16] =	ssyncset.done $0x0  }
0x2e8: {  	[sflag:s16] =	ssyncadd.s32 $0xFFFFD800  }
0x2e9: {  	[tilespmem:s15], [sflag:$0x1] =	stream.indirect.gather [hbm4b:s2+s18], $0x80, s7, s18, $0xb8;
	v63 =	vld [tilespmem:$0x0]  }
0x2ea: {  	_ =	swait.ge [sflag:s23], $0x2800  }
0x2eb: {  	[sflag:s23] =	ssyncset.done $0x0  }
0x2ec: {  	[sflag:s23] =	ssyncadd.s32 $0xFFFFD800  }
0x2ed: {  	[spmem:s3] =	stream.indirect.scatter.add.f32 [tilespmem:s19], [sflag:$0x5], $0x80, s8, s18, $0xb8;
	v63 =	vld [tilespmem:$0x0]  }
0x2ee: {  	_ =	swait.ge [sflag:s16], $0x2800  }
0x2ef: {  	[sflag:s16] =	ssyncset.done $0x0  }
0x2f0: {  	[sflag:s16] =	ssyncadd.s32 $0xFFFFD800  }
0x2f1: {  	_ =	swait.ge [sflag:s24], $0x2800  }
0x2f2: {  	[sflag:s24] =	ssyncset.done $0x0  }
0x2f3: {  	[sflag:s24] =	ssyncadd.s32 $0xFFFFD800  }
0x2f4: {  	[spmem:s3] =	stream.indirect.scatter.add.f32 [tilespmem:s20], [sflag:$0x5], $0x80, s9, s18, $0xb8;
	v63 =	vld [tilespmem:$0x0]  }
0x2f5: {  	_ =	swait.ge [sflag:s16], $0x2800  }
0x2f6: {  	[sflag:s16] =	ssyncset.done $0x0  }
0x2f7: {  	[sflag:s16] =	ssyncadd.s32 $0xFFFFD800  }
0x2f8: {  	_ =	swait.ge [sflag:s25], $0x2800  }
0x2f9: {  	[sflag:s25] =	ssyncset.done $0x0  }
0x2fa: {  	[sflag:s25] =	ssyncadd.s32 $0xFFFFD800  }
0x2fb: {  	[spmem:s3] =	stream.indirect.scatter.add.f32 [tilespmem:s21], [sflag:$0x5], $0x80, s10, s18, $0xb8;
	v63 =	vld [tilespmem:$0x0]  }
0x2fc: {  	_ =	swait.ge [sflag:s16], $0x2800  }
0x2fd: {  	[sflag:s16] =	ssyncset.done $0x0  }
0x2fe: {  	[sflag:s16] =	ssyncadd.s32 $0xFFFFD800  }
0x2ff: {  	_ =	swait.ge [sflag:s22], $0x2800  }
0x300: {  	[sflag:s22] =	ssyncset.done $0x0  }
0x301: {  	[sflag:s22] =	ssyncadd.s32 $0xFFFFD800  }
0x302: {  	[spmem:s3] =	stream.indirect.scatter.add.f32 [tilespmem:s15], [sflag:$0x5], $0x80, s11, s18, $0xb8;
	v63 =	vld [tilespmem:$0x0]  }
0x303: {  	_ =	swait.ge [sflag:s16], $0x2800  }
0x304: {  	[sflag:s16] =	ssyncset.done $0x0  }
0x305: {  	[sflag:s16] =	ssyncadd.s32 $0xFFFFD800  }
0x306: {  	[bflag:$0x0] =	sbarrier.arrive $0xFFFF  }
0x307: {  	s13 =	sld [smem:$0x7F3]  }
0x308: {  	s12 =	stileid.u32;
	s14 =	sld [smem:$0x7EB]  }
0x309: {  	s6 =	sshll.u32 s12, $0x6  }
0x30a: {  	s6 =	sor.u32 $0x1C05, s6;
	s12 =	sshrl.u32 s13, $0x3  }
0x30b: {  	[hbm:s14], [sflag:s6] =	dma.local [spmem:s12], $0x2800  }
0x30c: {  	_ =	swait.ge [sflag:s16], $0x2800  }
0x30d: {  	s13 =	sld [smem:$0x7EA]  }
0x30e: {  	s14 =	sld [smem:$0x7EC];
	_ =	sdelay $0x1  }
0x30f: {  	s12 =	sadd.s32 $0x1, s13  }
0x310: {  	p0 =	sne.s32 s12, s14  }
.Ltmp2:
0x311: {  	_ = 	snop;
	(pc) =	sbr.rel @p0 .LBB2_1-.Ltmp2, $3  }
0x312: {  	_ =	sdelay $0x1  }
0x313: {  	[sflag:s16] =	ssyncset.done $0x0  }
0x314: {  	[sflag:s16] =	ssyncadd.s32 $0xFFFFD800  }
0x315: {  	_ =	sfence.sel $0x180000  }
0x316: {  	[bflag:$0x0] =	sbarrier.arrive $0xFFFF  }
0x317: {  	_ =	strace $0x9000004A  }
0x318: {  	s0 =	stileid.u32;
	[bflag:$0x2] =	sbarrier.arrive $0xFFFF  }
0x319: {  	p0 =	sne.s32 s0, $0x0;
	s0 =	rddreg [dreg:$0x3]  }
0x31a: {  	s0 =	sadd.s32 @!p0 $0x100000, s0  }
0x31b: {  	[sflag:s0] =	ssyncadd.tile.s32 @!p0 $0x1;
	_ =	shalt  }
.Lfunc_end2:
_tile_overlayer_lowered:
.L_overlay_start_2:
0x31c: {  	(tag) =	ssettag $0x2  }
0x31d: {  	s0 =	rddreg [dreg:$0x0];
	s2 =	stileid.u32  }
0x31e: {  	s1 =	rddreg [dreg:$0x1];
	p0 =	sne.s32 s2, $0x0  }
0x31f: {  	s3 =	rddreg [dreg:$0x2];
	[bflag:$0x3] =	sbarrier.arrive $0xFFFF;
	s2 =	simm.s32 @!p0 $0x1C05  }
0x320: {  	[timem:s3], [sflag:s2] =	dma.local @!p0 [hbm:s0], s1  }
0x321: {  	s0 =	simm.s32 @!p0 $0x5  }
0x322: {  	_ =	swait.ge @!p0 [sflag:s0], s1  }
0x323: {  	s1 =	ssub.s32 @!p0 $0x0, s1;
	[sflag:s0] =	ssyncset.done @!p0 $0x0  }
0x324: {  	[sflag:s0] =	ssyncadd.s32 @!p0 s1  }
0x325: {  	[bflag:$0x3] =	sbarrier.arrive $0xFFFF  }
0x326: {  	_ =	shalt  }

</sc_bundles>
